<compile_context>
chip_gen: v7x
topology: tpu7x:2x2x1
jax: 0.10.2.dev20260603
libtpu: 0.0.44.dev20260713+nightly
codegen_flags: <defaults>
</compile_context>

<pallas_src>
import functools

import jax
import jax.numpy as jnp
from jax import lax
from jax.experimental import pallas as pl
from jax.experimental.pallas import tpu as pltpu
from jax.experimental.pallas import tpu_sc as plsc

NG = 5882
NL = 16384
E = NL
D = 256
OUT = 78

NC = 2
NS = 16
NW = NC * NS
CHUNK = 128
NCHUNKS = 2


def _sc_gather(feats, src):
  ne = src.shape[0]
  rows_per_w = (2 * ne) // NW
  nchunk = rows_per_w // CHUNK
  mesh = plsc.VectorSubcoreMesh(core_axis_name="c", subcore_axis_name="s")

  @functools.partial(
      pl.kernel, mesh=mesh,
      out_type=jax.ShapeDtypeStruct((2, ne, D), jnp.float32),
      scratch_types=[
          pltpu.VMEM((CHUNK,), jnp.int32),
          pltpu.VMEM((CHUNK,), jnp.int32),
          pltpu.VMEM((CHUNK, D), jnp.float32),
          pltpu.VMEM((CHUNK, D), jnp.float32),
          pltpu.SemaphoreType.DMA,
          pltpu.SemaphoreType.DMA,
      ],
  )
  def gather_k(feats_hbm, src_hbm, out_hbm, idx0, idx1, rows0, rows1,
               sem_g, sem_w):
    wid = lax.axis_index("s") * NC + lax.axis_index("c")
    b = wid // NS
    p = wid % NS
    off = (b * NG).astype(jnp.int32)
    ebase = p * rows_per_w
    idx = (idx0, idx1)
    rows = (rows0, rows1)

    def load_idx(c):
      iv = idx[c % 2]
      pltpu.sync_copy(src_hbm.at[pl.ds(ebase + c * CHUNK, CHUNK)], iv)
      for j in range(CHUNK // 16):
        iv[pl.ds(j * 16, 16)] = iv[pl.ds(j * 16, 16)] + off

    def gather(c):
      return pltpu.async_copy(feats_hbm.at[idx[c % 2]], rows[c % 2], sem_g)

    def writeout(c):
      return pltpu.async_copy(
          rows[c % 2], out_hbm.at[b, pl.ds(ebase + c * CHUNK, CHUNK)], sem_w)

    load_idx(0)
    hg = [gather(0)]
    if nchunk > 1:
      load_idx(1)
      hg.append(gather(1))
    hw = [None] * nchunk
    for c in range(nchunk):
      hg[c].wait()
      hw[c] = writeout(c)
      if c + 2 < nchunk:
        hw[c].wait()
        load_idx(c + 2)
        hg.append(gather(c + 2))
    for c in range(max(0, nchunk - 2), nchunk):
      hw[c].wait()

  return gather_k(feats, src)


def _ln(x, g, b):
  mu = jnp.mean(x, axis=-1, keepdims=True)
  xc = x - mu
  var = jnp.mean(xc * xc, axis=-1, keepdims=True)
  return xc * lax.rsqrt(var + 1e-5) * g + b


def _dot(a, b):
  return jnp.dot(a, b, preferred_element_type=jnp.float32)


def _fused_body(g_ref, ear_ref, *rs):
  o_ref = rs[-1]
  scale_ref = rs[31]
  (W0e, b0e, W1e, b1e, W2e, b2e, ge, be,
   A1, C1, b1p, W2p, b2p, W3p, b3p, gp, bp,
   N1, bn1, N2, bn2, N3, bn3, gn, bnn,
   D1, bd1, D2, bd2, D3, bd3) = [r[...] for r in rs[:31]]

  R = ear_ref.shape[0]
  ear = ear_ref[...]
  t = jnp.maximum(_dot(ear, W0e) + b0e, 0.)
  t = jnp.maximum(_dot(t, W1e) + b1e, 0.)
  ea = _ln(_dot(t, W2e) + b2e, ge, be)

  u = g_ref[...].reshape(2 * R, D)
  pe = _dot(ea, C1) + b1p
  pe2 = jnp.concatenate([pe, pe], axis=0)
  h = jnp.maximum(_dot(u, A1) + pe2, 0.)
  h = jnp.maximum(_dot(h, W2p) + b2p, 0.)
  h = _ln(_dot(h, W3p) + b3p, gp, bp) + jnp.concatenate([ea, ea], axis=0)

  m = jnp.maximum(_dot(h, N1) + bn1, 0.)
  m = jnp.maximum(_dot(m, N2) + bn2, 0.)
  m = _ln(_dot(m, N3) + bn3, gn, bnn)

  d = jnp.maximum(_dot(m, D1) + bd1, 0.)
  d = jnp.maximum(_dot(d, D2) + bd2, 0.)
  o = (_dot(d, D3) + bd3) * scale_ref[0, 0]
  o_ref[...] = o.reshape(2, R, OUT)


def _fused_tc(g3, ear, ws, scale, k, acc=None, block_r=2048):
  ne = g3.shape[1]
  nblk = ne // block_r
  base = k * nblk
  in_specs = [
      pl.BlockSpec((2, block_r, D), lambda i: (0, i, 0)),
      pl.BlockSpec((block_r, 2), lambda i: (i, 0)),
  ]
  for w in ws:
    in_specs.append(pl.BlockSpec(w.shape, lambda i, n=w.ndim: (0,) * n))
  in_specs.append(pl.BlockSpec((1, 1), lambda i: (0, 0)))
  args = [g3, ear, *ws, scale]
  io_alias = {}
  if acc is not None:
    in_specs.append(pl.BlockSpec(memory_space=pl.ANY))
    args.append(acc)
    io_alias = {len(args) - 1: 0}
  return pl.pallas_call(
      _fused_body,
      grid=(nblk,),
      in_specs=in_specs,
      out_specs=pl.BlockSpec((2, block_r, OUT), lambda i, b=base: (0, b + i, 0)),
      out_shape=jax.ShapeDtypeStruct((2, NL, OUT), jnp.float32),
      input_output_aliases=io_alias,
  )(*args)


def kernel(processor_features, edge_attr_raw, ee, ep, npp, nd, edge_index,
           batch_size, latlon_nodes):
  pf = processor_features.astype(jnp.float32)
  src = edge_index[0].astype(jnp.int32)

  r = lambda b: b.reshape(1, -1)
  ws = (
      ee[0], r(ee[1]), ee[2], r(ee[3]), ee[4], r(ee[5]), r(ee[6]), r(ee[7]),
      ep[0][:D], ep[0][2 * D:], r(ep[1]), ep[2], r(ep[3]), ep[4], r(ep[5]),
      r(ep[6]), r(ep[7]),
      npp[0][D:], r(npp[1]), npp[2], r(npp[3]), npp[4], r(npp[5]),
      r(npp[6]), r(npp[7]),
      nd[0], r(nd[1]), nd[2], r(nd[3]), nd[4], r(nd[5]),
  )
  scale = jnp.asarray((batch_size - 2) + 1, jnp.float32).reshape(1, 1)
  nck = E // NCHUNKS
  gs = []
  for k in range(NCHUNKS):
    src_k = lax.slice(src, (k * nck,), ((k + 1) * nck,))
    gs.append(_sc_gather(pf, src_k))
  acc = None
  for k in range(NCHUNKS):
    ear_k = lax.slice(edge_attr_raw, (k * nck, 0), ((k + 1) * nck, 2))
    acc = _fused_tc(gs[k], ear_k, ws, scale, k, acc)
  return acc

# --- scband reference (transcript-rebuilt; emitter-appended) ---
"""Pipeline reference for scband-assimilator-decoder-15788299780425 (READ-ONLY COPY).

The authoritative reference and input builder live on the scoring server;
editing this copy changes nothing except your own understanding.
"""

import jax, jax.numpy as jnp
import numpy as np

NG = 5882
NL = 16384
E = NL
B = 2
D = 256
HID = 256
DEC_H = 128
OUT = 78


def _mlp_init(key, in_dim, hid, out_dim, with_ln):
    ks = jax.random.split(key, 3)
    dims = [(in_dim, hid), (hid, hid), (hid, out_dim)]
    p = []
    for k, (i, o) in zip(ks, dims):
        p.append(jax.random.normal(k, (i, o), jnp.float32) / np.sqrt(i))
        p.append(jnp.zeros((o,), jnp.float32))
    if with_ln:
        p.append(jnp.ones((out_dim,), jnp.float32))
        p.append(jnp.zeros((out_dim,), jnp.float32))
    return p


def _mlp_apply(p, x):
    x = jax.nn.relu(x @ p[0] + p[1])
    x = jax.nn.relu(x @ p[2] + p[3])
    x = x @ p[4] + p[5]
    if len(p) == 8:
        mu = jnp.mean(x, axis=-1, keepdims=True)
        var = jnp.var(x, axis=-1, keepdims=True)
        x = (x - mu) / jnp.sqrt(var + 1e-5) * p[6] + p[7]
    return x


def setup_inputs(seed: int = 0):
    key = jax.random.key(seed)
    k = jax.random.split(key, 8)
    pf = jax.random.normal(k[0], (B * NG, D), jnp.float32)
    ang = jax.random.uniform(k[1], (E,), jnp.float32, 0.0, np.pi)
    ear = jnp.stack([jnp.sin(ang), jnp.cos(ang)], axis=-1)  # graph.edge_attr [E,2]
    src = jax.random.randint(k[2], (E,), 0, NG)
    dst = NG + jnp.arange(NL)
    edge_index = jnp.stack([src, dst]).astype(jnp.int64)  # [2,E], max = NG+NL-1
    ee = _mlp_init(k[3], 2, HID, 256, True)            # edge_encoder MLP(2,256,256,2,LN)
    ep = _mlp_init(k[4], 2 * D + 256, HID, 256, True)  # EdgeProcessor MLP
    npp = _mlp_init(k[5], D + 256, HID, D, True)       # NodeProcessor MLP
    nd = _mlp_init(k[6], D, DEC_H, OUT, False)         # node_decoder MLP(256,78,128,2,None)
    latlon_nodes = jnp.zeros((NL, D), jnp.float32)
    return {"processor_features": pf, "edge_attr_raw": ear, "ee": ee, "ep": ep,
            "npp": npp, "nd": nd, "edge_index": edge_index, "batch_size": B,
            "latlon_nodes": latlon_nodes}


def reference(processor_features, edge_attr_raw, ee, ep, npp, nd, edge_index, batch_size, latlon_nodes):
    bs = processor_features.shape[0] // NG
    ea = _mlp_apply(ee, edge_attr_raw)                 # [E,256]
    ea_b = jnp.tile(ea, (bs, 1))                       # 'e f -> (repeat e) f'
    off = jnp.max(edge_index) + 1                      # i*max(ei)+i == i*(max+1)
    bei = jnp.concatenate([edge_index + i * off for i in range(bs)], axis=1)
    feats = processor_features.reshape(bs, NG, D)
    ll = jnp.broadcast_to(latlon_nodes[None], (bs, NL, D))
    x = jnp.concatenate([feats, ll], axis=1).reshape(bs * (NG + NL), D)
    row, col = bei[0], bei[1]
    e_in = jnp.concatenate([x[row], x[col], ea_b], axis=-1)
    e_out = _mlp_apply(ep, e_in) + ea_b                # EdgeProcessor w/ residual
    agg = jax.ops.segment_sum(e_out, col, num_segments=bs * (NG + NL))
    n_out = _mlp_apply(npp, jnp.concatenate([x, agg], axis=-1)) + x  # NodeProcessor w/ residual
    out = _mlp_apply(nd, n_out).reshape(bs, NG + NL, OUT)
    out = out * ((batch_size - bs) + 1)
    return out[:, NG:, :]                              # split -> lat/lon nodes only

if __name__ == "__main__":
    import jax
    _d = setup_inputs()
    print(jax.jit(kernel)(*tuple(_d.values())))

</pallas_src>

<mosaic_0001>
#map = affine_map<(d0, d1) -> (0, 0)>
#map1 = affine_map<(d0, d1) -> (0)>
#map2 = affine_map<(d0, d1) -> (0, 0, 0)>
module attributes {stable_mosaic.version = 14 : i64} {
  func.func @gather_k(%arg0: i32, %arg1: i32, %arg2: memref<11764x256xf32, #tpu.memory_space<hbm>>, %arg3: memref<8192xi32, #tpu.memory_space<hbm>>, %arg4: memref<2x8192x256xf32, #tpu.memory_space<hbm>>, %arg5: memref<128xi32, #tpu.memory_space<vmem>>, %arg6: memref<128xi32, #tpu.memory_space<vmem>>, %arg7: memref<128x256xf32, #tpu.memory_space<vmem>>, %arg8: memref<128x256xf32, #tpu.memory_space<vmem>>, %arg9: memref<!tpu.dma_semaphore, #tpu.memory_space<semaphore_mem>>, %arg10: memref<!tpu.dma_semaphore, #tpu.memory_space<semaphore_mem>>) attributes {dimension_semantics = [#tpu.dimension_semantics<core_parallel>, #tpu.dimension_semantics<subcore_parallel>], iteration_bounds = array<i64: 2, 16>, scalar_prefetch = 0 : i64, scratch_operands = 6 : i64, tpu.core_type = #tpu.core_type<sc_vector_subcore>, window_params = [{transform_indices = #map}, {transform_indices = #map1}, {transform_indices = #map2}]} {
    %mul3A = arith.constant 2 : i32
    %mul3A_0 = arith.muli %arg1, %mul3A : i32
    %add3A = arith.addi %mul3A_0, %arg0 : i32
    %jit3A = arith.constant 16 : i32
    %div3A = arith.divsi %add3A, %jit3A : i32
    %sign3A = arith.constant 0 : i32
    %sign3A_1 = arith.cmpi sgt, %add3A, %sign3A : i32
    %sign3A_2 = arith.extui %sign3A_1 : i1 to i32
    %sign3A_3 = arith.constant 0 : i32
    %sign3A_4 = arith.cmpi slt, %add3A, %sign3A_3 : i32
    %sign3A_5 = arith.extui %sign3A_4 : i1 to i32
    %sign3A_6 = arith.subi %sign3A_2, %sign3A_5 : i32
    %sign3A_7 = arith.constant 0 : i32
    %sign3A_8 = arith.cmpi sgt, %jit3A, %sign3A_7 : i32
    %sign3A_9 = arith.extui %sign3A_8 : i1 to i32
    %sign3A_10 = arith.constant 0 : i32
    %sign3A_11 = arith.cmpi slt, %jit3A, %sign3A_10 : i32
    %sign3A_12 = arith.extui %sign3A_11 : i1 to i32
    %sign3A_13 = arith.subi %sign3A_9, %sign3A_12 : i32
    %ne3A = arith.cmpi ne, %sign3A_6, %sign3A_13 : i32
    %rem3A = arith.remsi %add3A, %jit3A : i32
    %ne3A_14 = arith.constant 0 : i32
    %ne3A_15 = arith.cmpi ne, %rem3A, %ne3A_14 : i32
    %and3A = arith.andi %ne3A, %ne3A_15 : i1
    %sub3A = arith.constant 1 : i32
    %sub3A_16 = arith.subi %div3A, %sub3A : i32
    %select_n3A = arith.select %and3A, %sub3A_16, %div3A : i32
    %jit3A_17 = arith.constant 16 : i32
    %eq3A = arith.constant 0 : i32
    %eq3A_18 = arith.cmpi eq, %jit3A_17, %eq3A : i32
    %jit3A_19 = arith.constant 1 : i32
    %select_n3A_20 = arith.select %eq3A_18, %jit3A_19, %jit3A_17 : i32
    %rem3A_21 = arith.remsi %add3A, %select_n3A_20 : i32
    %ne3A_22 = arith.constant 0 : i32
    %ne3A_23 = arith.cmpi ne, %rem3A_21, %ne3A_22 : i32
    %lt3A = arith.constant 0 : i32
    %lt3A_24 = arith.cmpi slt, %rem3A_21, %lt3A : i32
    %lt3A_25 = arith.constant 0 : i32
    %lt3A_26 = arith.cmpi slt, %select_n3A_20, %lt3A_25 : i32
    %ne3A_27 = arith.xori %lt3A_24, %lt3A_26 : i1
    %and3A_28 = arith.andi %ne3A_27, %ne3A_23 : i1
    %add3A_29 = arith.addi %rem3A_21, %select_n3A_20 : i32
    %select_n3A_30 = arith.select %and3A_28, %add3A_29, %rem3A_21 : i32
    %mul3A_31 = arith.constant 5882 : i32
    %mul3A_32 = arith.muli %select_n3A, %mul3A_31 : i32
    %mul3A_33 = arith.constant 512 : i32
    %mul3A_34 = arith.muli %select_n3A_30, %mul3A_33 : i32
    %add3A_35 = arith.constant 0 : i32
    %add3A_36 = arith.addi %mul3A_34, %add3A_35 : i32
    "tpu.region"() ({
      %run_scoped3A = tpu.sem_alloc : memref<!tpu.dma_semaphore, #tpu.memory_space<semaphore_mem>>
      %dma_start3A_407 = tpu.memref_slice %arg3[%add3A_36] : memref<8192xi32, #tpu.memory_space<hbm>> -> memref<128xi32, #tpu.memory_space<hbm>>
      %dma_start3A_408 = tpu.memref_slice %arg3[%add3A_36] : memref<8192xi32, #tpu.memory_space<hbm>> -> memref<128xi32, #tpu.memory_space<hbm>>
      tpu.enqueue_dma source(%dma_start3A_408 : memref<128xi32, #tpu.memory_space<hbm>>) target(%arg5 : memref<128xi32, #tpu.memory_space<vmem>>) target_semaphore(%run_scoped3A : memref<!tpu.dma_semaphore, #tpu.memory_space<semaphore_mem>>)
      %dma_wait3A_409 = tpu.memref_slice %arg3[%add3A_36] : memref<8192xi32, #tpu.memory_space<hbm>> -> memref<128xi32, #tpu.memory_space<hbm>>
      %dma_wait3A_410 = tpu.memref_slice %arg3[%add3A_36] : memref<8192xi32, #tpu.memory_space<hbm>> -> memref<128xi32, #tpu.memory_space<hbm>>
      tpu.wait_dma2 semaphore(%run_scoped3A : memref<!tpu.dma_semaphore, #tpu.memory_space<semaphore_mem>>) src(%dma_wait3A_410 : memref<128xi32, #tpu.memory_space<hbm>>) dst(%arg5 : memref<128xi32, #tpu.memory_space<vmem>>)
      tpu.yield
    }) : () -> ()
    %get3A = arith.constant 0 : index
    %get3A_37 = tpu.vector_load %arg5[%get3A] {strides = array<i32>} : memref<128xi32, #tpu.memory_space<vmem>>, vector<16xi32>,
    %get3A_38 = vector.shape_cast %get3A_37 : vector<16xi32> to vector<16xi32>
    %add3A_39 = vector.broadcast %mul3A_32 : i32 to vector<16xi32>
    %add3A_40 = arith.addi %get3A_38, %add3A_39 : vector<16xi32>
    %swap3A = arith.constant 0 : index
    %swap3A_41 = tpu.vector_load %arg5[%swap3A] {strides = array<i32>} : memref<128xi32, #tpu.memory_space<vmem>>, vector<16xi32>,
    %swap3A_42 = vector.shape_cast %swap3A_41 : vector<16xi32> to vector<16xi32>
    %swap3A_43 = vector.shape_cast %add3A_40 : vector<16xi32> to vector<16xi32>
    tpu.vector_store %arg5[%swap3A], %swap3A_43 {strides = array<i32>} : memref<128xi32, #tpu.memory_space<vmem>>, vector<16xi32>,
    %get3A_44 = arith.constant 16 : index
    %get3A_45 = tpu.vector_load %arg5[%get3A_44] {strides = array<i32>} : memref<128xi32, #tpu.memory_space<vmem>>, vector<16xi32>,
    %get3A_46 = vector.shape_cast %get3A_45 : vector<16xi32> to vector<16xi32>
    %add3A_47 = vector.broadcast %mul3A_32 : i32 to vector<16xi32>
    %add3A_48 = arith.addi %get3A_46, %add3A_47 : vector<16xi32>
    %swap3A_49 = arith.constant 16 : index
    %swap3A_50 = tpu.vector_load %arg5[%swap3A_49] {strides = array<i32>} : memref<128xi32, #tpu.memory_space<vmem>>, vector<16xi32>,
    %swap3A_51 = vector.shape_cast %swap3A_50 : vector<16xi32> to vector<16xi32>
    %swap3A_52 = vector.shape_cast %add3A_48 : vector<16xi32> to vector<16xi32>
    tpu.vector_store %arg5[%swap3A_49], %swap3A_52 {strides = array<i32>} : memref<128xi32, #tpu.memory_space<vmem>>, vector<16xi32>,
    %get3A_53 = arith.constant 32 : index
    %get3A_54 = tpu.vector_load %arg5[%get3A_53] {strides = array<i32>} : memref<128xi32, #tpu.memory_space<vmem>>, vector<16xi32>,
    %get3A_55 = vector.shape_cast %get3A_54 : vector<16xi32> to vector<16xi32>
    %add3A_56 = vector.broadcast %mul3A_32 : i32 to vector<16xi32>
    %add3A_57 = arith.addi %get3A_55, %add3A_56 : vector<16xi32>
    %swap3A_58 = arith.constant 32 : index
    %swap3A_59 = tpu.vector_load %arg5[%swap3A_58] {strides = array<i32>} : memref<128xi32, #tpu.memory_space<vmem>>, vector<16xi32>,
    %swap3A_60 = vector.shape_cast %swap3A_59 : vector<16xi32> to vector<16xi32>
    %swap3A_61 = vector.shape_cast %add3A_57 : vector<16xi32> to vector<16xi32>
    tpu.vector_store %arg5[%swap3A_58], %swap3A_61 {strides = array<i32>} : memref<128xi32, #tpu.memory_space<vmem>>, vector<16xi32>,
    %get3A_62 = arith.constant 48 : index
    %get3A_63 = tpu.vector_load %arg5[%get3A_62] {strides = array<i32>} : memref<128xi32, #tpu.memory_space<vmem>>, vector<16xi32>,
    %get3A_64 = vector.shape_cast %get3A_63 : vector<16xi32> to vector<16xi32>
    %add3A_65 = vector.broadcast %mul3A_32 : i32 to vector<16xi32>
    %add3A_66 = arith.addi %get3A_64, %add3A_65 : vector<16xi32>
    %swap3A_67 = arith.constant 48 : index
    %swap3A_68 = tpu.vector_load %arg5[%swap3A_67] {strides = array<i32>} : memref<128xi32, #tpu.memory_space<vmem>>, vector<16xi32>,
    %swap3A_69 = vector.shape_cast %swap3A_68 : vector<16xi32> to vector<16xi32>
    %swap3A_70 = vector.shape_cast %add3A_66 : vector<16xi32> to vector<16xi32>
    tpu.vector_store %arg5[%swap3A_67], %swap3A_70 {strides = array<i32>} : memref<128xi32, #tpu.memory_space<vmem>>, vector<16xi32>,
    %get3A_71 = arith.constant 64 : index
    %get3A_72 = tpu.vector_load %arg5[%get3A_71] {strides = array<i32>} : memref<128xi32, #tpu.memory_space<vmem>>, vector<16xi32>,
    %get3A_73 = vector.shape_cast %get3A_72 : vector<16xi32> to vector<16xi32>
    %add3A_74 = vector.broadcast %mul3A_32 : i32 to vector<16xi32>
    %add3A_75 = arith.addi %get3A_73, %add3A_74 : vector<16xi32>
    %swap3A_76 = arith.constant 64 : index
    %swap3A_77 = tpu.vector_load %arg5[%swap3A_76] {strides = array<i32>} : memref<128xi32, #tpu.memory_space<vmem>>, vector<16xi32>,
    %swap3A_78 = vector.shape_cast %swap3A_77 : vector<16xi32> to vector<16xi32>
    %swap3A_79 = vector.shape_cast %add3A_75 : vector<16xi32> to vector<16xi32>
    tpu.vector_store %arg5[%swap3A_76], %swap3A_79 {strides = array<i32>} : memref<128xi32, #tpu.memory_space<vmem>>, vector<16xi32>,
    %get3A_80 = arith.constant 80 : index
    %get3A_81 = tpu.vector_load %arg5[%get3A_80] {strides = array<i32>} : memref<128xi32, #tpu.memory_space<vmem>>, vector<16xi32>,
    %get3A_82 = vector.shape_cast %get3A_81 : vector<16xi32> to vector<16xi32>
    %add3A_83 = vector.broadcast %mul3A_32 : i32 to vector<16xi32>
    %add3A_84 = arith.addi %get3A_82, %add3A_83 : vector<16xi32>
    %swap3A_85 = arith.constant 80 : index
    %swap3A_86 = tpu.vector_load %arg5[%swap3A_85] {strides = array<i32>} : memref<128xi32, #tpu.memory_space<vmem>>, vector<16xi32>,
    %swap3A_87 = vector.shape_cast %swap3A_86 : vector<16xi32> to vector<16xi32>
    %swap3A_88 = vector.shape_cast %add3A_84 : vector<16xi32> to vector<16xi32>
    tpu.vector_store %arg5[%swap3A_85], %swap3A_88 {strides = array<i32>} : memref<128xi32, #tpu.memory_space<vmem>>, vector<16xi32>,
    %get3A_89 = arith.constant 96 : index
    %get3A_90 = tpu.vector_load %arg5[%get3A_89] {strides = array<i32>} : memref<128xi32, #tpu.memory_space<vmem>>, vector<16xi32>,
    %get3A_91 = vector.shape_cast %get3A_90 : vector<16xi32> to vector<16xi32>
    %add3A_92 = vector.broadcast %mul3A_32 : i32 to vector<16xi32>
    %add3A_93 = arith.addi %get3A_91, %add3A_92 : vector<16xi32>
    %swap3A_94 = arith.constant 96 : index
    %swap3A_95 = tpu.vector_load %arg5[%swap3A_94] {strides = array<i32>} : memref<128xi32, #tpu.memory_space<vmem>>, vector<16xi32>,
    %swap3A_96 = vector.shape_cast %swap3A_95 : vector<16xi32> to vector<16xi32>
    %swap3A_97 = vector.shape_cast %add3A_93 : vector<16xi32> to vector<16xi32>
    tpu.vector_store %arg5[%swap3A_94], %swap3A_97 {strides = array<i32>} : memref<128xi32, #tpu.memory_space<vmem>>, vector<16xi32>,
    %get3A_98 = arith.constant 112 : index
    %get3A_99 = tpu.vector_load %arg5[%get3A_98] {strides = array<i32>} : memref<128xi32, #tpu.memory_space<vmem>>, vector<16xi32>,
    %get3A_100 = vector.shape_cast %get3A_99 : vector<16xi32> to vector<16xi32>
    %add3A_101 = vector.broadcast %mul3A_32 : i32 to vector<16xi32>
    %add3A_102 = arith.addi %get3A_100, %add3A_101 : vector<16xi32>
    %swap3A_103 = arith.constant 112 : index
    %swap3A_104 = tpu.vector_load %arg5[%swap3A_103] {strides = array<i32>} : memref<128xi32, #tpu.memory_space<vmem>>, vector<16xi32>,
    %swap3A_105 = vector.shape_cast %swap3A_104 : vector<16xi32> to vector<16xi32>
    %swap3A_106 = vector.shape_cast %add3A_102 : vector<16xi32> to vector<16xi32>
    tpu.vector_store %arg5[%swap3A_103], %swap3A_106 {strides = array<i32>} : memref<128xi32, #tpu.memory_space<vmem>>, vector<16xi32>,
    %dma_start3A = arith.constant 0 : i32
    %dma_start3A_107 = arith.constant 0 : i32
    %dma_start3A_108 = tpu.memref_slice %arg2[%dma_start3A, %dma_start3A_107] : memref<11764x256xf32, #tpu.memory_space<hbm>> -> memref<11764x256xf32, #tpu.memory_space<hbm>>
    tpu.enqueue_indirect_dma source(%dma_start3A_108 : memref<11764x256xf32, #tpu.memory_space<hbm>>) target(%arg7 : memref<128x256xf32, #tpu.memory_space<vmem>>) offsets(%arg5 : memref<128xi32, #tpu.memory_space<vmem>>) semaphore(%arg9 : memref<!tpu.dma_semaphore, #tpu.memory_space<semaphore_mem>>)
    %add3A_109 = arith.constant 128 : i32
    %add3A_110 = arith.addi %mul3A_34, %add3A_109 : i32
    "tpu.region"() ({
      %run_scoped3A = tpu.sem_alloc : memref<!tpu.dma_semaphore, #tpu.memory_space<semaphore_mem>>
      %dma_start3A_407 = tpu.memref_slice %arg3[%add3A_110] : memref<8192xi32, #tpu.memory_space<hbm>> -> memref<128xi32, #tpu.memory_space<hbm>>
      %dma_start3A_408 = tpu.memref_slice %arg3[%add3A_110] : memref<8192xi32, #tpu.memory_space<hbm>> -> memref<128xi32, #tpu.memory_space<hbm>>
      tpu.enqueue_dma source(%dma_start3A_408 : memref<128xi32, #tpu.memory_space<hbm>>) target(%arg6 : memref<128xi32, #tpu.memory_space<vmem>>) target_semaphore(%run_scoped3A : memref<!tpu.dma_semaphore, #tpu.memory_space<semaphore_mem>>)
      %dma_wait3A_409 = tpu.memref_slice %arg3[%add3A_110] : memref<8192xi32, #tpu.memory_space<hbm>> -> memref<128xi32, #tpu.memory_space<hbm>>
      %dma_wait3A_410 = tpu.memref_slice %arg3[%add3A_110] : memref<8192xi32, #tpu.memory_space<hbm>> -> memref<128xi32, #tpu.memory_space<hbm>>
      tpu.wait_dma2 semaphore(%run_scoped3A : memref<!tpu.dma_semaphore, #tpu.memory_space<semaphore_mem>>) src(%dma_wait3A_410 : memref<128xi32, #tpu.memory_space<hbm>>) dst(%arg6 : memref<128xi32, #tpu.memory_space<vmem>>)
      tpu.yield
    }) : () -> ()
    %get3A_111 = arith.constant 0 : index
    %get3A_112 = tpu.vector_load %arg6[%get3A_111] {strides = array<i32>} : memref<128xi32, #tpu.memory_space<vmem>>, vector<16xi32>,
    %get3A_113 = vector.shape_cast %get3A_112 : vector<16xi32> to vector<16xi32>
    %add3A_114 = vector.broadcast %mul3A_32 : i32 to vector<16xi32>
    %add3A_115 = arith.addi %get3A_113, %add3A_114 : vector<16xi32>
    %swap3A_116 = arith.constant 0 : index
    %swap3A_117 = tpu.vector_load %arg6[%swap3A_116] {strides = array<i32>} : memref<128xi32, #tpu.memory_space<vmem>>, vector<16xi32>,
    %swap3A_118 = vector.shape_cast %swap3A_117 : vector<16xi32> to vector<16xi32>
    %swap3A_119 = vector.shape_cast %add3A_115 : vector<16xi32> to vector<16xi32>
    tpu.vector_store %arg6[%swap3A_116], %swap3A_119 {strides = array<i32>} : memref<128xi32, #tpu.memory_space<vmem>>, vector<16xi32>,
    %get3A_120 = arith.constant 16 : index
    %get3A_121 = tpu.vector_load %arg6[%get3A_120] {strides = array<i32>} : memref<128xi32, #tpu.memory_space<vmem>>, vector<16xi32>,
    %get3A_122 = vector.shape_cast %get3A_121 : vector<16xi32> to vector<16xi32>
    %add3A_123 = vector.broadcast %mul3A_32 : i32 to vector<16xi32>
    %add3A_124 = arith.addi %get3A_122, %add3A_123 : vector<16xi32>
    %swap3A_125 = arith.constant 16 : index
    %swap3A_126 = tpu.vector_load %arg6[%swap3A_125] {strides = array<i32>} : memref<128xi32, #tpu.memory_space<vmem>>, vector<16xi32>,
    %swap3A_127 = vector.shape_cast %swap3A_126 : vector<16xi32> to vector<16xi32>
    %swap3A_128 = vector.shape_cast %add3A_124 : vector<16xi32> to vector<16xi32>
    tpu.vector_store %arg6[%swap3A_125], %swap3A_128 {strides = array<i32>} : memref<128xi32, #tpu.memory_space<vmem>>, vector<16xi32>,
    %get3A_129 = arith.constant 32 : index
    %get3A_130 = tpu.vector_load %arg6[%get3A_129] {strides = array<i32>} : memref<128xi32, #tpu.memory_space<vmem>>, vector<16xi32>,
    %get3A_131 = vector.shape_cast %get3A_130 : vector<16xi32> to vector<16xi32>
    %add3A_132 = vector.broadcast %mul3A_32 : i32 to vector<16xi32>
    %add3A_133 = arith.addi %get3A_131, %add3A_132 : vector<16xi32>
    %swap3A_134 = arith.constant 32 : index
    %swap3A_135 = tpu.vector_load %arg6[%swap3A_134] {strides = array<i32>} : memref<128xi32, #tpu.memory_space<vmem>>, vector<16xi32>,
    %swap3A_136 = vector.shape_cast %swap3A_135 : vector<16xi32> to vector<16xi32>
    %swap3A_137 = vector.shape_cast %add3A_133 : vector<16xi32> to vector<16xi32>
    tpu.vector_store %arg6[%swap3A_134], %swap3A_137 {strides = array<i32>} : memref<128xi32, #tpu.memory_space<vmem>>, vector<16xi32>,
    %get3A_138 = arith.constant 48 : index
    %get3A_139 = tpu.vector_load %arg6[%get3A_138] {strides = array<i32>} : memref<128xi32, #tpu.memory_space<vmem>>, vector<16xi32>,
    %get3A_140 = vector.shape_cast %get3A_139 : vector<16xi32> to vector<16xi32>
    %add3A_141 = vector.broadcast %mul3A_32 : i32 to vector<16xi32>
    %add3A_142 = arith.addi %get3A_140, %add3A_141 : vector<16xi32>
    %swap3A_143 = arith.constant 48 : index
    %swap3A_144 = tpu.vector_load %arg6[%swap3A_143] {strides = array<i32>} : memref<128xi32, #tpu.memory_space<vmem>>, vector<16xi32>,
    %swap3A_145 = vector.shape_cast %swap3A_144 : vector<16xi32> to vector<16xi32>
    %swap3A_146 = vector.shape_cast %add3A_142 : vector<16xi32> to vector<16xi32>
    tpu.vector_store %arg6[%swap3A_143], %swap3A_146 {strides = array<i32>} : memref<128xi32, #tpu.memory_space<vmem>>, vector<16xi32>,
    %get3A_147 = arith.constant 64 : index
    %get3A_148 = tpu.vector_load %arg6[%get3A_147] {strides = array<i32>} : memref<128xi32, #tpu.memory_space<vmem>>, vector<16xi32>,
    %get3A_149 = vector.shape_cast %get3A_148 : vector<16xi32> to vector<16xi32>
    %add3A_150 = vector.broadcast %mul3A_32 : i32 to vector<16xi32>
    %add3A_151 = arith.addi %get3A_149, %add3A_150 : vector<16xi32>
    %swap3A_152 = arith.constant 64 : index
    %swap3A_153 = tpu.vector_load %arg6[%swap3A_152] {strides = array<i32>} : memref<128xi32, #tpu.memory_space<vmem>>, vector<16xi32>,
    %swap3A_154 = vector.shape_cast %swap3A_153 : vector<16xi32> to vector<16xi32>
    %swap3A_155 = vector.shape_cast %add3A_151 : vector<16xi32> to vector<16xi32>
    tpu.vector_store %arg6[%swap3A_152], %swap3A_155 {strides = array<i32>} : memref<128xi32, #tpu.memory_space<vmem>>, vector<16xi32>,
    %get3A_156 = arith.constant 80 : index
    %get3A_157 = tpu.vector_load %arg6[%get3A_156] {strides = array<i32>} : memref<128xi32, #tpu.memory_space<vmem>>, vector<16xi32>,
    %get3A_158 = vector.shape_cast %get3A_157 : vector<16xi32> to vector<16xi32>
    %add3A_159 = vector.broadcast %mul3A_32 : i32 to vector<16xi32>
    %add3A_160 = arith.addi %get3A_158, %add3A_159 : vector<16xi32>
    %swap3A_161 = arith.constant 80 : index
    %swap3A_162 = tpu.vector_load %arg6[%swap3A_161] {strides = array<i32>} : memref<128xi32, #tpu.memory_space<vmem>>, vector<16xi32>,
    %swap3A_163 = vector.shape_cast %swap3A_162 : vector<16xi32> to vector<16xi32>
    %swap3A_164 = vector.shape_cast %add3A_160 : vector<16xi32> to vector<16xi32>
    tpu.vector_store %arg6[%swap3A_161], %swap3A_164 {strides = array<i32>} : memref<128xi32, #tpu.memory_space<vmem>>, vector<16xi32>,
    %get3A_165 = arith.constant 96 : index
    %get3A_166 = tpu.vector_load %arg6[%get3A_165] {strides = array<i32>} : memref<128xi32, #tpu.memory_space<vmem>>, vector<16xi32>,
    %get3A_167 = vector.shape_cast %get3A_166 : vector<16xi32> to vector<16xi32>
    %add3A_168 = vector.broadcast %mul3A_32 : i32 to vector<16xi32>
    %add3A_169 = arith.addi %get3A_167, %add3A_168 : vector<16xi32>
    %swap3A_170 = arith.constant 96 : index
    %swap3A_171 = tpu.vector_load %arg6[%swap3A_170] {strides = array<i32>} : memref<128xi32, #tpu.memory_space<vmem>>, vector<16xi32>,
    %swap3A_172 = vector.shape_cast %swap3A_171 : vector<16xi32> to vector<16xi32>
    %swap3A_173 = vector.shape_cast %add3A_169 : vector<16xi32> to vector<16xi32>
    tpu.vector_store %arg6[%swap3A_170], %swap3A_173 {strides = array<i32>} : memref<128xi32, #tpu.memory_space<vmem>>, vector<16xi32>,
    %get3A_174 = arith.constant 112 : index
    %get3A_175 = tpu.vector_load %arg6[%get3A_174] {strides = array<i32>} : memref<128xi32, #tpu.memory_space<vmem>>, vector<16xi32>,
    %get3A_176 = vector.shape_cast %get3A_175 : vector<16xi32> to vector<16xi32>
    %add3A_177 = vector.broadcast %mul3A_32 : i32 to vector<16xi32>
    %add3A_178 = arith.addi %get3A_176, %add3A_177 : vector<16xi32>
    %swap3A_179 = arith.constant 112 : index
    %swap3A_180 = tpu.vector_load %arg6[%swap3A_179] {strides = array<i32>} : memref<128xi32, #tpu.memory_space<vmem>>, vector<16xi32>,
    %swap3A_181 = vector.shape_cast %swap3A_180 : vector<16xi32> to vector<16xi32>
    %swap3A_182 = vector.shape_cast %add3A_178 : vector<16xi32> to vector<16xi32>
    tpu.vector_store %arg6[%swap3A_179], %swap3A_182 {strides = array<i32>} : memref<128xi32, #tpu.memory_space<vmem>>, vector<16xi32>,
    %dma_start3A_183 = arith.constant 0 : i32
    %dma_start3A_184 = arith.constant 0 : i32
    %dma_start3A_185 = tpu.memref_slice %arg2[%dma_start3A_183, %dma_start3A_184] : memref<11764x256xf32, #tpu.memory_space<hbm>> -> memref<11764x256xf32, #tpu.memory_space<hbm>>
    tpu.enqueue_indirect_dma source(%dma_start3A_185 : memref<11764x256xf32, #tpu.memory_space<hbm>>) target(%arg8 : memref<128x256xf32, #tpu.memory_space<vmem>>) offsets(%arg6 : memref<128xi32, #tpu.memory_space<vmem>>) semaphore(%arg9 : memref<!tpu.dma_semaphore, #tpu.memory_space<semaphore_mem>>)
    %dma_wait3A = arith.constant 0 : i32
    %dma_wait3A_186 = arith.constant 0 : i32
    %dma_wait3A_187 = tpu.memref_slice %arg2[%dma_wait3A, %dma_wait3A_186] : memref<11764x256xf32, #tpu.memory_space<hbm>> -> memref<11764x256xf32, #tpu.memory_space<hbm>>
    tpu.wait_indirect_dma semaphore(%arg9 : memref<!tpu.dma_semaphore, #tpu.memory_space<semaphore_mem>>) src(%dma_wait3A_187 : memref<11764x256xf32, #tpu.memory_space<hbm>>) dst(%arg7 : memref<128x256xf32, #tpu.memory_space<vmem>>)
    %add3A_188 = arith.constant 0 : i32
    %add3A_189 = arith.addi %mul3A_34, %add3A_188 : i32
    %dma_start3A_190 = arith.constant 0 : i32
    %dma_start3A_191 = tpu.memref_slice %arg4[%select_n3A, %add3A_189, %dma_start3A_190] : memref<2x8192x256xf32, #tpu.memory_space<hbm>> -> memref<1x128x256xf32, #tpu.memory_space<hbm>>
    %dma_start3A_192 = tpu.memref_squeeze %dma_start3A_191 : memref<1x128x256xf32, #tpu.memory_space<hbm>> -> memref<128x256xf32, #tpu.memory_space<hbm>>
    %dma_start3A_193 = arith.constant 0 : i32
    %dma_start3A_194 = tpu.memref_slice %arg4[%select_n3A, %add3A_189, %dma_start3A_193] : memref<2x8192x256xf32, #tpu.memory_space<hbm>> -> memref<1x128x256xf32, #tpu.memory_space<hbm>>
    %dma_start3A_195 = tpu.memref_squeeze %dma_start3A_194 : memref<1x128x256xf32, #tpu.memory_space<hbm>> -> memref<128x256xf32, #tpu.memory_space<hbm>>
    tpu.enqueue_dma source(%arg7 : memref<128x256xf32, #tpu.memory_space<vmem>>) target(%dma_start3A_195 : memref<128x256xf32, #tpu.memory_space<hbm>>) target_semaphore(%arg10 : memref<!tpu.dma_semaphore, #tpu.memory_space<semaphore_mem>>)
    %dma_wait3A_196 = arith.constant 0 : i32
    %dma_wait3A_197 = tpu.memref_slice %arg4[%select_n3A, %add3A_189, %dma_wait3A_196] : memref<2x8192x256xf32, #tpu.memory_space<hbm>> -> memref<1x128x256xf32, #tpu.memory_space<hbm>>
    %dma_wait3A_198 = tpu.memref_squeeze %dma_wait3A_197 : memref<1x128x256xf32, #tpu.memory_space<hbm>> -> memref<128x256xf32, #tpu.memory_space<hbm>>
    %dma_wait3A_199 = arith.constant 0 : i32
    %dma_wait3A_200 = tpu.memref_slice %arg4[%select_n3A, %add3A_189, %dma_wait3A_199] : memref<2x8192x256xf32, #tpu.memory_space<hbm>> -> memref<1x128x256xf32, #tpu.memory_space<hbm>>
    %dma_wait3A_201 = tpu.memref_squeeze %dma_wait3A_200 : memref<1x128x256xf32, #tpu.memory_space<hbm>> -> memref<128x256xf32, #tpu.memory_space<hbm>>
    tpu.wait_dma2 semaphore(%arg10 : memref<!tpu.dma_semaphore, #tpu.memory_space<semaphore_mem>>) src(%arg7 : memref<128x256xf32, #tpu.memory_space<vmem>>) dst(%dma_wait3A_201 : memref<128x256xf32, #tpu.memory_space<hbm>>)
    %add3A_202 = arith.constant 256 : i32
    %add3A_203 = arith.addi %mul3A_34, %add3A_202 : i32
    "tpu.region"() ({
      %run_scoped3A = tpu.sem_alloc : memref<!tpu.dma_semaphore, #tpu.memory_space<semaphore_mem>>
      %dma_start3A_407 = tpu.memref_slice %arg3[%add3A_203] : memref<8192xi32, #tpu.memory_space<hbm>> -> memref<128xi32, #tpu.memory_space<hbm>>
      %dma_start3A_408 = tpu.memref_slice %arg3[%add3A_203] : memref<8192xi32, #tpu.memory_space<hbm>> -> memref<128xi32, #tpu.memory_space<hbm>>
      tpu.enqueue_dma source(%dma_start3A_408 : memref<128xi32, #tpu.memory_space<hbm>>) target(%arg5 : memref<128xi32, #tpu.memory_space<vmem>>) target_semaphore(%run_scoped3A : memref<!tpu.dma_semaphore, #tpu.memory_space<semaphore_mem>>)
      %dma_wait3A_409 = tpu.memref_slice %arg3[%add3A_203] : memref<8192xi32, #tpu.memory_space<hbm>> -> memref<128xi32, #tpu.memory_space<hbm>>
      %dma_wait3A_410 = tpu.memref_slice %arg3[%add3A_203] : memref<8192xi32, #tpu.memory_space<hbm>> -> memref<128xi32, #tpu.memory_space<hbm>>
      tpu.wait_dma2 semaphore(%run_scoped3A : memref<!tpu.dma_semaphore, #tpu.memory_space<semaphore_mem>>) src(%dma_wait3A_410 : memref<128xi32, #tpu.memory_space<hbm>>) dst(%arg5 : memref<128xi32, #tpu.memory_space<vmem>>)
      tpu.yield
    }) : () -> ()
    %get3A_204 = arith.constant 0 : index
    %get3A_205 = tpu.vector_load %arg5[%get3A_204] {strides = array<i32>} : memref<128xi32, #tpu.memory_space<vmem>>, vector<16xi32>,
    %get3A_206 = vector.shape_cast %get3A_205 : vector<16xi32> to vector<16xi32>
    %add3A_207 = vector.broadcast %mul3A_32 : i32 to vector<16xi32>
    %add3A_208 = arith.addi %get3A_206, %add3A_207 : vector<16xi32>
    %swap3A_209 = arith.constant 0 : index
    %swap3A_210 = tpu.vector_load %arg5[%swap3A_209] {strides = array<i32>} : memref<128xi32, #tpu.memory_space<vmem>>, vector<16xi32>,
    %swap3A_211 = vector.shape_cast %swap3A_210 : vector<16xi32> to vector<16xi32>
    %swap3A_212 = vector.shape_cast %add3A_208 : vector<16xi32> to vector<16xi32>
    tpu.vector_store %arg5[%swap3A_209], %swap3A_212 {strides = array<i32>} : memref<128xi32, #tpu.memory_space<vmem>>, vector<16xi32>,
    %get3A_213 = arith.constant 16 : index
    %get3A_214 = tpu.vector_load %arg5[%get3A_213] {strides = array<i32>} : memref<128xi32, #tpu.memory_space<vmem>>, vector<16xi32>,
    %get3A_215 = vector.shape_cast %get3A_214 : vector<16xi32> to vector<16xi32>
    %add3A_216 = vector.broadcast %mul3A_32 : i32 to vector<16xi32>
    %add3A_217 = arith.addi %get3A_215, %add3A_216 : vector<16xi32>
    %swap3A_218 = arith.constant 16 : index
    %swap3A_219 = tpu.vector_load %arg5[%swap3A_218] {strides = array<i32>} : memref<128xi32, #tpu.memory_space<vmem>>, vector<16xi32>,
    %swap3A_220 = vector.shape_cast %swap3A_219 : vector<16xi32> to vector<16xi32>
    %swap3A_221 = vector.shape_cast %add3A_217 : vector<16xi32> to vector<16xi32>
    tpu.vector_store %arg5[%swap3A_218], %swap3A_221 {strides = array<i32>} : memref<128xi32, #tpu.memory_space<vmem>>, vector<16xi32>,
    %get3A_222 = arith.constant 32 : index
    %get3A_223 = tpu.vector_load %arg5[%get3A_222] {strides = array<i32>} : memref<128xi32, #tpu.memory_space<vmem>>, vector<16xi32>,
    %get3A_224 = vector.shape_cast %get3A_223 : vector<16xi32> to vector<16xi32>
    %add3A_225 = vector.broadcast %mul3A_32 : i32 to vector<16xi32>
    %add3A_226 = arith.addi %get3A_224, %add3A_225 : vector<16xi32>
    %swap3A_227 = arith.constant 32 : index
    %swap3A_228 = tpu.vector_load %arg5[%swap3A_227] {strides = array<i32>} : memref<128xi32, #tpu.memory_space<vmem>>, vector<16xi32>,
    %swap3A_229 = vector.shape_cast %swap3A_228 : vector<16xi32> to vector<16xi32>
    %swap3A_230 = vector.shape_cast %add3A_226 : vector<16xi32> to vector<16xi32>
    tpu.vector_store %arg5[%swap3A_227], %swap3A_230 {strides = array<i32>} : memref<128xi32, #tpu.memory_space<vmem>>, vector<16xi32>,
    %get3A_231 = arith.constant 48 : index
    %get3A_232 = tpu.vector_load %arg5[%get3A_231] {strides = array<i32>} : memref<128xi32, #tpu.memory_space<vmem>>, vector<16xi32>,
    %get3A_233 = vector.shape_cast %get3A_232 : vector<16xi32> to vector<16xi32>
    %add3A_234 = vector.broadcast %mul3A_32 : i32 to vector<16xi32>
    %add3A_235 = arith.addi %get3A_233, %add3A_234 : vector<16xi32>
    %swap3A_236 = arith.constant 48 : index
    %swap3A_237 = tpu.vector_load %arg5[%swap3A_236] {strides = array<i32>} : memref<128xi32, #tpu.memory_space<vmem>>, vector<16xi32>,
    %swap3A_238 = vector.shape_cast %swap3A_237 : vector<16xi32> to vector<16xi32>
    %swap3A_239 = vector.shape_cast %add3A_235 : vector<16xi32> to vector<16xi32>
    tpu.vector_store %arg5[%swap3A_236], %swap3A_239 {strides = array<i32>} : memref<128xi32, #tpu.memory_space<vmem>>, vector<16xi32>,
    %get3A_240 = arith.constant 64 : index
    %get3A_241 = tpu.vector_load %arg5[%get3A_240] {strides = array<i32>} : memref<128xi32, #tpu.memory_space<vmem>>, vector<16xi32>,
    %get3A_242 = vector.shape_cast %get3A_241 : vector<16xi32> to vector<16xi32>
    %add3A_243 = vector.broadcast %mul3A_32 : i32 to vector<16xi32>
    %add3A_244 = arith.addi %get3A_242, %add3A_243 : vector<16xi32>
    %swap3A_245 = arith.constant 64 : index
    %swap3A_246 = tpu.vector_load %arg5[%swap3A_245] {strides = array<i32>} : memref<128xi32, #tpu.memory_space<vmem>>, vector<16xi32>,
    %swap3A_247 = vector.shape_cast %swap3A_246 : vector<16xi32> to vector<16xi32>
    %swap3A_248 = vector.shape_cast %add3A_244 : vector<16xi32> to vector<16xi32>
    tpu.vector_store %arg5[%swap3A_245], %swap3A_248 {strides = array<i32>} : memref<128xi32, #tpu.memory_space<vmem>>, vector<16xi32>,
    %get3A_249 = arith.constant 80 : index
    %get3A_250 = tpu.vector_load %arg5[%get3A_249] {strides = array<i32>} : memref<128xi32, #tpu.memory_space<vmem>>, vector<16xi32>,
    %get3A_251 = vector.shape_cast %get3A_250 : vector<16xi32> to vector<16xi32>
    %add3A_252 = vector.broadcast %mul3A_32 : i32 to vector<16xi32>
    %add3A_253 = arith.addi %get3A_251, %add3A_252 : vector<16xi32>
    %swap3A_254 = arith.constant 80 : index
    %swap3A_255 = tpu.vector_load %arg5[%swap3A_254] {strides = array<i32>} : memref<128xi32, #tpu.memory_space<vmem>>, vector<16xi32>,
    %swap3A_256 = vector.shape_cast %swap3A_255 : vector<16xi32> to vector<16xi32>
    %swap3A_257 = vector.shape_cast %add3A_253 : vector<16xi32> to vector<16xi32>
    tpu.vector_store %arg5[%swap3A_254], %swap3A_257 {strides = array<i32>} : memref<128xi32, #tpu.memory_space<vmem>>, vector<16xi32>,
    %get3A_258 = arith.constant 96 : index
    %get3A_259 = tpu.vector_load %arg5[%get3A_258] {strides = array<i32>} : memref<128xi32, #tpu.memory_space<vmem>>, vector<16xi32>,
    %get3A_260 = vector.shape_cast %get3A_259 : vector<16xi32> to vector<16xi32>
    %add3A_261 = vector.broadcast %mul3A_32 : i32 to vector<16xi32>
    %add3A_262 = arith.addi %get3A_260, %add3A_261 : vector<16xi32>
    %swap3A_263 = arith.constant 96 : index
    %swap3A_264 = tpu.vector_load %arg5[%swap3A_263] {strides = array<i32>} : memref<128xi32, #tpu.memory_space<vmem>>, vector<16xi32>,
    %swap3A_265 = vector.shape_cast %swap3A_264 : vector<16xi32> to vector<16xi32>
    %swap3A_266 = vector.shape_cast %add3A_262 : vector<16xi32> to vector<16xi32>
    tpu.vector_store %arg5[%swap3A_263], %swap3A_266 {strides = array<i32>} : memref<128xi32, #tpu.memory_space<vmem>>, vector<16xi32>,
    %get3A_267 = arith.constant 112 : index
    %get3A_268 = tpu.vector_load %arg5[%get3A_267] {strides = array<i32>} : memref<128xi32, #tpu.memory_space<vmem>>, vector<16xi32>,
    %get3A_269 = vector.shape_cast %get3A_268 : vector<16xi32> to vector<16xi32>
    %add3A_270 = vector.broadcast %mul3A_32 : i32 to vector<16xi32>
    %add3A_271 = arith.addi %get3A_269, %add3A_270 : vector<16xi32>
    %swap3A_272 = arith.constant 112 : index
    %swap3A_273 = tpu.vector_load %arg5[%swap3A_272] {strides = array<i32>} : memref<128xi32, #tpu.memory_space<vmem>>, vector<16xi32>,
    %swap3A_274 = vector.shape_cast %swap3A_273 : vector<16xi32> to vector<16xi32>
    %swap3A_275 = vector.shape_cast %add3A_271 : vector<16xi32> to vector<16xi32>
    tpu.vector_store %arg5[%swap3A_272], %swap3A_275 {strides = array<i32>} : memref<128xi32, #tpu.memory_space<vmem>>, vector<16xi32>,
    %dma_start3A_276 = arith.constant 0 : i32
    %dma_start3A_277 = arith.constant 0 : i32
    %dma_start3A_278 = tpu.memref_slice %arg2[%dma_start3A_276, %dma_start3A_277] : memref<11764x256xf32, #tpu.memory_space<hbm>> -> memref<11764x256xf32, #tpu.memory_space<hbm>>
    tpu.enqueue_indirect_dma source(%dma_start3A_278 : memref<11764x256xf32, #tpu.memory_space<hbm>>) target(%arg7 : memref<128x256xf32, #tpu.memory_space<vmem>>) offsets(%arg5 : memref<128xi32, #tpu.memory_space<vmem>>) semaphore(%arg9 : memref<!tpu.dma_semaphore, #tpu.memory_space<semaphore_mem>>)
    %dma_wait3A_279 = arith.constant 0 : i32
    %dma_wait3A_280 = arith.constant 0 : i32
    %dma_wait3A_281 = tpu.memref_slice %arg2[%dma_wait3A_279, %dma_wait3A_280] : memref<11764x256xf32, #tpu.memory_space<hbm>> -> memref<11764x256xf32, #tpu.memory_space<hbm>>
    tpu.wait_indirect_dma semaphore(%arg9 : memref<!tpu.dma_semaphore, #tpu.memory_space<semaphore_mem>>) src(%dma_wait3A_281 : memref<11764x256xf32, #tpu.memory_space<hbm>>) dst(%arg8 : memref<128x256xf32, #tpu.memory_space<vmem>>)
    %add3A_282 = arith.constant 128 : i32
    %add3A_283 = arith.addi %mul3A_34, %add3A_282 : i32
    %dma_start3A_284 = arith.constant 0 : i32
    %dma_start3A_285 = tpu.memref_slice %arg4[%select_n3A, %add3A_283, %dma_start3A_284] : memref<2x8192x256xf32, #tpu.memory_space<hbm>> -> memref<1x128x256xf32, #tpu.memory_space<hbm>>
    %dma_start3A_286 = tpu.memref_squeeze %dma_start3A_285 : memref<1x128x256xf32, #tpu.memory_space<hbm>> -> memref<128x256xf32, #tpu.memory_space<hbm>>
    %dma_start3A_287 = arith.constant 0 : i32
    %dma_start3A_288 = tpu.memref_slice %arg4[%select_n3A, %add3A_283, %dma_start3A_287] : memref<2x8192x256xf32, #tpu.memory_space<hbm>> -> memref<1x128x256xf32, #tpu.memory_space<hbm>>
    %dma_start3A_289 = tpu.memref_squeeze %dma_start3A_288 : memref<1x128x256xf32, #tpu.memory_space<hbm>> -> memref<128x256xf32, #tpu.memory_space<hbm>>
    tpu.enqueue_dma source(%arg8 : memref<128x256xf32, #tpu.memory_space<vmem>>) target(%dma_start3A_289 : memref<128x256xf32, #tpu.memory_space<hbm>>) target_semaphore(%arg10 : memref<!tpu.dma_semaphore, #tpu.memory_space<semaphore_mem>>)
    %dma_wait3A_290 = arith.constant 0 : i32
    %dma_wait3A_291 = tpu.memref_slice %arg4[%select_n3A, %add3A_283, %dma_wait3A_290] : memref<2x8192x256xf32, #tpu.memory_space<hbm>> -> memref<1x128x256xf32, #tpu.memory_space<hbm>>
    %dma_wait3A_292 = tpu.memref_squeeze %dma_wait3A_291 : memref<1x128x256xf32, #tpu.memory_space<hbm>> -> memref<128x256xf32, #tpu.memory_space<hbm>>
    %dma_wait3A_293 = arith.constant 0 : i32
    %dma_wait3A_294 = tpu.memref_slice %arg4[%select_n3A, %add3A_283, %dma_wait3A_293] : memref<2x8192x256xf32, #tpu.memory_space<hbm>> -> memref<1x128x256xf32, #tpu.memory_space<hbm>>
    %dma_wait3A_295 = tpu.memref_squeeze %dma_wait3A_294 : memref<1x128x256xf32, #tpu.memory_space<hbm>> -> memref<128x256xf32, #tpu.memory_space<hbm>>
    tpu.wait_dma2 semaphore(%arg10 : memref<!tpu.dma_semaphore, #tpu.memory_space<semaphore_mem>>) src(%arg8 : memref<128x256xf32, #tpu.memory_space<vmem>>) dst(%dma_wait3A_295 : memref<128x256xf32, #tpu.memory_space<hbm>>)
    %add3A_296 = arith.constant 384 : i32
    %add3A_297 = arith.addi %mul3A_34, %add3A_296 : i32
    "tpu.region"() ({
      %run_scoped3A = tpu.sem_alloc : memref<!tpu.dma_semaphore, #tpu.memory_space<semaphore_mem>>
      %dma_start3A_407 = tpu.memref_slice %arg3[%add3A_297] : memref<8192xi32, #tpu.memory_space<hbm>> -> memref<128xi32, #tpu.memory_space<hbm>>
      %dma_start3A_408 = tpu.memref_slice %arg3[%add3A_297] : memref<8192xi32, #tpu.memory_space<hbm>> -> memref<128xi32, #tpu.memory_space<hbm>>
      tpu.enqueue_dma source(%dma_start3A_408 : memref<128xi32, #tpu.memory_space<hbm>>) target(%arg6 : memref<128xi32, #tpu.memory_space<vmem>>) target_semaphore(%run_scoped3A : memref<!tpu.dma_semaphore, #tpu.memory_space<semaphore_mem>>)
      %dma_wait3A_409 = tpu.memref_slice %arg3[%add3A_297] : memref<8192xi32, #tpu.memory_space<hbm>> -> memref<128xi32, #tpu.memory_space<hbm>>
      %dma_wait3A_410 = tpu.memref_slice %arg3[%add3A_297] : memref<8192xi32, #tpu.memory_space<hbm>> -> memref<128xi32, #tpu.memory_space<hbm>>
      tpu.wait_dma2 semaphore(%run_scoped3A : memref<!tpu.dma_semaphore, #tpu.memory_space<semaphore_mem>>) src(%dma_wait3A_410 : memref<128xi32, #tpu.memory_space<hbm>>) dst(%arg6 : memref<128xi32, #tpu.memory_space<vmem>>)
      tpu.yield
    }) : () -> ()
    %get3A_298 = arith.constant 0 : index
    %get3A_299 = tpu.vector_load %arg6[%get3A_298] {strides = array<i32>} : memref<128xi32, #tpu.memory_space<vmem>>, vector<16xi32>,
    %get3A_300 = vector.shape_cast %get3A_299 : vector<16xi32> to vector<16xi32>
    %add3A_301 = vector.broadcast %mul3A_32 : i32 to vector<16xi32>
    %add3A_302 = arith.addi %get3A_300, %add3A_301 : vector<16xi32>
    %swap3A_303 = arith.constant 0 : index
    %swap3A_304 = tpu.vector_load %arg6[%swap3A_303] {strides = array<i32>} : memref<128xi32, #tpu.memory_space<vmem>>, vector<16xi32>,
    %swap3A_305 = vector.shape_cast %swap3A_304 : vector<16xi32> to vector<16xi32>
    %swap3A_306 = vector.shape_cast %add3A_302 : vector<16xi32> to vector<16xi32>
    tpu.vector_store %arg6[%swap3A_303], %swap3A_306 {strides = array<i32>} : memref<128xi32, #tpu.memory_space<vmem>>, vector<16xi32>,
    %get3A_307 = arith.constant 16 : index
    %get3A_308 = tpu.vector_load %arg6[%get3A_307] {strides = array<i32>} : memref<128xi32, #tpu.memory_space<vmem>>, vector<16xi32>,
    %get3A_309 = vector.shape_cast %get3A_308 : vector<16xi32> to vector<16xi32>
    %add3A_310 = vector.broadcast %mul3A_32 : i32 to vector<16xi32>
    %add3A_311 = arith.addi %get3A_309, %add3A_310 : vector<16xi32>
    %swap3A_312 = arith.constant 16 : index
    %swap3A_313 = tpu.vector_load %arg6[%swap3A_312] {strides = array<i32>} : memref<128xi32, #tpu.memory_space<vmem>>, vector<16xi32>,
    %swap3A_314 = vector.shape_cast %swap3A_313 : vector<16xi32> to vector<16xi32>
    %swap3A_315 = vector.shape_cast %add3A_311 : vector<16xi32> to vector<16xi32>
    tpu.vector_store %arg6[%swap3A_312], %swap3A_315 {strides = array<i32>} : memref<128xi32, #tpu.memory_space<vmem>>, vector<16xi32>,
    %get3A_316 = arith.constant 32 : index
    %get3A_317 = tpu.vector_load %arg6[%get3A_316] {strides = array<i32>} : memref<128xi32, #tpu.memory_space<vmem>>, vector<16xi32>,
    %get3A_318 = vector.shape_cast %get3A_317 : vector<16xi32> to vector<16xi32>
    %add3A_319 = vector.broadcast %mul3A_32 : i32 to vector<16xi32>
    %add3A_320 = arith.addi %get3A_318, %add3A_319 : vector<16xi32>
    %swap3A_321 = arith.constant 32 : index
    %swap3A_322 = tpu.vector_load %arg6[%swap3A_321] {strides = array<i32>} : memref<128xi32, #tpu.memory_space<vmem>>, vector<16xi32>,
    %swap3A_323 = vector.shape_cast %swap3A_322 : vector<16xi32> to vector<16xi32>
    %swap3A_324 = vector.shape_cast %add3A_320 : vector<16xi32> to vector<16xi32>
    tpu.vector_store %arg6[%swap3A_321], %swap3A_324 {strides = array<i32>} : memref<128xi32, #tpu.memory_space<vmem>>, vector<16xi32>,
    %get3A_325 = arith.constant 48 : index
    %get3A_326 = tpu.vector_load %arg6[%get3A_325] {strides = array<i32>} : memref<128xi32, #tpu.memory_space<vmem>>, vector<16xi32>,
    %get3A_327 = vector.shape_cast %get3A_326 : vector<16xi32> to vector<16xi32>
    %add3A_328 = vector.broadcast %mul3A_32 : i32 to vector<16xi32>
    %add3A_329 = arith.addi %get3A_327, %add3A_328 : vector<16xi32>
    %swap3A_330 = arith.constant 48 : index
    %swap3A_331 = tpu.vector_load %arg6[%swap3A_330] {strides = array<i32>} : memref<128xi32, #tpu.memory_space<vmem>>, vector<16xi32>,
    %swap3A_332 = vector.shape_cast %swap3A_331 : vector<16xi32> to vector<16xi32>
    %swap3A_333 = vector.shape_cast %add3A_329 : vector<16xi32> to vector<16xi32>
    tpu.vector_store %arg6[%swap3A_330], %swap3A_333 {strides = array<i32>} : memref<128xi32, #tpu.memory_space<vmem>>, vector<16xi32>,
    %get3A_334 = arith.constant 64 : index
    %get3A_335 = tpu.vector_load %arg6[%get3A_334] {strides = array<i32>} : memref<128xi32, #tpu.memory_space<vmem>>, vector<16xi32>,
    %get3A_336 = vector.shape_cast %get3A_335 : vector<16xi32> to vector<16xi32>
    %add3A_337 = vector.broadcast %mul3A_32 : i32 to vector<16xi32>
    %add3A_338 = arith.addi %get3A_336, %add3A_337 : vector<16xi32>
    %swap3A_339 = arith.constant 64 : index
    %swap3A_340 = tpu.vector_load %arg6[%swap3A_339] {strides = array<i32>} : memref<128xi32, #tpu.memory_space<vmem>>, vector<16xi32>,
    %swap3A_341 = vector.shape_cast %swap3A_340 : vector<16xi32> to vector<16xi32>
    %swap3A_342 = vector.shape_cast %add3A_338 : vector<16xi32> to vector<16xi32>
    tpu.vector_store %arg6[%swap3A_339], %swap3A_342 {strides = array<i32>} : memref<128xi32, #tpu.memory_space<vmem>>, vector<16xi32>,
    %get3A_343 = arith.constant 80 : index
    %get3A_344 = tpu.vector_load %arg6[%get3A_343] {strides = array<i32>} : memref<128xi32, #tpu.memory_space<vmem>>, vector<16xi32>,
    %get3A_345 = vector.shape_cast %get3A_344 : vector<16xi32> to vector<16xi32>
    %add3A_346 = vector.broadcast %mul3A_32 : i32 to vector<16xi32>
    %add3A_347 = arith.addi %get3A_345, %add3A_346 : vector<16xi32>
    %swap3A_348 = arith.constant 80 : index
    %swap3A_349 = tpu.vector_load %arg6[%swap3A_348] {strides = array<i32>} : memref<128xi32, #tpu.memory_space<vmem>>, vector<16xi32>,
    %swap3A_350 = vector.shape_cast %swap3A_349 : vector<16xi32> to vector<16xi32>
    %swap3A_351 = vector.shape_cast %add3A_347 : vector<16xi32> to vector<16xi32>
    tpu.vector_store %arg6[%swap3A_348], %swap3A_351 {strides = array<i32>} : memref<128xi32, #tpu.memory_space<vmem>>, vector<16xi32>,
    %get3A_352 = arith.constant 96 : index
    %get3A_353 = tpu.vector_load %arg6[%get3A_352] {strides = array<i32>} : memref<128xi32, #tpu.memory_space<vmem>>, vector<16xi32>,
    %get3A_354 = vector.shape_cast %get3A_353 : vector<16xi32> to vector<16xi32>
    %add3A_355 = vector.broadcast %mul3A_32 : i32 to vector<16xi32>
    %add3A_356 = arith.addi %get3A_354, %add3A_355 : vector<16xi32>
    %swap3A_357 = arith.constant 96 : index
    %swap3A_358 = tpu.vector_load %arg6[%swap3A_357] {strides = array<i32>} : memref<128xi32, #tpu.memory_space<vmem>>, vector<16xi32>,
    %swap3A_359 = vector.shape_cast %swap3A_358 : vector<16xi32> to vector<16xi32>
    %swap3A_360 = vector.shape_cast %add3A_356 : vector<16xi32> to vector<16xi32>
    tpu.vector_store %arg6[%swap3A_357], %swap3A_360 {strides = array<i32>} : memref<128xi32, #tpu.memory_space<vmem>>, vector<16xi32>,
    %get3A_361 = arith.constant 112 : index
    %get3A_362 = tpu.vector_load %arg6[%get3A_361] {strides = array<i32>} : memref<128xi32, #tpu.memory_space<vmem>>, vector<16xi32>,
    %get3A_363 = vector.shape_cast %get3A_362 : vector<16xi32> to vector<16xi32>
    %add3A_364 = vector.broadcast %mul3A_32 : i32 to vector<16xi32>
    %add3A_365 = arith.addi %get3A_363, %add3A_364 : vector<16xi32>
    %swap3A_366 = arith.constant 112 : index
    %swap3A_367 = tpu.vector_load %arg6[%swap3A_366] {strides = array<i32>} : memref<128xi32, #tpu.memory_space<vmem>>, vector<16xi32>,
    %swap3A_368 = vector.shape_cast %swap3A_367 : vector<16xi32> to vector<16xi32>
    %swap3A_369 = vector.shape_cast %add3A_365 : vector<16xi32> to vector<16xi32>
    tpu.vector_store %arg6[%swap3A_366], %swap3A_369 {strides = array<i32>} : memref<128xi32, #tpu.memory_space<vmem>>, vector<16xi32>,
    %dma_start3A_370 = arith.constant 0 : i32
    %dma_start3A_371 = arith.constant 0 : i32
    %dma_start3A_372 = tpu.memref_slice %arg2[%dma_start3A_370, %dma_start3A_371] : memref<11764x256xf32, #tpu.memory_space<hbm>> -> memref<11764x256xf32, #tpu.memory_space<hbm>>
    tpu.enqueue_indirect_dma source(%dma_start3A_372 : memref<11764x256xf32, #tpu.memory_space<hbm>>) target(%arg8 : memref<128x256xf32, #tpu.memory_space<vmem>>) offsets(%arg6 : memref<128xi32, #tpu.memory_space<vmem>>) semaphore(%arg9 : memref<!tpu.dma_semaphore, #tpu.memory_space<semaphore_mem>>)
    %dma_wait3A_373 = arith.constant 0 : i32
    %dma_wait3A_374 = arith.constant 0 : i32
    %dma_wait3A_375 = tpu.memref_slice %arg2[%dma_wait3A_373, %dma_wait3A_374] : memref<11764x256xf32, #tpu.memory_space<hbm>> -> memref<11764x256xf32, #tpu.memory_space<hbm>>
    tpu.wait_indirect_dma semaphore(%arg9 : memref<!tpu.dma_semaphore, #tpu.memory_space<semaphore_mem>>) src(%dma_wait3A_375 : memref<11764x256xf32, #tpu.memory_space<hbm>>) dst(%arg7 : memref<128x256xf32, #tpu.memory_space<vmem>>)
    %add3A_376 = arith.constant 256 : i32
    %add3A_377 = arith.addi %mul3A_34, %add3A_376 : i32
    %dma_start3A_378 = arith.constant 0 : i32
    %dma_start3A_379 = tpu.memref_slice %arg4[%select_n3A, %add3A_377, %dma_start3A_378] : memref<2x8192x256xf32, #tpu.memory_space<hbm>> -> memref<1x128x256xf32, #tpu.memory_space<hbm>>
    %dma_start3A_380 = tpu.memref_squeeze %dma_start3A_379 : memref<1x128x256xf32, #tpu.memory_space<hbm>> -> memref<128x256xf32, #tpu.memory_space<hbm>>
    %dma_start3A_381 = arith.constant 0 : i32
    %dma_start3A_382 = tpu.memref_slice %arg4[%select_n3A, %add3A_377, %dma_start3A_381] : memref<2x8192x256xf32, #tpu.memory_space<hbm>> -> memref<1x128x256xf32, #tpu.memory_space<hbm>>
    %dma_start3A_383 = tpu.memref_squeeze %dma_start3A_382 : memref<1x128x256xf32, #tpu.memory_space<hbm>> -> memref<128x256xf32, #tpu.memory_space<hbm>>
    tpu.enqueue_dma source(%arg7 : memref<128x256xf32, #tpu.memory_space<vmem>>) target(%dma_start3A_383 : memref<128x256xf32, #tpu.memory_space<hbm>>) target_semaphore(%arg10 : memref<!tpu.dma_semaphore, #tpu.memory_space<semaphore_mem>>)
    %dma_wait3A_384 = arith.constant 0 : i32
    %dma_wait3A_385 = arith.constant 0 : i32
    %dma_wait3A_386 = tpu.memref_slice %arg2[%dma_wait3A_384, %dma_wait3A_385] : memref<11764x256xf32, #tpu.memory_space<hbm>> -> memref<11764x256xf32, #tpu.memory_space<hbm>>
    tpu.wait_indirect_dma semaphore(%arg9 : memref<!tpu.dma_semaphore, #tpu.memory_space<semaphore_mem>>) src(%dma_wait3A_386 : memref<11764x256xf32, #tpu.memory_space<hbm>>) dst(%arg8 : memref<128x256xf32, #tpu.memory_space<vmem>>)
    %add3A_387 = arith.constant 384 : i32
    %add3A_388 = arith.addi %mul3A_34, %add3A_387 : i32
    %dma_start3A_389 = arith.constant 0 : i32
    %dma_start3A_390 = tpu.memref_slice %arg4[%select_n3A, %add3A_388, %dma_start3A_389] : memref<2x8192x256xf32, #tpu.memory_space<hbm>> -> memref<1x128x256xf32, #tpu.memory_space<hbm>>
    %dma_start3A_391 = tpu.memref_squeeze %dma_start3A_390 : memref<1x128x256xf32, #tpu.memory_space<hbm>> -> memref<128x256xf32, #tpu.memory_space<hbm>>
    %dma_start3A_392 = arith.constant 0 : i32
    %dma_start3A_393 = tpu.memref_slice %arg4[%select_n3A, %add3A_388, %dma_start3A_392] : memref<2x8192x256xf32, #tpu.memory_space<hbm>> -> memref<1x128x256xf32, #tpu.memory_space<hbm>>
    %dma_start3A_394 = tpu.memref_squeeze %dma_start3A_393 : memref<1x128x256xf32, #tpu.memory_space<hbm>> -> memref<128x256xf32, #tpu.memory_space<hbm>>
    tpu.enqueue_dma source(%arg8 : memref<128x256xf32, #tpu.memory_space<vmem>>) target(%dma_start3A_394 : memref<128x256xf32, #tpu.memory_space<hbm>>) target_semaphore(%arg10 : memref<!tpu.dma_semaphore, #tpu.memory_space<semaphore_mem>>)
    %dma_wait3A_395 = arith.constant 0 : i32
    %dma_wait3A_396 = tpu.memref_slice %arg4[%select_n3A, %add3A_377, %dma_wait3A_395] : memref<2x8192x256xf32, #tpu.memory_space<hbm>> -> memref<1x128x256xf32, #tpu.memory_space<hbm>>
    %dma_wait3A_397 = tpu.memref_squeeze %dma_wait3A_396 : memref<1x128x256xf32, #tpu.memory_space<hbm>> -> memref<128x256xf32, #tpu.memory_space<hbm>>
    %dma_wait3A_398 = arith.constant 0 : i32
    %dma_wait3A_399 = tpu.memref_slice %arg4[%select_n3A, %add3A_377, %dma_wait3A_398] : memref<2x8192x256xf32, #tpu.memory_space<hbm>> -> memref<1x128x256xf32, #tpu.memory_space<hbm>>
    %dma_wait3A_400 = tpu.memref_squeeze %dma_wait3A_399 : memref<1x128x256xf32, #tpu.memory_space<hbm>> -> memref<128x256xf32, #tpu.memory_space<hbm>>
    tpu.wait_dma2 semaphore(%arg10 : memref<!tpu.dma_semaphore, #tpu.memory_space<semaphore_mem>>) src(%arg7 : memref<128x256xf32, #tpu.memory_space<vmem>>) dst(%dma_wait3A_400 : memref<128x256xf32, #tpu.memory_space<hbm>>)
    %dma_wait3A_401 = arith.constant 0 : i32
    %dma_wait3A_402 = tpu.memref_slice %arg4[%select_n3A, %add3A_388, %dma_wait3A_401] : memref<2x8192x256xf32, #tpu.memory_space<hbm>> -> memref<1x128x256xf32, #tpu.memory_space<hbm>>
    %dma_wait3A_403 = tpu.memref_squeeze %dma_wait3A_402 : memref<1x128x256xf32, #tpu.memory_space<hbm>> -> memref<128x256xf32, #tpu.memory_space<hbm>>
    %dma_wait3A_404 = arith.constant 0 : i32
    %dma_wait3A_405 = tpu.memref_slice %arg4[%select_n3A, %add3A_388, %dma_wait3A_404] : memref<2x8192x256xf32, #tpu.memory_space<hbm>> -> memref<1x128x256xf32, #tpu.memory_space<hbm>>
    %dma_wait3A_406 = tpu.memref_squeeze %dma_wait3A_405 : memref<1x128x256xf32, #tpu.memory_space<hbm>> -> memref<128x256xf32, #tpu.memory_space<hbm>>
    tpu.wait_dma2 semaphore(%arg10 : memref<!tpu.dma_semaphore, #tpu.memory_space<semaphore_mem>>) src(%arg8 : memref<128x256xf32, #tpu.memory_space<vmem>>) dst(%dma_wait3A_406 : memref<128x256xf32, #tpu.memory_space<hbm>>)
    return
  }
}

#map = affine_map<(d0, d1) -> (0, 0)>
#map1 = affine_map<(d0, d1) -> (0)>
#map2 = affine_map<(d0, d1) -> (0, 0, 0)>
module attributes {stable_mosaic.version = 14 : i64} {
  func.func @gather_k(%arg0: i32, %arg1: i32, %arg2: memref<11764x256xf32, #tpu.memory_space<hbm>>, %arg3: memref<8192xi32, #tpu.memory_space<hbm>>, %arg4: memref<2x8192x256xf32, #tpu.memory_space<hbm>>, %arg5: memref<128xi32, #tpu.memory_space<vmem>>, %arg6: memref<128xi32, #tpu.memory_space<vmem>>, %arg7: memref<128x256xf32, #tpu.memory_space<vmem>>, %arg8: memref<128x256xf32, #tpu.memory_space<vmem>>, %arg9: memref<!tpu.dma_semaphore, #tpu.memory_space<semaphore_mem>>, %arg10: memref<!tpu.dma_semaphore, #tpu.memory_space<semaphore_mem>>) attributes {dimension_semantics = [#tpu.dimension_semantics<core_parallel>, #tpu.dimension_semantics<subcore_parallel>], iteration_bounds = array<i64: 2, 16>, scalar_prefetch = 0 : i64, scratch_operands = 6 : i64, tpu.core_type = #tpu.core_type<sc_vector_subcore>, window_params = [{transform_indices = #map}, {transform_indices = #map1}, {transform_indices = #map2}]} {
    %mul3A = arith.constant 2 : i32
    %mul3A_0 = arith.muli %arg1, %mul3A : i32
    %add3A = arith.addi %mul3A_0, %arg0 : i32
    %jit3A = arith.constant 16 : i32
    %div3A = arith.divsi %add3A, %jit3A : i32
    %sign3A = arith.constant 0 : i32
    %sign3A_1 = arith.cmpi sgt, %add3A, %sign3A : i32
    %sign3A_2 = arith.extui %sign3A_1 : i1 to i32
    %sign3A_3 = arith.constant 0 : i32
    %sign3A_4 = arith.cmpi slt, %add3A, %sign3A_3 : i32
    %sign3A_5 = arith.extui %sign3A_4 : i1 to i32
    %sign3A_6 = arith.subi %sign3A_2, %sign3A_5 : i32
    %sign3A_7 = arith.constant 0 : i32
    %sign3A_8 = arith.cmpi sgt, %jit3A, %sign3A_7 : i32
    %sign3A_9 = arith.extui %sign3A_8 : i1 to i32
    %sign3A_10 = arith.constant 0 : i32
    %sign3A_11 = arith.cmpi slt, %jit3A, %sign3A_10 : i32
    %sign3A_12 = arith.extui %sign3A_11 : i1 to i32
    %sign3A_13 = arith.subi %sign3A_9, %sign3A_12 : i32
    %ne3A = arith.cmpi ne, %sign3A_6, %sign3A_13 : i32
    %rem3A = arith.remsi %add3A, %jit3A : i32
    %ne3A_14 = arith.constant 0 : i32
    %ne3A_15 = arith.cmpi ne, %rem3A, %ne3A_14 : i32
    %and3A = arith.andi %ne3A, %ne3A_15 : i1
    %sub3A = arith.constant 1 : i32
    %sub3A_16 = arith.subi %div3A, %sub3A : i32
    %select_n3A = arith.select %and3A, %sub3A_16, %div3A : i32
    %jit3A_17 = arith.constant 16 : i32
    %eq3A = arith.constant 0 : i32
    %eq3A_18 = arith.cmpi eq, %jit3A_17, %eq3A : i32
    %jit3A_19 = arith.constant 1 : i32
    %select_n3A_20 = arith.select %eq3A_18, %jit3A_19, %jit3A_17 : i32
    %rem3A_21 = arith.remsi %add3A, %select_n3A_20 : i32
    %ne3A_22 = arith.constant 0 : i32
    %ne3A_23 = arith.cmpi ne, %rem3A_21, %ne3A_22 : i32
    %lt3A = arith.constant 0 : i32
    %lt3A_24 = arith.cmpi slt, %rem3A_21, %lt3A : i32
    %lt3A_25 = arith.constant 0 : i32
    %lt3A_26 = arith.cmpi slt, %select_n3A_20, %lt3A_25 : i32
    %ne3A_27 = arith.xori %lt3A_24, %lt3A_26 : i1
    %and3A_28 = arith.andi %ne3A_27, %ne3A_23 : i1
    %add3A_29 = arith.addi %rem3A_21, %select_n3A_20 : i32
    %select_n3A_30 = arith.select %and3A_28, %add3A_29, %rem3A_21 : i32
    %mul3A_31 = arith.constant 5882 : i32
    %mul3A_32 = arith.muli %select_n3A, %mul3A_31 : i32
    %mul3A_33 = arith.constant 512 : i32
    %mul3A_34 = arith.muli %select_n3A_30, %mul3A_33 : i32
    %add3A_35 = arith.constant 0 : i32
    %add3A_36 = arith.addi %mul3A_34, %add3A_35 : i32
    "tpu.region"() ({
      %run_scoped3A = tpu.sem_alloc : memref<!tpu.dma_semaphore, #tpu.memory_space<semaphore_mem>>
      %dma_start3A_407 = tpu.memref_slice %arg3[%add3A_36] : memref<8192xi32, #tpu.memory_space<hbm>> -> memref<128xi32, #tpu.memory_space<hbm>>
      %dma_start3A_408 = tpu.memref_slice %arg3[%add3A_36] : memref<8192xi32, #tpu.memory_space<hbm>> -> memref<128xi32, #tpu.memory_space<hbm>>
      tpu.enqueue_dma source(%dma_start3A_408 : memref<128xi32, #tpu.memory_space<hbm>>) target(%arg5 : memref<128xi32, #tpu.memory_space<vmem>>) target_semaphore(%run_scoped3A : memref<!tpu.dma_semaphore, #tpu.memory_space<semaphore_mem>>)
      %dma_wait3A_409 = tpu.memref_slice %arg3[%add3A_36] : memref<8192xi32, #tpu.memory_space<hbm>> -> memref<128xi32, #tpu.memory_space<hbm>>
      %dma_wait3A_410 = tpu.memref_slice %arg3[%add3A_36] : memref<8192xi32, #tpu.memory_space<hbm>> -> memref<128xi32, #tpu.memory_space<hbm>>
      tpu.wait_dma2 semaphore(%run_scoped3A : memref<!tpu.dma_semaphore, #tpu.memory_space<semaphore_mem>>) src(%dma_wait3A_410 : memref<128xi32, #tpu.memory_space<hbm>>) dst(%arg5 : memref<128xi32, #tpu.memory_space<vmem>>)
      tpu.yield
    }) : () -> ()
    %get3A = arith.constant 0 : index
    %get3A_37 = tpu.vector_load %arg5[%get3A] {strides = array<i32>} : memref<128xi32, #tpu.memory_space<vmem>>, vector<16xi32>,
    %get3A_38 = vector.shape_cast %get3A_37 : vector<16xi32> to vector<16xi32>
    %add3A_39 = vector.broadcast %mul3A_32 : i32 to vector<16xi32>
    %add3A_40 = arith.addi %get3A_38, %add3A_39 : vector<16xi32>
    %swap3A = arith.constant 0 : index
    %swap3A_41 = tpu.vector_load %arg5[%swap3A] {strides = array<i32>} : memref<128xi32, #tpu.memory_space<vmem>>, vector<16xi32>,
    %swap3A_42 = vector.shape_cast %swap3A_41 : vector<16xi32> to vector<16xi32>
    %swap3A_43 = vector.shape_cast %add3A_40 : vector<16xi32> to vector<16xi32>
    tpu.vector_store %arg5[%swap3A], %swap3A_43 {strides = array<i32>} : memref<128xi32, #tpu.memory_space<vmem>>, vector<16xi32>,
    %get3A_44 = arith.constant 16 : index
    %get3A_45 = tpu.vector_load %arg5[%get3A_44] {strides = array<i32>} : memref<128xi32, #tpu.memory_space<vmem>>, vector<16xi32>,
    %get3A_46 = vector.shape_cast %get3A_45 : vector<16xi32> to vector<16xi32>
    %add3A_47 = vector.broadcast %mul3A_32 : i32 to vector<16xi32>
    %add3A_48 = arith.addi %get3A_46, %add3A_47 : vector<16xi32>
    %swap3A_49 = arith.constant 16 : index
    %swap3A_50 = tpu.vector_load %arg5[%swap3A_49] {strides = array<i32>} : memref<128xi32, #tpu.memory_space<vmem>>, vector<16xi32>,
    %swap3A_51 = vector.shape_cast %swap3A_50 : vector<16xi32> to vector<16xi32>
    %swap3A_52 = vector.shape_cast %add3A_48 : vector<16xi32> to vector<16xi32>
    tpu.vector_store %arg5[%swap3A_49], %swap3A_52 {strides = array<i32>} : memref<128xi32, #tpu.memory_space<vmem>>, vector<16xi32>,
    %get3A_53 = arith.constant 32 : index
    %get3A_54 = tpu.vector_load %arg5[%get3A_53] {strides = array<i32>} : memref<128xi32, #tpu.memory_space<vmem>>, vector<16xi32>,
    %get3A_55 = vector.shape_cast %get3A_54 : vector<16xi32> to vector<16xi32>
    %add3A_56 = vector.broadcast %mul3A_32 : i32 to vector<16xi32>
    %add3A_57 = arith.addi %get3A_55, %add3A_56 : vector<16xi32>
    %swap3A_58 = arith.constant 32 : index
    %swap3A_59 = tpu.vector_load %arg5[%swap3A_58] {strides = array<i32>} : memref<128xi32, #tpu.memory_space<vmem>>, vector<16xi32>,
    %swap3A_60 = vector.shape_cast %swap3A_59 : vector<16xi32> to vector<16xi32>
    %swap3A_61 = vector.shape_cast %add3A_57 : vector<16xi32> to vector<16xi32>
    tpu.vector_store %arg5[%swap3A_58], %swap3A_61 {strides = array<i32>} : memref<128xi32, #tpu.memory_space<vmem>>, vector<16xi32>,
    %get3A_62 = arith.constant 48 : index
    %get3A_63 = tpu.vector_load %arg5[%get3A_62] {strides = array<i32>} : memref<128xi32, #tpu.memory_space<vmem>>, vector<16xi32>,
    %get3A_64 = vector.shape_cast %get3A_63 : vector<16xi32> to vector<16xi32>
    %add3A_65 = vector.broadcast %mul3A_32 : i32 to vector<16xi32>
    %add3A_66 = arith.addi %get3A_64, %add3A_65 : vector<16xi32>
    %swap3A_67 = arith.constant 48 : index
    %swap3A_68 = tpu.vector_load %arg5[%swap3A_67] {strides = array<i32>} : memref<128xi32, #tpu.memory_space<vmem>>, vector<16xi32>,
    %swap3A_69 = vector.shape_cast %swap3A_68 : vector<16xi32> to vector<16xi32>
    %swap3A_70 = vector.shape_cast %add3A_66 : vector<16xi32> to vector<16xi32>
    tpu.vector_store %arg5[%swap3A_67], %swap3A_70 {strides = array<i32>} : memref<128xi32, #tpu.memory_space<vmem>>, vector<16xi32>,
    %get3A_71 = arith.constant 64 : index
    %get3A_72 = tpu.vector_load %arg5[%get3A_71] {strides = array<i32>} : memref<128xi32, #tpu.memory_space<vmem>>, vector<16xi32>,
    %get3A_73 = vector.shape_cast %get3A_72 : vector<16xi32> to vector<16xi32>
    %add3A_74 = vector.broadcast %mul3A_32 : i32 to vector<16xi32>
    %add3A_75 = arith.addi %get3A_73, %add3A_74 : vector<16xi32>
    %swap3A_76 = arith.constant 64 : index
    %swap3A_77 = tpu.vector_load %arg5[%swap3A_76] {strides = array<i32>} : memref<128xi32, #tpu.memory_space<vmem>>, vector<16xi32>,
    %swap3A_78 = vector.shape_cast %swap3A_77 : vector<16xi32> to vector<16xi32>
    %swap3A_79 = vector.shape_cast %add3A_75 : vector<16xi32> to vector<16xi32>
    tpu.vector_store %arg5[%swap3A_76], %swap3A_79 {strides = array<i32>} : memref<128xi32, #tpu.memory_space<vmem>>, vector<16xi32>,
    %get3A_80 = arith.constant 80 : index
    %get3A_81 = tpu.vector_load %arg5[%get3A_80] {strides = array<i32>} : memref<128xi32, #tpu.memory_space<vmem>>, vector<16xi32>,
    %get3A_82 = vector.shape_cast %get3A_81 : vector<16xi32> to vector<16xi32>
    %add3A_83 = vector.broadcast %mul3A_32 : i32 to vector<16xi32>
    %add3A_84 = arith.addi %get3A_82, %add3A_83 : vector<16xi32>
    %swap3A_85 = arith.constant 80 : index
    %swap3A_86 = tpu.vector_load %arg5[%swap3A_85] {strides = array<i32>} : memref<128xi32, #tpu.memory_space<vmem>>, vector<16xi32>,
    %swap3A_87 = vector.shape_cast %swap3A_86 : vector<16xi32> to vector<16xi32>
    %swap3A_88 = vector.shape_cast %add3A_84 : vector<16xi32> to vector<16xi32>
    tpu.vector_store %arg5[%swap3A_85], %swap3A_88 {strides = array<i32>} : memref<128xi32, #tpu.memory_space<vmem>>, vector<16xi32>,
    %get3A_89 = arith.constant 96 : index
    %get3A_90 = tpu.vector_load %arg5[%get3A_89] {strides = array<i32>} : memref<128xi32, #tpu.memory_space<vmem>>, vector<16xi32>,
    %get3A_91 = vector.shape_cast %get3A_90 : vector<16xi32> to vector<16xi32>
    %add3A_92 = vector.broadcast %mul3A_32 : i32 to vector<16xi32>
    %add3A_93 = arith.addi %get3A_91, %add3A_92 : vector<16xi32>
    %swap3A_94 = arith.constant 96 : index
    %swap3A_95 = tpu.vector_load %arg5[%swap3A_94] {strides = array<i32>} : memref<128xi32, #tpu.memory_space<vmem>>, vector<16xi32>,
    %swap3A_96 = vector.shape_cast %swap3A_95 : vector<16xi32> to vector<16xi32>
    %swap3A_97 = vector.shape_cast %add3A_93 : vector<16xi32> to vector<16xi32>
    tpu.vector_store %arg5[%swap3A_94], %swap3A_97 {strides = array<i32>} : memref<128xi32, #tpu.memory_space<vmem>>, vector<16xi32>,
    %get3A_98 = arith.constant 112 : index
    %get3A_99 = tpu.vector_load %arg5[%get3A_98] {strides = array<i32>} : memref<128xi32, #tpu.memory_space<vmem>>, vector<16xi32>,
    %get3A_100 = vector.shape_cast %get3A_99 : vector<16xi32> to vector<16xi32>
    %add3A_101 = vector.broadcast %mul3A_32 : i32 to vector<16xi32>
    %add3A_102 = arith.addi %get3A_100, %add3A_101 : vector<16xi32>
    %swap3A_103 = arith.constant 112 : index
    %swap3A_104 = tpu.vector_load %arg5[%swap3A_103] {strides = array<i32>} : memref<128xi32, #tpu.memory_space<vmem>>, vector<16xi32>,
    %swap3A_105 = vector.shape_cast %swap3A_104 : vector<16xi32> to vector<16xi32>
    %swap3A_106 = vector.shape_cast %add3A_102 : vector<16xi32> to vector<16xi32>
    tpu.vector_store %arg5[%swap3A_103], %swap3A_106 {strides = array<i32>} : memref<128xi32, #tpu.memory_space<vmem>>, vector<16xi32>,
    %dma_start3A = arith.constant 0 : i32
    %dma_start3A_107 = arith.constant 0 : i32
    %dma_start3A_108 = tpu.memref_slice %arg2[%dma_start3A, %dma_start3A_107] : memref<11764x256xf32, #tpu.memory_space<hbm>> -> memref<11764x256xf32, #tpu.memory_space<hbm>>
    tpu.enqueue_indirect_dma source(%dma_start3A_108 : memref<11764x256xf32, #tpu.memory_space<hbm>>) target(%arg7 : memref<128x256xf32, #tpu.memory_space<vmem>>) offsets(%arg5 : memref<128xi32, #tpu.memory_space<vmem>>) semaphore(%arg9 : memref<!tpu.dma_semaphore, #tpu.memory_space<semaphore_mem>>)
    %add3A_109 = arith.constant 128 : i32
    %add3A_110 = arith.addi %mul3A_34, %add3A_109 : i32
    "tpu.region"() ({
      %run_scoped3A = tpu.sem_alloc : memref<!tpu.dma_semaphore, #tpu.memory_space<semaphore_mem>>
      %dma_start3A_407 = tpu.memref_slice %arg3[%add3A_110] : memref<8192xi32, #tpu.memory_space<hbm>> -> memref<128xi32, #tpu.memory_space<hbm>>
      %dma_start3A_408 = tpu.memref_slice %arg3[%add3A_110] : memref<8192xi32, #tpu.memory_space<hbm>> -> memref<128xi32, #tpu.memory_space<hbm>>
      tpu.enqueue_dma source(%dma_start3A_408 : memref<128xi32, #tpu.memory_space<hbm>>) target(%arg6 : memref<128xi32, #tpu.memory_space<vmem>>) target_semaphore(%run_scoped3A : memref<!tpu.dma_semaphore, #tpu.memory_space<semaphore_mem>>)
      %dma_wait3A_409 = tpu.memref_slice %arg3[%add3A_110] : memref<8192xi32, #tpu.memory_space<hbm>> -> memref<128xi32, #tpu.memory_space<hbm>>
      %dma_wait3A_410 = tpu.memref_slice %arg3[%add3A_110] : memref<8192xi32, #tpu.memory_space<hbm>> -> memref<128xi32, #tpu.memory_space<hbm>>
      tpu.wait_dma2 semaphore(%run_scoped3A : memref<!tpu.dma_semaphore, #tpu.memory_space<semaphore_mem>>) src(%dma_wait3A_410 : memref<128xi32, #tpu.memory_space<hbm>>) dst(%arg6 : memref<128xi32, #tpu.memory_space<vmem>>)
      tpu.yield
    }) : () -> ()
    %get3A_111 = arith.constant 0 : index
    %get3A_112 = tpu.vector_load %arg6[%get3A_111] {strides = array<i32>} : memref<128xi32, #tpu.memory_space<vmem>>, vector<16xi32>,
    %get3A_113 = vector.shape_cast %get3A_112 : vector<16xi32> to vector<16xi32>
    %add3A_114 = vector.broadcast %mul3A_32 : i32 to vector<16xi32>
    %add3A_115 = arith.addi %get3A_113, %add3A_114 : vector<16xi32>
    %swap3A_116 = arith.constant 0 : index
    %swap3A_117 = tpu.vector_load %arg6[%swap3A_116] {strides = array<i32>} : memref<128xi32, #tpu.memory_space<vmem>>, vector<16xi32>,
    %swap3A_118 = vector.shape_cast %swap3A_117 : vector<16xi32> to vector<16xi32>
    %swap3A_119 = vector.shape_cast %add3A_115 : vector<16xi32> to vector<16xi32>
    tpu.vector_store %arg6[%swap3A_116], %swap3A_119 {strides = array<i32>} : memref<128xi32, #tpu.memory_space<vmem>>, vector<16xi32>,
    %get3A_120 = arith.constant 16 : index
    %get3A_121 = tpu.vector_load %arg6[%get3A_120] {strides = array<i32>} : memref<128xi32, #tpu.memory_space<vmem>>, vector<16xi32>,
    %get3A_122 = vector.shape_cast %get3A_121 : vector<16xi32> to vector<16xi32>
    %add3A_123 = vector.broadcast %mul3A_32 : i32 to vector<16xi32>
    %add3A_124 = arith.addi %get3A_122, %add3A_123 : vector<16xi32>
    %swap3A_125 = arith.constant 16 : index
    %swap3A_126 = tpu.vector_load %arg6[%swap3A_125] {strides = array<i32>} : memref<128xi32, #tpu.memory_space<vmem>>, vector<16xi32>,
    %swap3A_127 = vector.shape_cast %swap3A_126 : vector<16xi32> to vector<16xi32>
    %swap3A_128 = vector.shape_cast %add3A_124 : vector<16xi32> to vector<16xi32>
    tpu.vector_store %arg6[%swap3A_125], %swap3A_128 {strides = array<i32>} : memref<128xi32, #tpu.memory_space<vmem>>, vector<16xi32>,
    %get3A_129 = arith.constant 32 : index
    %get3A_130 = tpu.vector_load %arg6[%get3A_129] {strides = array<i32>} : memref<128xi32, #tpu.memory_space<vmem>>, vector<16xi32>,
    %get3A_131 = vector.shape_cast %get3A_130 : vector<16xi32> to vector<16xi32>
    %add3A_132 = vector.broadcast %mul3A_32 : i32 to vector<16xi32>
    %add3A_133 = arith.addi %get3A_131, %add3A_132 : vector<16xi32>
    %swap3A_134 = arith.constant 32 : index
    %swap3A_135 = tpu.vector_load %arg6[%swap3A_134] {strides = array<i32>} : memref<128xi32, #tpu.memory_space<vmem>>, vector<16xi32>,
    %swap3A_136 = vector.shape_cast %swap3A_135 : vector<16xi32> to vector<16xi32>
    %swap3A_137 = vector.shape_cast %add3A_133 : vector<16xi32> to vector<16xi32>
    tpu.vector_store %arg6[%swap3A_134], %swap3A_137 {strides = array<i32>} : memref<128xi32, #tpu.memory_space<vmem>>, vector<16xi32>,
    %get3A_138 = arith.constant 48 : index
    %get3A_139 = tpu.vector_load %arg6[%get3A_138] {strides = array<i32>} : memref<128xi32, #tpu.memory_space<vmem>>, vector<16xi32>,
    %get3A_140 = vector.shape_cast %get3A_139 : vector<16xi32> to vector<16xi32>
    %add3A_141 = vector.broadcast %mul3A_32 : i32 to vector<16xi32>
    %add3A_142 = arith.addi %get3A_140, %add3A_141 : vector<16xi32>
    %swap3A_143 = arith.constant 48 : index
    %swap3A_144 = tpu.vector_load %arg6[%swap3A_143] {strides = array<i32>} : memref<128xi32, #tpu.memory_space<vmem>>, vector<16xi32>,
    %swap3A_145 = vector.shape_cast %swap3A_144 : vector<16xi32> to vector<16xi32>
    %swap3A_146 = vector.shape_cast %add3A_142 : vector<16xi32> to vector<16xi32>
    tpu.vector_store %arg6[%swap3A_143], %swap3A_146 {strides = array<i32>} : memref<128xi32, #tpu.memory_space<vmem>>, vector<16xi32>,
    %get3A_147 = arith.constant 64 : index
    %get3A_148 = tpu.vector_load %arg6[%get3A_147] {strides = array<i32>} : memref<128xi32, #tpu.memory_space<vmem>>, vector<16xi32>,
    %get3A_149 = vector.shape_cast %get3A_148 : vector<16xi32> to vector<16xi32>
    %add3A_150 = vector.broadcast %mul3A_32 : i32 to vector<16xi32>
    %add3A_151 = arith.addi %get3A_149, %add3A_150 : vector<16xi32>
    %swap3A_152 = arith.constant 64 : index
    %swap3A_153 = tpu.vector_load %arg6[%swap3A_152] {strides = array<i32>} : memref<128xi32, #tpu.memory_space<vmem>>, vector<16xi32>,
    %swap3A_154 = vector.shape_cast %swap3A_153 : vector<16xi32> to vector<16xi32>
    %swap3A_155 = vector.shape_cast %add3A_151 : vector<16xi32> to vector<16xi32>
    tpu.vector_store %arg6[%swap3A_152], %swap3A_155 {strides = array<i32>} : memref<128xi32, #tpu.memory_space<vmem>>, vector<16xi32>,
    %get3A_156 = arith.constant 80 : index
    %get3A_157 = tpu.vector_load %arg6[%get3A_156] {strides = array<i32>} : memref<128xi32, #tpu.memory_space<vmem>>, vector<16xi32>,
    %get3A_158 = vector.shape_cast %get3A_157 : vector<16xi32> to vector<16xi32>
    %add3A_159 = vector.broadcast %mul3A_32 : i32 to vector<16xi32>
    %add3A_160 = arith.addi %get3A_158, %add3A_159 : vector<16xi32>
    %swap3A_161 = arith.constant 80 : index
    %swap3A_162 = tpu.vector_load %arg6[%swap3A_161] {strides = array<i32>} : memref<128xi32, #tpu.memory_space<vmem>>, vector<16xi32>,
    %swap3A_163 = vector.shape_cast %swap3A_162 : vector<16xi32> to vector<16xi32>
    %swap3A_164 = vector.shape_cast %add3A_160 : vector<16xi32> to vector<16xi32>
    tpu.vector_store %arg6[%swap3A_161], %swap3A_164 {strides = array<i32>} : memref<128xi32, #tpu.memory_space<vmem>>, vector<16xi32>,
    %get3A_165 = arith.constant 96 : index
    %get3A_166 = tpu.vector_load %arg6[%get3A_165] {strides = array<i32>} : memref<128xi32, #tpu.memory_space<vmem>>, vector<16xi32>,
    %get3A_167 = vector.shape_cast %get3A_166 : vector<16xi32> to vector<16xi32>
    %add3A_168 = vector.broadcast %mul3A_32 : i32 to vector<16xi32>
    %add3A_169 = arith.addi %get3A_167, %add3A_168 : vector<16xi32>
    %swap3A_170 = arith.constant 96 : index
    %swap3A_171 = tpu.vector_load %arg6[%swap3A_170] {strides = array<i32>} : memref<128xi32, #tpu.memory_space<vmem>>, vector<16xi32>,
    %swap3A_172 = vector.shape_cast %swap3A_171 : vector<16xi32> to vector<16xi32>
    %swap3A_173 = vector.shape_cast %add3A_169 : vector<16xi32> to vector<16xi32>
    tpu.vector_store %arg6[%swap3A_170], %swap3A_173 {strides = array<i32>} : memref<128xi32, #tpu.memory_space<vmem>>, vector<16xi32>,
    %get3A_174 = arith.constant 112 : index
    %get3A_175 = tpu.vector_load %arg6[%get3A_174] {strides = array<i32>} : memref<128xi32, #tpu.memory_space<vmem>>, vector<16xi32>,
    %get3A_176 = vector.shape_cast %get3A_175 : vector<16xi32> to vector<16xi32>
    %add3A_177 = vector.broadcast %mul3A_32 : i32 to vector<16xi32>
    %add3A_178 = arith.addi %get3A_176, %add3A_177 : vector<16xi32>
    %swap3A_179 = arith.constant 112 : index
    %swap3A_180 = tpu.vector_load %arg6[%swap3A_179] {strides = array<i32>} : memref<128xi32, #tpu.memory_space<vmem>>, vector<16xi32>,
    %swap3A_181 = vector.shape_cast %swap3A_180 : vector<16xi32> to vector<16xi32>
    %swap3A_182 = vector.shape_cast %add3A_178 : vector<16xi32> to vector<16xi32>
    tpu.vector_store %arg6[%swap3A_179], %swap3A_182 {strides = array<i32>} : memref<128xi32, #tpu.memory_space<vmem>>, vector<16xi32>,
    %dma_start3A_183 = arith.constant 0 : i32
    %dma_start3A_184 = arith.constant 0 : i32
    %dma_start3A_185 = tpu.memref_slice %arg2[%dma_start3A_183, %dma_start3A_184] : memref<11764x256xf32, #tpu.memory_space<hbm>> -> memref<11764x256xf32, #tpu.memory_space<hbm>>
    tpu.enqueue_indirect_dma source(%dma_start3A_185 : memref<11764x256xf32, #tpu.memory_space<hbm>>) target(%arg8 : memref<128x256xf32, #tpu.memory_space<vmem>>) offsets(%arg6 : memref<128xi32, #tpu.memory_space<vmem>>) semaphore(%arg9 : memref<!tpu.dma_semaphore, #tpu.memory_space<semaphore_mem>>)
    %dma_wait3A = arith.constant 0 : i32
    %dma_wait3A_186 = arith.constant 0 : i32
    %dma_wait3A_187 = tpu.memref_slice %arg2[%dma_wait3A, %dma_wait3A_186] : memref<11764x256xf32, #tpu.memory_space<hbm>> -> memref<11764x256xf32, #tpu.memory_space<hbm>>
    tpu.wait_indirect_dma semaphore(%arg9 : memref<!tpu.dma_semaphore, #tpu.memory_space<semaphore_mem>>) src(%dma_wait3A_187 : memref<11764x256xf32, #tpu.memory_space<hbm>>) dst(%arg7 : memref<128x256xf32, #tpu.memory_space<vmem>>)
    %add3A_188 = arith.constant 0 : i32
    %add3A_189 = arith.addi %mul3A_34, %add3A_188 : i32
    %dma_start3A_190 = arith.constant 0 : i32
    %dma_start3A_191 = tpu.memref_slice %arg4[%select_n3A, %add3A_189, %dma_start3A_190] : memref<2x8192x256xf32, #tpu.memory_space<hbm>> -> memref<1x128x256xf32, #tpu.memory_space<hbm>>
    %dma_start3A_192 = tpu.memref_squeeze %dma_start3A_191 : memref<1x128x256xf32, #tpu.memory_space<hbm>> -> memref<128x256xf32, #tpu.memory_space<hbm>>
    %dma_start3A_193 = arith.constant 0 : i32
    %dma_start3A_194 = tpu.memref_slice %arg4[%select_n3A, %add3A_189, %dma_start3A_193] : memref<2x8192x256xf32, #tpu.memory_space<hbm>> -> memref<1x128x256xf32, #tpu.memory_space<hbm>>
    %dma_start3A_195 = tpu.memref_squeeze %dma_start3A_194 : memref<1x128x256xf32, #tpu.memory_space<hbm>> -> memref<128x256xf32, #tpu.memory_space<hbm>>
    tpu.enqueue_dma source(%arg7 : memref<128x256xf32, #tpu.memory_space<vmem>>) target(%dma_start3A_195 : memref<128x256xf32, #tpu.memory_space<hbm>>) target_semaphore(%arg10 : memref<!tpu.dma_semaphore, #tpu.memory_space<semaphore_mem>>)
    %dma_wait3A_196 = arith.constant 0 : i32
    %dma_wait3A_197 = tpu.memref_slice %arg4[%select_n3A, %add3A_189, %dma_wait3A_196] : memref<2x8192x256xf32, #tpu.memory_space<hbm>> -> memref<1x128x256xf32, #tpu.memory_space<hbm>>
    %dma_wait3A_198 = tpu.memref_squeeze %dma_wait3A_197 : memref<1x128x256xf32, #tpu.memory_space<hbm>> -> memref<128x256xf32, #tpu.memory_space<hbm>>
    %dma_wait3A_199 = arith.constant 0 : i32
    %dma_wait3A_200 = tpu.memref_slice %arg4[%select_n3A, %add3A_189, %dma_wait3A_199] : memref<2x8192x256xf32, #tpu.memory_space<hbm>> -> memref<1x128x256xf32, #tpu.memory_space<hbm>>
    %dma_wait3A_201 = tpu.memref_squeeze %dma_wait3A_200 : memref<1x128x256xf32, #tpu.memory_space<hbm>> -> memref<128x256xf32, #tpu.memory_space<hbm>>
    tpu.wait_dma2 semaphore(%arg10 : memref<!tpu.dma_semaphore, #tpu.memory_space<semaphore_mem>>) src(%arg7 : memref<128x256xf32, #tpu.memory_space<vmem>>) dst(%dma_wait3A_201 : memref<128x256xf32, #tpu.memory_space<hbm>>)
    %add3A_202 = arith.constant 256 : i32
    %add3A_203 = arith.addi %mul3A_34, %add3A_202 : i32
    "tpu.region"() ({
      %run_scoped3A = tpu.sem_alloc : memref<!tpu.dma_semaphore, #tpu.memory_space<semaphore_mem>>
      %dma_start3A_407 = tpu.memref_slice %arg3[%add3A_203] : memref<8192xi32, #tpu.memory_space<hbm>> -> memref<128xi32, #tpu.memory_space<hbm>>
      %dma_start3A_408 = tpu.memref_slice %arg3[%add3A_203] : memref<8192xi32, #tpu.memory_space<hbm>> -> memref<128xi32, #tpu.memory_space<hbm>>
      tpu.enqueue_dma source(%dma_start3A_408 : memref<128xi32, #tpu.memory_space<hbm>>) target(%arg5 : memref<128xi32, #tpu.memory_space<vmem>>) target_semaphore(%run_scoped3A : memref<!tpu.dma_semaphore, #tpu.memory_space<semaphore_mem>>)
      %dma_wait3A_409 = tpu.memref_slice %arg3[%add3A_203] : memref<8192xi32, #tpu.memory_space<hbm>> -> memref<128xi32, #tpu.memory_space<hbm>>
      %dma_wait3A_410 = tpu.memref_slice %arg3[%add3A_203] : memref<8192xi32, #tpu.memory_space<hbm>> -> memref<128xi32, #tpu.memory_space<hbm>>
      tpu.wait_dma2 semaphore(%run_scoped3A : memref<!tpu.dma_semaphore, #tpu.memory_space<semaphore_mem>>) src(%dma_wait3A_410 : memref<128xi32, #tpu.memory_space<hbm>>) dst(%arg5 : memref<128xi32, #tpu.memory_space<vmem>>)
      tpu.yield
    }) : () -> ()
    %get3A_204 = arith.constant 0 : index
    %get3A_205 = tpu.vector_load %arg5[%get3A_204] {strides = array<i32>} : memref<128xi32, #tpu.memory_space<vmem>>, vector<16xi32>,
    %get3A_206 = vector.shape_cast %get3A_205 : vector<16xi32> to vector<16xi32>
    %add3A_207 = vector.broadcast %mul3A_32 : i32 to vector<16xi32>
    %add3A_208 = arith.addi %get3A_206, %add3A_207 : vector<16xi32>
    %swap3A_209 = arith.constant 0 : index
    %swap3A_210 = tpu.vector_load %arg5[%swap3A_209] {strides = array<i32>} : memref<128xi32, #tpu.memory_space<vmem>>, vector<16xi32>,
    %swap3A_211 = vector.shape_cast %swap3A_210 : vector<16xi32> to vector<16xi32>
    %swap3A_212 = vector.shape_cast %add3A_208 : vector<16xi32> to vector<16xi32>
    tpu.vector_store %arg5[%swap3A_209], %swap3A_212 {strides = array<i32>} : memref<128xi32, #tpu.memory_space<vmem>>, vector<16xi32>,
    %get3A_213 = arith.constant 16 : index
    %get3A_214 = tpu.vector_load %arg5[%get3A_213] {strides = array<i32>} : memref<128xi32, #tpu.memory_space<vmem>>, vector<16xi32>,
    %get3A_215 = vector.shape_cast %get3A_214 : vector<16xi32> to vector<16xi32>
    %add3A_216 = vector.broadcast %mul3A_32 : i32 to vector<16xi32>
    %add3A_217 = arith.addi %get3A_215, %add3A_216 : vector<16xi32>
    %swap3A_218 = arith.constant 16 : index
    %swap3A_219 = tpu.vector_load %arg5[%swap3A_218] {strides = array<i32>} : memref<128xi32, #tpu.memory_space<vmem>>, vector<16xi32>,
    %swap3A_220 = vector.shape_cast %swap3A_219 : vector<16xi32> to vector<16xi32>
    %swap3A_221 = vector.shape_cast %add3A_217 : vector<16xi32> to vector<16xi32>
    tpu.vector_store %arg5[%swap3A_218], %swap3A_221 {strides = array<i32>} : memref<128xi32, #tpu.memory_space<vmem>>, vector<16xi32>,
    %get3A_222 = arith.constant 32 : index
    %get3A_223 = tpu.vector_load %arg5[%get3A_222] {strides = array<i32>} : memref<128xi32, #tpu.memory_space<vmem>>, vector<16xi32>,
    %get3A_224 = vector.shape_cast %get3A_223 : vector<16xi32> to vector<16xi32>
    %add3A_225 = vector.broadcast %mul3A_32 : i32 to vector<16xi32>
    %add3A_226 = arith.addi %get3A_224, %add3A_225 : vector<16xi32>
    %swap3A_227 = arith.constant 32 : index
    %swap3A_228 = tpu.vector_load %arg5[%swap3A_227] {strides = array<i32>} : memref<128xi32, #tpu.memory_space<vmem>>, vector<16xi32>,
    %swap3A_229 = vector.shape_cast %swap3A_228 : vector<16xi32> to vector<16xi32>
    %swap3A_230 = vector.shape_cast %add3A_226 : vector<16xi32> to vector<16xi32>
    tpu.vector_store %arg5[%swap3A_227], %swap3A_230 {strides = array<i32>} : memref<128xi32, #tpu.memory_space<vmem>>, vector<16xi32>,
    %get3A_231 = arith.constant 48 : index
    %get3A_232 = tpu.vector_load %arg5[%get3A_231] {strides = array<i32>} : memref<128xi32, #tpu.memory_space<vmem>>, vector<16xi32>,
    %get3A_233 = vector.shape_cast %get3A_232 : vector<16xi32> to vector<16xi32>
    %add3A_234 = vector.broadcast %mul3A_32 : i32 to vector<16xi32>
    %add3A_235 = arith.addi %get3A_233, %add3A_234 : vector<16xi32>
    %swap3A_236 = arith.constant 48 : index
    %swap3A_237 = tpu.vector_load %arg5[%swap3A_236] {strides = array<i32>} : memref<128xi32, #tpu.memory_space<vmem>>, vector<16xi32>,
    %swap3A_238 = vector.shape_cast %swap3A_237 : vector<16xi32> to vector<16xi32>
    %swap3A_239 = vector.shape_cast %add3A_235 : vector<16xi32> to vector<16xi32>
    tpu.vector_store %arg5[%swap3A_236], %swap3A_239 {strides = array<i32>} : memref<128xi32, #tpu.memory_space<vmem>>, vector<16xi32>,
    %get3A_240 = arith.constant 64 : index
    %get3A_241 = tpu.vector_load %arg5[%get3A_240] {strides = array<i32>} : memref<128xi32, #tpu.memory_space<vmem>>, vector<16xi32>,
    %get3A_242 = vector.shape_cast %get3A_241 : vector<16xi32> to vector<16xi32>
    %add3A_243 = vector.broadcast %mul3A_32 : i32 to vector<16xi32>
    %add3A_244 = arith.addi %get3A_242, %add3A_243 : vector<16xi32>
    %swap3A_245 = arith.constant 64 : index
    %swap3A_246 = tpu.vector_load %arg5[%swap3A_245] {strides = array<i32>} : memref<128xi32, #tpu.memory_space<vmem>>, vector<16xi32>,
    %swap3A_247 = vector.shape_cast %swap3A_246 : vector<16xi32> to vector<16xi32>
    %swap3A_248 = vector.shape_cast %add3A_244 : vector<16xi32> to vector<16xi32>
    tpu.vector_store %arg5[%swap3A_245], %swap3A_248 {strides = array<i32>} : memref<128xi32, #tpu.memory_space<vmem>>, vector<16xi32>,
    %get3A_249 = arith.constant 80 : index
    %get3A_250 = tpu.vector_load %arg5[%get3A_249] {strides = array<i32>} : memref<128xi32, #tpu.memory_space<vmem>>, vector<16xi32>,
    %get3A_251 = vector.shape_cast %get3A_250 : vector<16xi32> to vector<16xi32>
    %add3A_252 = vector.broadcast %mul3A_32 : i32 to vector<16xi32>
    %add3A_253 = arith.addi %get3A_251, %add3A_252 : vector<16xi32>
    %swap3A_254 = arith.constant 80 : index
    %swap3A_255 = tpu.vector_load %arg5[%swap3A_254] {strides = array<i32>} : memref<128xi32, #tpu.memory_space<vmem>>, vector<16xi32>,
    %swap3A_256 = vector.shape_cast %swap3A_255 : vector<16xi32> to vector<16xi32>
    %swap3A_257 = vector.shape_cast %add3A_253 : vector<16xi32> to vector<16xi32>
    tpu.vector_store %arg5[%swap3A_254], %swap3A_257 {strides = array<i32>} : memref<128xi32, #tpu.memory_space<vmem>>, vector<16xi32>,
    %get3A_258 = arith.constant 96 : index
    %get3A_259 = tpu.vector_load %arg5[%get3A_258] {strides = array<i32>} : memref<128xi32, #tpu.memory_space<vmem>>, vector<16xi32>,
    %get3A_260 = vector.shape_cast %get3A_259 : vector<16xi32> to vector<16xi32>
    %add3A_261 = vector.broadcast %mul3A_32 : i32 to vector<16xi32>
    %add3A_262 = arith.addi %get3A_260, %add3A_261 : vector<16xi32>
    %swap3A_263 = arith.constant 96 : index
    %swap3A_264 = tpu.vector_load %arg5[%swap3A_263] {strides = array<i32>} : memref<128xi32, #tpu.memory_space<vmem>>, vector<16xi32>,
    %swap3A_265 = vector.shape_cast %swap3A_264 : vector<16xi32> to vector<16xi32>
    %swap3A_266 = vector.shape_cast %add3A_262 : vector<16xi32> to vector<16xi32>
    tpu.vector_store %arg5[%swap3A_263], %swap3A_266 {strides = array<i32>} : memref<128xi32, #tpu.memory_space<vmem>>, vector<16xi32>,
    %get3A_267 = arith.constant 112 : index
    %get3A_268 = tpu.vector_load %arg5[%get3A_267] {strides = array<i32>} : memref<128xi32, #tpu.memory_space<vmem>>, vector<16xi32>,
    %get3A_269 = vector.shape_cast %get3A_268 : vector<16xi32> to vector<16xi32>
    %add3A_270 = vector.broadcast %mul3A_32 : i32 to vector<16xi32>
    %add3A_271 = arith.addi %get3A_269, %add3A_270 : vector<16xi32>
    %swap3A_272 = arith.constant 112 : index
    %swap3A_273 = tpu.vector_load %arg5[%swap3A_272] {strides = array<i32>} : memref<128xi32, #tpu.memory_space<vmem>>, vector<16xi32>,
    %swap3A_274 = vector.shape_cast %swap3A_273 : vector<16xi32> to vector<16xi32>
    %swap3A_275 = vector.shape_cast %add3A_271 : vector<16xi32> to vector<16xi32>
    tpu.vector_store %arg5[%swap3A_272], %swap3A_275 {strides = array<i32>} : memref<128xi32, #tpu.memory_space<vmem>>, vector<16xi32>,
    %dma_start3A_276 = arith.constant 0 : i32
    %dma_start3A_277 = arith.constant 0 : i32
    %dma_start3A_278 = tpu.memref_slice %arg2[%dma_start3A_276, %dma_start3A_277] : memref<11764x256xf32, #tpu.memory_space<hbm>> -> memref<11764x256xf32, #tpu.memory_space<hbm>>
    tpu.enqueue_indirect_dma source(%dma_start3A_278 : memref<11764x256xf32, #tpu.memory_space<hbm>>) target(%arg7 : memref<128x256xf32, #tpu.memory_space<vmem>>) offsets(%arg5 : memref<128xi32, #tpu.memory_space<vmem>>) semaphore(%arg9 : memref<!tpu.dma_semaphore, #tpu.memory_space<semaphore_mem>>)
    %dma_wait3A_279 = arith.constant 0 : i32
    %dma_wait3A_280 = arith.constant 0 : i32
    %dma_wait3A_281 = tpu.memref_slice %arg2[%dma_wait3A_279, %dma_wait3A_280] : memref<11764x256xf32, #tpu.memory_space<hbm>> -> memref<11764x256xf32, #tpu.memory_space<hbm>>
    tpu.wait_indirect_dma semaphore(%arg9 : memref<!tpu.dma_semaphore, #tpu.memory_space<semaphore_mem>>) src(%dma_wait3A_281 : memref<11764x256xf32, #tpu.memory_space<hbm>>) dst(%arg8 : memref<128x256xf32, #tpu.memory_space<vmem>>)
    %add3A_282 = arith.constant 128 : i32
    %add3A_283 = arith.addi %mul3A_34, %add3A_282 : i32
    %dma_start3A_284 = arith.constant 0 : i32
    %dma_start3A_285 = tpu.memref_slice %arg4[%select_n3A, %add3A_283, %dma_start3A_284] : memref<2x8192x256xf32, #tpu.memory_space<hbm>> -> memref<1x128x256xf32, #tpu.memory_space<hbm>>
    %dma_start3A_286 = tpu.memref_squeeze %dma_start3A_285 : memref<1x128x256xf32, #tpu.memory_space<hbm>> -> memref<128x256xf32, #tpu.memory_space<hbm>>
    %dma_start3A_287 = arith.constant 0 : i32
    %dma_start3A_288 = tpu.memref_slice %arg4[%select_n3A, %add3A_283, %dma_start3A_287] : memref<2x8192x256xf32, #tpu.memory_space<hbm>> -> memref<1x128x256xf32, #tpu.memory_space<hbm>>
    %dma_start3A_289 = tpu.memref_squeeze %dma_start3A_288 : memref<1x128x256xf32, #tpu.memory_space<hbm>> -> memref<128x256xf32, #tpu.memory_space<hbm>>
    tpu.enqueue_dma source(%arg8 : memref<128x256xf32, #tpu.memory_space<vmem>>) target(%dma_start3A_289 : memref<128x256xf32, #tpu.memory_space<hbm>>) target_semaphore(%arg10 : memref<!tpu.dma_semaphore, #tpu.memory_space<semaphore_mem>>)
    %dma_wait3A_290 = arith.constant 0 : i32
    %dma_wait3A_291 = tpu.memref_slice %arg4[%select_n3A, %add3A_283, %dma_wait3A_290] : memref<2x8192x256xf32, #tpu.memory_space<hbm>> -> memref<1x128x256xf32, #tpu.memory_space<hbm>>
    %dma_wait3A_292 = tpu.memref_squeeze %dma_wait3A_291 : memref<1x128x256xf32, #tpu.memory_space<hbm>> -> memref<128x256xf32, #tpu.memory_space<hbm>>
    %dma_wait3A_293 = arith.constant 0 : i32
    %dma_wait3A_294 = tpu.memref_slice %arg4[%select_n3A, %add3A_283, %dma_wait3A_293] : memref<2x8192x256xf32, #tpu.memory_space<hbm>> -> memref<1x128x256xf32, #tpu.memory_space<hbm>>
    %dma_wait3A_295 = tpu.memref_squeeze %dma_wait3A_294 : memref<1x128x256xf32, #tpu.memory_space<hbm>> -> memref<128x256xf32, #tpu.memory_space<hbm>>
    tpu.wait_dma2 semaphore(%arg10 : memref<!tpu.dma_semaphore, #tpu.memory_space<semaphore_mem>>) src(%arg8 : memref<128x256xf32, #tpu.memory_space<vmem>>) dst(%dma_wait3A_295 : memref<128x256xf32, #tpu.memory_space<hbm>>)
    %add3A_296 = arith.constant 384 : i32
    %add3A_297 = arith.addi %mul3A_34, %add3A_296 : i32
    "tpu.region"() ({
      %run_scoped3A = tpu.sem_alloc : memref<!tpu.dma_semaphore, #tpu.memory_space<semaphore_mem>>
      %dma_start3A_407 = tpu.memref_slice %arg3[%add3A_297] : memref<8192xi32, #tpu.memory_space<hbm>> -> memref<128xi32, #tpu.memory_space<hbm>>
      %dma_start3A_408 = tpu.memref_slice %arg3[%add3A_297] : memref<8192xi32, #tpu.memory_space<hbm>> -> memref<128xi32, #tpu.memory_space<hbm>>
      tpu.enqueue_dma source(%dma_start3A_408 : memref<128xi32, #tpu.memory_space<hbm>>) target(%arg6 : memref<128xi32, #tpu.memory_space<vmem>>) target_semaphore(%run_scoped3A : memref<!tpu.dma_semaphore, #tpu.memory_space<semaphore_mem>>)
      %dma_wait3A_409 = tpu.memref_slice %arg3[%add3A_297] : memref<8192xi32, #tpu.memory_space<hbm>> -> memref<128xi32, #tpu.memory_space<hbm>>
      %dma_wait3A_410 = tpu.memref_slice %arg3[%add3A_297] : memref<8192xi32, #tpu.memory_space<hbm>> -> memref<128xi32, #tpu.memory_space<hbm>>
      tpu.wait_dma2 semaphore(%run_scoped3A : memref<!tpu.dma_semaphore, #tpu.memory_space<semaphore_mem>>) src(%dma_wait3A_410 : memref<128xi32, #tpu.memory_space<hbm>>) dst(%arg6 : memref<128xi32, #tpu.memory_space<vmem>>)
      tpu.yield
    }) : () -> ()
    %get3A_298 = arith.constant 0 : index
    %get3A_299 = tpu.vector_load %arg6[%get3A_298] {strides = array<i32>} : memref<128xi32, #tpu.memory_space<vmem>>, vector<16xi32>,
    %get3A_300 = vector.shape_cast %get3A_299 : vector<16xi32> to vector<16xi32>
    %add3A_301 = vector.broadcast %mul3A_32 : i32 to vector<16xi32>
    %add3A_302 = arith.addi %get3A_300, %add3A_301 : vector<16xi32>
    %swap3A_303 = arith.constant 0 : index
    %swap3A_304 = tpu.vector_load %arg6[%swap3A_303] {strides = array<i32>} : memref<128xi32, #tpu.memory_space<vmem>>, vector<16xi32>,
    %swap3A_305 = vector.shape_cast %swap3A_304 : vector<16xi32> to vector<16xi32>
    %swap3A_306 = vector.shape_cast %add3A_302 : vector<16xi32> to vector<16xi32>
    tpu.vector_store %arg6[%swap3A_303], %swap3A_306 {strides = array<i32>} : memref<128xi32, #tpu.memory_space<vmem>>, vector<16xi32>,
    %get3A_307 = arith.constant 16 : index
    %get3A_308 = tpu.vector_load %arg6[%get3A_307] {strides = array<i32>} : memref<128xi32, #tpu.memory_space<vmem>>, vector<16xi32>,
    %get3A_309 = vector.shape_cast %get3A_308 : vector<16xi32> to vector<16xi32>
    %add3A_310 = vector.broadcast %mul3A_32 : i32 to vector<16xi32>
    %add3A_311 = arith.addi %get3A_309, %add3A_310 : vector<16xi32>
    %swap3A_312 = arith.constant 16 : index
    %swap3A_313 = tpu.vector_load %arg6[%swap3A_312] {strides = array<i32>} : memref<128xi32, #tpu.memory_space<vmem>>, vector<16xi32>,
    %swap3A_314 = vector.shape_cast %swap3A_313 : vector<16xi32> to vector<16xi32>
    %swap3A_315 = vector.shape_cast %add3A_311 : vector<16xi32> to vector<16xi32>
    tpu.vector_store %arg6[%swap3A_312], %swap3A_315 {strides = array<i32>} : memref<128xi32, #tpu.memory_space<vmem>>, vector<16xi32>,
    %get3A_316 = arith.constant 32 : index
    %get3A_317 = tpu.vector_load %arg6[%get3A_316] {strides = array<i32>} : memref<128xi32, #tpu.memory_space<vmem>>, vector<16xi32>,
    %get3A_318 = vector.shape_cast %get3A_317 : vector<16xi32> to vector<16xi32>
    %add3A_319 = vector.broadcast %mul3A_32 : i32 to vector<16xi32>
    %add3A_320 = arith.addi %get3A_318, %add3A_319 : vector<16xi32>
    %swap3A_321 = arith.constant 32 : index
    %swap3A_322 = tpu.vector_load %arg6[%swap3A_321] {strides = array<i32>} : memref<128xi32, #tpu.memory_space<vmem>>, vector<16xi32>,
    %swap3A_323 = vector.shape_cast %swap3A_322 : vector<16xi32> to vector<16xi32>
    %swap3A_324 = vector.shape_cast %add3A_320 : vector<16xi32> to vector<16xi32>
    tpu.vector_store %arg6[%swap3A_321], %swap3A_324 {strides = array<i32>} : memref<128xi32, #tpu.memory_space<vmem>>, vector<16xi32>,
    %get3A_325 = arith.constant 48 : index
    %get3A_326 = tpu.vector_load %arg6[%get3A_325] {strides = array<i32>} : memref<128xi32, #tpu.memory_space<vmem>>, vector<16xi32>,
    %get3A_327 = vector.shape_cast %get3A_326 : vector<16xi32> to vector<16xi32>
    %add3A_328 = vector.broadcast %mul3A_32 : i32 to vector<16xi32>
    %add3A_329 = arith.addi %get3A_327, %add3A_328 : vector<16xi32>
    %swap3A_330 = arith.constant 48 : index
    %swap3A_331 = tpu.vector_load %arg6[%swap3A_330] {strides = array<i32>} : memref<128xi32, #tpu.memory_space<vmem>>, vector<16xi32>,
    %swap3A_332 = vector.shape_cast %swap3A_331 : vector<16xi32> to vector<16xi32>
    %swap3A_333 = vector.shape_cast %add3A_329 : vector<16xi32> to vector<16xi32>
    tpu.vector_store %arg6[%swap3A_330], %swap3A_333 {strides = array<i32>} : memref<128xi32, #tpu.memory_space<vmem>>, vector<16xi32>,
    %get3A_334 = arith.constant 64 : index
    %get3A_335 = tpu.vector_load %arg6[%get3A_334] {strides = array<i32>} : memref<128xi32, #tpu.memory_space<vmem>>, vector<16xi32>,
    %get3A_336 = vector.shape_cast %get3A_335 : vector<16xi32> to vector<16xi32>
    %add3A_337 = vector.broadcast %mul3A_32 : i32 to vector<16xi32>
    %add3A_338 = arith.addi %get3A_336, %add3A_337 : vector<16xi32>
    %swap3A_339 = arith.constant 64 : index
    %swap3A_340 = tpu.vector_load %arg6[%swap3A_339] {strides = array<i32>} : memref<128xi32, #tpu.memory_space<vmem>>, vector<16xi32>,
    %swap3A_341 = vector.shape_cast %swap3A_340 : vector<16xi32> to vector<16xi32>
    %swap3A_342 = vector.shape_cast %add3A_338 : vector<16xi32> to vector<16xi32>
    tpu.vector_store %arg6[%swap3A_339], %swap3A_342 {strides = array<i32>} : memref<128xi32, #tpu.memory_space<vmem>>, vector<16xi32>,
    %get3A_343 = arith.constant 80 : index
    %get3A_344 = tpu.vector_load %arg6[%get3A_343] {strides = array<i32>} : memref<128xi32, #tpu.memory_space<vmem>>, vector<16xi32>,
    %get3A_345 = vector.shape_cast %get3A_344 : vector<16xi32> to vector<16xi32>
    %add3A_346 = vector.broadcast %mul3A_32 : i32 to vector<16xi32>
    %add3A_347 = arith.addi %get3A_345, %add3A_346 : vector<16xi32>
    %swap3A_348 = arith.constant 80 : index
    %swap3A_349 = tpu.vector_load %arg6[%swap3A_348] {strides = array<i32>} : memref<128xi32, #tpu.memory_space<vmem>>, vector<16xi32>,
    %swap3A_350 = vector.shape_cast %swap3A_349 : vector<16xi32> to vector<16xi32>
    %swap3A_351 = vector.shape_cast %add3A_347 : vector<16xi32> to vector<16xi32>
    tpu.vector_store %arg6[%swap3A_348], %swap3A_351 {strides = array<i32>} : memref<128xi32, #tpu.memory_space<vmem>>, vector<16xi32>,
    %get3A_352 = arith.constant 96 : index
    %get3A_353 = tpu.vector_load %arg6[%get3A_352] {strides = array<i32>} : memref<128xi32, #tpu.memory_space<vmem>>, vector<16xi32>,
    %get3A_354 = vector.shape_cast %get3A_353 : vector<16xi32> to vector<16xi32>
    %add3A_355 = vector.broadcast %mul3A_32 : i32 to vector<16xi32>
    %add3A_356 = arith.addi %get3A_354, %add3A_355 : vector<16xi32>
    %swap3A_357 = arith.constant 96 : index
    %swap3A_358 = tpu.vector_load %arg6[%swap3A_357] {strides = array<i32>} : memref<128xi32, #tpu.memory_space<vmem>>, vector<16xi32>,
    %swap3A_359 = vector.shape_cast %swap3A_358 : vector<16xi32> to vector<16xi32>
    %swap3A_360 = vector.shape_cast %add3A_356 : vector<16xi32> to vector<16xi32>
    tpu.vector_store %arg6[%swap3A_357], %swap3A_360 {strides = array<i32>} : memref<128xi32, #tpu.memory_space<vmem>>, vector<16xi32>,
    %get3A_361 = arith.constant 112 : index
    %get3A_362 = tpu.vector_load %arg6[%get3A_361] {strides = array<i32>} : memref<128xi32, #tpu.memory_space<vmem>>, vector<16xi32>,
    %get3A_363 = vector.shape_cast %get3A_362 : vector<16xi32> to vector<16xi32>
    %add3A_364 = vector.broadcast %mul3A_32 : i32 to vector<16xi32>
    %add3A_365 = arith.addi %get3A_363, %add3A_364 : vector<16xi32>
    %swap3A_366 = arith.constant 112 : index
    %swap3A_367 = tpu.vector_load %arg6[%swap3A_366] {strides = array<i32>} : memref<128xi32, #tpu.memory_space<vmem>>, vector<16xi32>,
    %swap3A_368 = vector.shape_cast %swap3A_367 : vector<16xi32> to vector<16xi32>
    %swap3A_369 = vector.shape_cast %add3A_365 : vector<16xi32> to vector<16xi32>
    tpu.vector_store %arg6[%swap3A_366], %swap3A_369 {strides = array<i32>} : memref<128xi32, #tpu.memory_space<vmem>>, vector<16xi32>,
    %dma_start3A_370 = arith.constant 0 : i32
    %dma_start3A_371 = arith.constant 0 : i32
    %dma_start3A_372 = tpu.memref_slice %arg2[%dma_start3A_370, %dma_start3A_371] : memref<11764x256xf32, #tpu.memory_space<hbm>> -> memref<11764x256xf32, #tpu.memory_space<hbm>>
    tpu.enqueue_indirect_dma source(%dma_start3A_372 : memref<11764x256xf32, #tpu.memory_space<hbm>>) target(%arg8 : memref<128x256xf32, #tpu.memory_space<vmem>>) offsets(%arg6 : memref<128xi32, #tpu.memory_space<vmem>>) semaphore(%arg9 : memref<!tpu.dma_semaphore, #tpu.memory_space<semaphore_mem>>)
    %dma_wait3A_373 = arith.constant 0 : i32
    %dma_wait3A_374 = arith.constant 0 : i32
    %dma_wait3A_375 = tpu.memref_slice %arg2[%dma_wait3A_373, %dma_wait3A_374] : memref<11764x256xf32, #tpu.memory_space<hbm>> -> memref<11764x256xf32, #tpu.memory_space<hbm>>
    tpu.wait_indirect_dma semaphore(%arg9 : memref<!tpu.dma_semaphore, #tpu.memory_space<semaphore_mem>>) src(%dma_wait3A_375 : memref<11764x256xf32, #tpu.memory_space<hbm>>) dst(%arg7 : memref<128x256xf32, #tpu.memory_space<vmem>>)
    %add3A_376 = arith.constant 256 : i32
    %add3A_377 = arith.addi %mul3A_34, %add3A_376 : i32
    %dma_start3A_378 = arith.constant 0 : i32
    %dma_start3A_379 = tpu.memref_slice %arg4[%select_n3A, %add3A_377, %dma_start3A_378] : memref<2x8192x256xf32, #tpu.memory_space<hbm>> -> memref<1x128x256xf32, #tpu.memory_space<hbm>>
    %dma_start3A_380 = tpu.memref_squeeze %dma_start3A_379 : memref<1x128x256xf32, #tpu.memory_space<hbm>> -> memref<128x256xf32, #tpu.memory_space<hbm>>
    %dma_start3A_381 = arith.constant 0 : i32
    %dma_start3A_382 = tpu.memref_slice %arg4[%select_n3A, %add3A_377, %dma_start3A_381] : memref<2x8192x256xf32, #tpu.memory_space<hbm>> -> memref<1x128x256xf32, #tpu.memory_space<hbm>>
    %dma_start3A_383 = tpu.memref_squeeze %dma_start3A_382 : memref<1x128x256xf32, #tpu.memory_space<hbm>> -> memref<128x256xf32, #tpu.memory_space<hbm>>
    tpu.enqueue_dma source(%arg7 : memref<128x256xf32, #tpu.memory_space<vmem>>) target(%dma_start3A_383 : memref<128x256xf32, #tpu.memory_space<hbm>>) target_semaphore(%arg10 : memref<!tpu.dma_semaphore, #tpu.memory_space<semaphore_mem>>)
    %dma_wait3A_384 = arith.constant 0 : i32
    %dma_wait3A_385 = arith.constant 0 : i32
    %dma_wait3A_386 = tpu.memref_slice %arg2[%dma_wait3A_384, %dma_wait3A_385] : memref<11764x256xf32, #tpu.memory_space<hbm>> -> memref<11764x256xf32, #tpu.memory_space<hbm>>
    tpu.wait_indirect_dma semaphore(%arg9 : memref<!tpu.dma_semaphore, #tpu.memory_space<semaphore_mem>>) src(%dma_wait3A_386 : memref<11764x256xf32, #tpu.memory_space<hbm>>) dst(%arg8 : memref<128x256xf32, #tpu.memory_space<vmem>>)
    %add3A_387 = arith.constant 384 : i32
    %add3A_388 = arith.addi %mul3A_34, %add3A_387 : i32
    %dma_start3A_389 = arith.constant 0 : i32
    %dma_start3A_390 = tpu.memref_slice %arg4[%select_n3A, %add3A_388, %dma_start3A_389] : memref<2x8192x256xf32, #tpu.memory_space<hbm>> -> memref<1x128x256xf32, #tpu.memory_space<hbm>>
    %dma_start3A_391 = tpu.memref_squeeze %dma_start3A_390 : memref<1x128x256xf32, #tpu.memory_space<hbm>> -> memref<128x256xf32, #tpu.memory_space<hbm>>
    %dma_start3A_392 = arith.constant 0 : i32
    %dma_start3A_393 = tpu.memref_slice %arg4[%select_n3A, %add3A_388, %dma_start3A_392] : memref<2x8192x256xf32, #tpu.memory_space<hbm>> -> memref<1x128x256xf32, #tpu.memory_space<hbm>>
    %dma_start3A_394 = tpu.memref_squeeze %dma_start3A_393 : memref<1x128x256xf32, #tpu.memory_space<hbm>> -> memref<128x256xf32, #tpu.memory_space<hbm>>
    tpu.enqueue_dma source(%arg8 : memref<128x256xf32, #tpu.memory_space<vmem>>) target(%dma_start3A_394 : memref<128x256xf32, #tpu.memory_space<hbm>>) target_semaphore(%arg10 : memref<!tpu.dma_semaphore, #tpu.memory_space<semaphore_mem>>)
    %dma_wait3A_395 = arith.constant 0 : i32
    %dma_wait3A_396 = tpu.memref_slice %arg4[%select_n3A, %add3A_377, %dma_wait3A_395] : memref<2x8192x256xf32, #tpu.memory_space<hbm>> -> memref<1x128x256xf32, #tpu.memory_space<hbm>>
    %dma_wait3A_397 = tpu.memref_squeeze %dma_wait3A_396 : memref<1x128x256xf32, #tpu.memory_space<hbm>> -> memref<128x256xf32, #tpu.memory_space<hbm>>
    %dma_wait3A_398 = arith.constant 0 : i32
    %dma_wait3A_399 = tpu.memref_slice %arg4[%select_n3A, %add3A_377, %dma_wait3A_398] : memref<2x8192x256xf32, #tpu.memory_space<hbm>> -> memref<1x128x256xf32, #tpu.memory_space<hbm>>
    %dma_wait3A_400 = tpu.memref_squeeze %dma_wait3A_399 : memref<1x128x256xf32, #tpu.memory_space<hbm>> -> memref<128x256xf32, #tpu.memory_space<hbm>>
    tpu.wait_dma2 semaphore(%arg10 : memref<!tpu.dma_semaphore, #tpu.memory_space<semaphore_mem>>) src(%arg7 : memref<128x256xf32, #tpu.memory_space<vmem>>) dst(%dma_wait3A_400 : memref<128x256xf32, #tpu.memory_space<hbm>>)
    %dma_wait3A_401 = arith.constant 0 : i32
    %dma_wait3A_402 = tpu.memref_slice %arg4[%select_n3A, %add3A_388, %dma_wait3A_401] : memref<2x8192x256xf32, #tpu.memory_space<hbm>> -> memref<1x128x256xf32, #tpu.memory_space<hbm>>
    %dma_wait3A_403 = tpu.memref_squeeze %dma_wait3A_402 : memref<1x128x256xf32, #tpu.memory_space<hbm>> -> memref<128x256xf32, #tpu.memory_space<hbm>>
    %dma_wait3A_404 = arith.constant 0 : i32
    %dma_wait3A_405 = tpu.memref_slice %arg4[%select_n3A, %add3A_388, %dma_wait3A_404] : memref<2x8192x256xf32, #tpu.memory_space<hbm>> -> memref<1x128x256xf32, #tpu.memory_space<hbm>>
    %dma_wait3A_406 = tpu.memref_squeeze %dma_wait3A_405 : memref<1x128x256xf32, #tpu.memory_space<hbm>> -> memref<128x256xf32, #tpu.memory_space<hbm>>
    tpu.wait_dma2 semaphore(%arg10 : memref<!tpu.dma_semaphore, #tpu.memory_space<semaphore_mem>>) src(%arg8 : memref<128x256xf32, #tpu.memory_space<vmem>>) dst(%dma_wait3A_406 : memref<128x256xf32, #tpu.memory_space<hbm>>)
    return
  }
}

module attributes {stable_mosaic.version = 14 : i64} {
  func.func @_fused_body(%arg0: i32, %arg1: memref<2x2048x256xf32, #tpu.memory_space<vmem>>, %arg2: memref<2048x2xf32, #tpu.memory_space<vmem>>, %arg3: memref<2x256xf32, #tpu.memory_space<vmem>>, %arg4: memref<1x256xf32, #tpu.memory_space<vmem>>, %arg5: memref<256x256xf32, #tpu.memory_space<vmem>>, %arg6: memref<1x256xf32, #tpu.memory_space<vmem>>, %arg7: memref<256x256xf32, #tpu.memory_space<vmem>>, %arg8: memref<1x256xf32, #tpu.memory_space<vmem>>, %arg9: memref<1x256xf32, #tpu.memory_space<vmem>>, %arg10: memref<1x256xf32, #tpu.memory_space<vmem>>, %arg11: memref<256x256xf32, #tpu.memory_space<vmem>>, %arg12: memref<256x256xf32, #tpu.memory_space<vmem>>, %arg13: memref<1x256xf32, #tpu.memory_space<vmem>>, %arg14: memref<256x256xf32, #tpu.memory_space<vmem>>, %arg15: memref<1x256xf32, #tpu.memory_space<vmem>>, %arg16: memref<256x256xf32, #tpu.memory_space<vmem>>, %arg17: memref<1x256xf32, #tpu.memory_space<vmem>>, %arg18: memref<1x256xf32, #tpu.memory_space<vmem>>, %arg19: memref<1x256xf32, #tpu.memory_space<vmem>>, %arg20: memref<256x256xf32, #tpu.memory_space<vmem>>, %arg21: memref<1x256xf32, #tpu.memory_space<vmem>>, %arg22: memref<256x256xf32, #tpu.memory_space<vmem>>, %arg23: memref<1x256xf32, #tpu.memory_space<vmem>>, %arg24: memref<256x256xf32, #tpu.memory_space<vmem>>, %arg25: memref<1x256xf32, #tpu.memory_space<vmem>>, %arg26: memref<1x256xf32, #tpu.memory_space<vmem>>, %arg27: memref<1x256xf32, #tpu.memory_space<vmem>>, %arg28: memref<256x128xf32, #tpu.memory_space<vmem>>, %arg29: memref<1x128xf32, #tpu.memory_space<vmem>>, %arg30: memref<128x128xf32, #tpu.memory_space<vmem>>, %arg31: memref<1x128xf32, #tpu.memory_space<vmem>>, %arg32: memref<128x78xf32, #tpu.memory_space<vmem>>, %arg33: memref<1x78xf32, #tpu.memory_space<vmem>>, %arg34: memref<1x1xf32, #tpu.memory_space<vmem>>, %arg35: memref<2x2048x78xf32, #tpu.memory_space<vmem>>) attributes {dimension_semantics = [#tpu.dimension_semantics<arbitrary>], iteration_bounds = array<i64: 4>, scalar_prefetch = 0 : i64, scratch_operands = 0 : i64, tpu.core_type = #tpu.core_type<tc>, window_params = [{transform_indices = @transform_0, window_bounds = array<i64: 2, 2048, 256>}, {transform_indices = @transform_1, window_bounds = array<i64: 2048, 2>}, {pipeline_mode = #tpu.pipeline_mode<synchronous>, transform_indices = @transform_2, window_bounds = array<i64: 2, 256>}, {pipeline_mode = #tpu.pipeline_mode<synchronous>, transform_indices = @transform_3, window_bounds = array<i64: 1, 256>}, {pipeline_mode = #tpu.pipeline_mode<synchronous>, transform_indices = @transform_4, window_bounds = array<i64: 256, 256>}, {pipeline_mode = #tpu.pipeline_mode<synchronous>, transform_indices = @transform_5, window_bounds = array<i64: 1, 256>}, {pipeline_mode = #tpu.pipeline_mode<synchronous>, transform_indices = @transform_6, window_bounds = array<i64: 256, 256>}, {pipeline_mode = #tpu.pipeline_mode<synchronous>, transform_indices = @transform_7, window_bounds = array<i64: 1, 256>}, {pipeline_mode = #tpu.pipeline_mode<synchronous>, transform_indices = @transform_8, window_bounds = array<i64: 1, 256>}, {pipeline_mode = #tpu.pipeline_mode<synchronous>, transform_indices = @transform_9, window_bounds = array<i64: 1, 256>}, {pipeline_mode = #tpu.pipeline_mode<synchronous>, transform_indices = @transform_10, window_bounds = array<i64: 256, 256>}, {pipeline_mode = #tpu.pipeline_mode<synchronous>, transform_indices = @transform_11, window_bounds = array<i64: 256, 256>}, {pipeline_mode = #tpu.pipeline_mode<synchronous>, transform_indices = @transform_12, window_bounds = array<i64: 1, 256>}, {pipeline_mode = #tpu.pipeline_mode<synchronous>, transform_indices = @transform_13, window_bounds = array<i64: 256, 256>}, {pipeline_mode = #tpu.pipeline_mode<synchronous>, transform_indices = @transform_14, window_bounds = array<i64: 1, 256>}, {pipeline_mode = #tpu.pipeline_mode<synchronous>, transform_indices = @transform_15, window_bounds = array<i64: 256, 256>}, {pipeline_mode = #tpu.pipeline_mode<synchronous>, transform_indices = @transform_16, window_bounds = array<i64: 1, 256>}, {pipeline_mode = #tpu.pipeline_mode<synchronous>, transform_indices = @transform_17, window_bounds = array<i64: 1, 256>}, {pipeline_mode = #tpu.pipeline_mode<synchronous>, transform_indices = @transform_18, window_bounds = array<i64: 1, 256>}, {pipeline_mode = #tpu.pipeline_mode<synchronous>, transform_indices = @transform_19, window_bounds = array<i64: 256, 256>}, {pipeline_mode = #tpu.pipeline_mode<synchronous>, transform_indices = @transform_20, window_bounds = array<i64: 1, 256>}, {pipeline_mode = #tpu.pipeline_mode<synchronous>, transform_indices = @transform_21, window_bounds = array<i64: 256, 256>}, {pipeline_mode = #tpu.pipeline_mode<synchronous>, transform_indices = @transform_22, window_bounds = array<i64: 1, 256>}, {pipeline_mode = #tpu.pipeline_mode<synchronous>, transform_indices = @transform_23, window_bounds = array<i64: 256, 256>}, {pipeline_mode = #tpu.pipeline_mode<synchronous>, transform_indices = @transform_24, window_bounds = array<i64: 1, 256>}, {pipeline_mode = #tpu.pipeline_mode<synchronous>, transform_indices = @transform_25, window_bounds = array<i64: 1, 256>}, {pipeline_mode = #tpu.pipeline_mode<synchronous>, transform_indices = @transform_26, window_bounds = array<i64: 1, 256>}, {pipeline_mode = #tpu.pipeline_mode<synchronous>, transform_indices = @transform_27, window_bounds = array<i64: 256, 128>}, {pipeline_mode = #tpu.pipeline_mode<synchronous>, transform_indices = @transform_28, window_bounds = array<i64: 1, 128>}, {pipeline_mode = #tpu.pipeline_mode<synchronous>, transform_indices = @transform_29, window_bounds = array<i64: 128, 128>}, {pipeline_mode = #tpu.pipeline_mode<synchronous>, transform_indices = @transform_30, window_bounds = array<i64: 1, 128>}, {pipeline_mode = #tpu.pipeline_mode<synchronous>, transform_indices = @transform_31, window_bounds = array<i64: 128, 78>}, {pipeline_mode = #tpu.pipeline_mode<synchronous>, transform_indices = @transform_32, window_bounds = array<i64: 1, 78>}, {pipeline_mode = #tpu.pipeline_mode<synchronous>, transform_indices = @transform_33, window_bounds = array<i64: 1, 1>}, {transform_indices = @transform_34, window_bounds = array<i64: 2, 2048, 78>}]} {
    %get3A = arith.constant 0 : index
    %get3A_0 = arith.constant 0 : index
    %get3A_1 = vector.load %arg3[%get3A, %get3A_0] : memref<2x256xf32, #tpu.memory_space<vmem>>, vector<2x256xf32>
    %get3A_2 = arith.constant 0 : index
    %get3A_3 = arith.constant 0 : index
    %get3A_4 = vector.load %arg4[%get3A_2, %get3A_3] : memref<1x256xf32, #tpu.memory_space<vmem>>, vector<1x256xf32>
    %get3A_5 = arith.constant 0 : index
    %get3A_6 = arith.constant 0 : index
    %get3A_7 = vector.load %arg5[%get3A_5, %get3A_6] : memref<256x256xf32, #tpu.memory_space<vmem>>, vector<256x256xf32>
    %get3A_8 = arith.constant 0 : index
    %get3A_9 = arith.constant 0 : index
    %get3A_10 = vector.load %arg6[%get3A_8, %get3A_9] : memref<1x256xf32, #tpu.memory_space<vmem>>, vector<1x256xf32>
    %get3A_11 = arith.constant 0 : index
    %get3A_12 = arith.constant 0 : index
    %get3A_13 = vector.load %arg7[%get3A_11, %get3A_12] : memref<256x256xf32, #tpu.memory_space<vmem>>, vector<256x256xf32>
    %get3A_14 = arith.constant 0 : index
    %get3A_15 = arith.constant 0 : index
    %get3A_16 = vector.load %arg8[%get3A_14, %get3A_15] : memref<1x256xf32, #tpu.memory_space<vmem>>, vector<1x256xf32>
    %get3A_17 = arith.constant 0 : index
    %get3A_18 = arith.constant 0 : index
    %get3A_19 = vector.load %arg9[%get3A_17, %get3A_18] : memref<1x256xf32, #tpu.memory_space<vmem>>, vector<1x256xf32>
    %get3A_20 = arith.constant 0 : index
    %get3A_21 = arith.constant 0 : index
    %get3A_22 = vector.load %arg10[%get3A_20, %get3A_21] : memref<1x256xf32, #tpu.memory_space<vmem>>, vector<1x256xf32>
    %get3A_23 = arith.constant 0 : index
    %get3A_24 = arith.constant 0 : index
    %get3A_25 = vector.load %arg11[%get3A_23, %get3A_24] : memref<256x256xf32, #tpu.memory_space<vmem>>, vector<256x256xf32>
    %get3A_26 = arith.constant 0 : index
    %get3A_27 = arith.constant 0 : index
    %get3A_28 = vector.load %arg12[%get3A_26, %get3A_27] : memref<256x256xf32, #tpu.memory_space<vmem>>, vector<256x256xf32>
    %get3A_29 = arith.constant 0 : index
    %get3A_30 = arith.constant 0 : index
    %get3A_31 = vector.load %arg13[%get3A_29, %get3A_30] : memref<1x256xf32, #tpu.memory_space<vmem>>, vector<1x256xf32>
    %get3A_32 = arith.constant 0 : index
    %get3A_33 = arith.constant 0 : index
    %get3A_34 = vector.load %arg14[%get3A_32, %get3A_33] : memref<256x256xf32, #tpu.memory_space<vmem>>, vector<256x256xf32>
    %get3A_35 = arith.constant 0 : index
    %get3A_36 = arith.constant 0 : index
    %get3A_37 = vector.load %arg15[%get3A_35, %get3A_36] : memref<1x256xf32, #tpu.memory_space<vmem>>, vector<1x256xf32>
    %get3A_38 = arith.constant 0 : index
    %get3A_39 = arith.constant 0 : index
    %get3A_40 = vector.load %arg16[%get3A_38, %get3A_39] : memref<256x256xf32, #tpu.memory_space<vmem>>, vector<256x256xf32>
    %get3A_41 = arith.constant 0 : index
    %get3A_42 = arith.constant 0 : index
    %get3A_43 = vector.load %arg17[%get3A_41, %get3A_42] : memref<1x256xf32, #tpu.memory_space<vmem>>, vector<1x256xf32>
    %get3A_44 = arith.constant 0 : index
    %get3A_45 = arith.constant 0 : index
    %get3A_46 = vector.load %arg18[%get3A_44, %get3A_45] : memref<1x256xf32, #tpu.memory_space<vmem>>, vector<1x256xf32>
    %get3A_47 = arith.constant 0 : index
    %get3A_48 = arith.constant 0 : index
    %get3A_49 = vector.load %arg19[%get3A_47, %get3A_48] : memref<1x256xf32, #tpu.memory_space<vmem>>, vector<1x256xf32>
    %get3A_50 = arith.constant 0 : index
    %get3A_51 = arith.constant 0 : index
    %get3A_52 = vector.load %arg20[%get3A_50, %get3A_51] : memref<256x256xf32, #tpu.memory_space<vmem>>, vector<256x256xf32>
    %get3A_53 = arith.constant 0 : index
    %get3A_54 = arith.constant 0 : index
    %get3A_55 = vector.load %arg21[%get3A_53, %get3A_54] : memref<1x256xf32, #tpu.memory_space<vmem>>, vector<1x256xf32>
    %get3A_56 = arith.constant 0 : index
    %get3A_57 = arith.constant 0 : index
    %get3A_58 = vector.load %arg22[%get3A_56, %get3A_57] : memref<256x256xf32, #tpu.memory_space<vmem>>, vector<256x256xf32>
    %get3A_59 = arith.constant 0 : index
    %get3A_60 = arith.constant 0 : index
    %get3A_61 = vector.load %arg23[%get3A_59, %get3A_60] : memref<1x256xf32, #tpu.memory_space<vmem>>, vector<1x256xf32>
    %get3A_62 = arith.constant 0 : index
    %get3A_63 = arith.constant 0 : index
    %get3A_64 = vector.load %arg24[%get3A_62, %get3A_63] : memref<256x256xf32, #tpu.memory_space<vmem>>, vector<256x256xf32>
    %get3A_65 = arith.constant 0 : index
    %get3A_66 = arith.constant 0 : index
    %get3A_67 = vector.load %arg25[%get3A_65, %get3A_66] : memref<1x256xf32, #tpu.memory_space<vmem>>, vector<1x256xf32>
    %get3A_68 = arith.constant 0 : index
    %get3A_69 = arith.constant 0 : index
    %get3A_70 = vector.load %arg26[%get3A_68, %get3A_69] : memref<1x256xf32, #tpu.memory_space<vmem>>, vector<1x256xf32>
    %get3A_71 = arith.constant 0 : index
    %get3A_72 = arith.constant 0 : index
    %get3A_73 = vector.load %arg27[%get3A_71, %get3A_72] : memref<1x256xf32, #tpu.memory_space<vmem>>, vector<1x256xf32>
    %get3A_74 = arith.constant 0 : index
    %get3A_75 = arith.constant 0 : index
    %get3A_76 = vector.load %arg28[%get3A_74, %get3A_75] : memref<256x128xf32, #tpu.memory_space<vmem>>, vector<256x128xf32>
    %get3A_77 = arith.constant 0 : index
    %get3A_78 = arith.constant 0 : index
    %get3A_79 = vector.load %arg29[%get3A_77, %get3A_78] : memref<1x128xf32, #tpu.memory_space<vmem>>, vector<1x128xf32>
    %get3A_80 = arith.constant 0 : index
    %get3A_81 = arith.constant 0 : index
    %get3A_82 = vector.load %arg30[%get3A_80, %get3A_81] : memref<128x128xf32, #tpu.memory_space<vmem>>, vector<128x128xf32>
    %get3A_83 = arith.constant 0 : index
    %get3A_84 = arith.constant 0 : index
    %get3A_85 = vector.load %arg31[%get3A_83, %get3A_84] : memref<1x128xf32, #tpu.memory_space<vmem>>, vector<1x128xf32>
    %get3A_86 = arith.constant 0 : index
    %get3A_87 = arith.constant 0 : index
    %get3A_88 = vector.load %arg32[%get3A_86, %get3A_87] : memref<128x78xf32, #tpu.memory_space<vmem>>, vector<128x78xf32>
    %get3A_89 = arith.constant 0 : index
    %get3A_90 = arith.constant 0 : index
    %get3A_91 = vector.load %arg33[%get3A_89, %get3A_90] : memref<1x78xf32, #tpu.memory_space<vmem>>, vector<1x78xf32>
    %get3A_92 = arith.constant 0 : index
    %get3A_93 = arith.constant 0 : index
    %get3A_94 = vector.load %arg2[%get3A_92, %get3A_93] : memref<2048x2xf32, #tpu.memory_space<vmem>>, vector<2048x2xf32>
    %dot_general3A = arith.constant dense<0.000000e+00> : vector<2048x256xf32>
    %dot_general3A_95 = tpu.matmul %get3A_94, %get3A_1, %dot_general3A {dimension_numbers = #tpu.dot_dimension_numbers<[1], [0], [0], [1], [0, 0, 1, 1], [], []>, transpose_lhs_hint = false} : vector<2048x2xf32>, vector<2x256xf32>, vector<2048x256xf32> -> vector<2048x256xf32>
    %add3A = vector.broadcast %get3A_4 : vector<1x256xf32> to vector<2048x256xf32>
    %add3A_96 = arith.addf %dot_general3A_95, %add3A : vector<2048x256xf32>
    %max3A = arith.constant 0.000000e+00 : f32
    %max3A_97 = vector.broadcast %max3A : f32 to vector<2048x256xf32>
    %max3A_98 = arith.maximumf %add3A_96, %max3A_97 : vector<2048x256xf32>
    %dot_general3A_99 = arith.constant dense<0.000000e+00> : vector<2048x256xf32>
    %dot_general3A_100 = tpu.matmul %max3A_98, %get3A_7, %dot_general3A_99 {dimension_numbers = #tpu.dot_dimension_numbers<[1], [0], [0], [1], [0, 0, 1, 1], [], []>, transpose_lhs_hint = false} : vector<2048x256xf32>, vector<256x256xf32>, vector<2048x256xf32> -> vector<2048x256xf32>
    %add3A_101 = vector.broadcast %get3A_10 : vector<1x256xf32> to vector<2048x256xf32>
    %add3A_102 = arith.addf %dot_general3A_100, %add3A_101 : vector<2048x256xf32>
    %max3A_103 = arith.constant 0.000000e+00 : f32
    %max3A_104 = vector.broadcast %max3A_103 : f32 to vector<2048x256xf32>
    %max3A_105 = arith.maximumf %add3A_102, %max3A_104 : vector<2048x256xf32>
    %dot_general3A_106 = arith.constant dense<0.000000e+00> : vector<2048x256xf32>
    %dot_general3A_107 = tpu.matmul %max3A_105, %get3A_13, %dot_general3A_106 {dimension_numbers = #tpu.dot_dimension_numbers<[1], [0], [0], [1], [0, 0, 1, 1], [], []>, transpose_lhs_hint = false} : vector<2048x256xf32>, vector<256x256xf32>, vector<2048x256xf32> -> vector<2048x256xf32>
    %add3A_108 = vector.broadcast %get3A_16 : vector<1x256xf32> to vector<2048x256xf32>
    %add3A_109 = arith.addf %dot_general3A_107, %add3A_108 : vector<2048x256xf32>
    %reduce_sum3A = arith.constant dense<0.000000e+00> : vector<2048xf32>
    %reduce_sum3A_110 = vector.multi_reduction <add>, %add3A_109, %reduce_sum3A [1] : vector<2048x256xf32> to vector<2048xf32>
    %broadcast_in_dim3A = vector.shape_cast %reduce_sum3A_110 : vector<2048xf32> to vector<2048x1xf32>
    %div3A = arith.constant 2.560000e+02 : f32
    %div3A_111 = vector.broadcast %div3A : f32 to vector<2048x1xf32>
    %div3A_112 = arith.divf %broadcast_in_dim3A, %div3A_111 : vector<2048x1xf32>
    %sub3A = vector.broadcast %div3A_112 : vector<2048x1xf32> to vector<2048x256xf32>
    %sub3A_113 = arith.subf %add3A_109, %sub3A : vector<2048x256xf32>
    %mul3A = arith.mulf %sub3A_113, %sub3A_113 : vector<2048x256xf32>
    %reduce_sum3A_114 = arith.constant dense<0.000000e+00> : vector<2048xf32>
    %reduce_sum3A_115 = vector.multi_reduction <add>, %mul3A, %reduce_sum3A_114 [1] : vector<2048x256xf32> to vector<2048xf32>
    %broadcast_in_dim3A_116 = vector.shape_cast %reduce_sum3A_115 : vector<2048xf32> to vector<2048x1xf32>
    %div3A_117 = arith.constant 2.560000e+02 : f32
    %div3A_118 = vector.broadcast %div3A_117 : f32 to vector<2048x1xf32>
    %div3A_119 = arith.divf %broadcast_in_dim3A_116, %div3A_118 : vector<2048x1xf32>
    %add3A_120 = arith.constant 9.99999974E-6 : f32
    %add3A_121 = vector.broadcast %add3A_120 : f32 to vector<2048x1xf32>
    %add3A_122 = arith.addf %div3A_119, %add3A_121 : vector<2048x1xf32>
    %rsqrt3A = math.rsqrt %add3A_122 : vector<2048x1xf32>
    %mul3A_123 = vector.broadcast %rsqrt3A : vector<2048x1xf32> to vector<2048x256xf32>
    %mul3A_124 = arith.mulf %sub3A_113, %mul3A_123 : vector<2048x256xf32>
    %mul3A_125 = vector.broadcast %get3A_19 : vector<1x256xf32> to vector<2048x256xf32>
    %mul3A_126 = arith.mulf %mul3A_124, %mul3A_125 : vector<2048x256xf32>
    %add3A_127 = vector.broadcast %get3A_22 : vector<1x256xf32> to vector<2048x256xf32>
    %add3A_128 = arith.addf %mul3A_126, %add3A_127 : vector<2048x256xf32>
    %get3A_129 = arith.constant 0 : index
    %get3A_130 = arith.constant 0 : index
    %get3A_131 = arith.constant 0 : index
    %get3A_132 = vector.load %arg1[%get3A_129, %get3A_130, %get3A_131] : memref<2x2048x256xf32, #tpu.memory_space<vmem>>, vector<2x2048x256xf32>
    %reshape3A = vector.shape_cast %get3A_132 : vector<2x2048x256xf32> to vector<4096x256xf32>
    %dot_general3A_133 = arith.constant dense<0.000000e+00> : vector<2048x256xf32>
    %dot_general3A_134 = tpu.matmul %add3A_128, %get3A_28, %dot_general3A_133 {dimension_numbers = #tpu.dot_dimension_numbers<[1], [0], [0], [1], [0, 0, 1, 1], [], []>, transpose_lhs_hint = false} : vector<2048x256xf32>, vector<256x256xf32>, vector<2048x256xf32> -> vector<2048x256xf32>
    %add3A_135 = vector.broadcast %get3A_31 : vector<1x256xf32> to vector<2048x256xf32>
    %add3A_136 = arith.addf %dot_general3A_134, %add3A_135 : vector<2048x256xf32>
    %concatenate3A = tpu.concatenate %add3A_136, %add3A_136 in 0 : vector<2048x256xf32>, vector<2048x256xf32> -> vector<4096x256xf32>
    %dot_general3A_137 = arith.constant dense<0.000000e+00> : vector<4096x256xf32>
    %dot_general3A_138 = tpu.matmul %reshape3A, %get3A_25, %dot_general3A_137 {dimension_numbers = #tpu.dot_dimension_numbers<[1], [0], [0], [1], [0, 0, 1, 1], [], []>, transpose_lhs_hint = false} : vector<4096x256xf32>, vector<256x256xf32>, vector<4096x256xf32> -> vector<4096x256xf32>
    %add3A_139 = arith.addf %dot_general3A_138, %concatenate3A : vector<4096x256xf32>
    %max3A_140 = arith.constant 0.000000e+00 : f32
    %max3A_141 = vector.broadcast %max3A_140 : f32 to vector<4096x256xf32>
    %max3A_142 = arith.maximumf %add3A_139, %max3A_141 : vector<4096x256xf32>
    %dot_general3A_143 = arith.constant dense<0.000000e+00> : vector<4096x256xf32>
    %dot_general3A_144 = tpu.matmul %max3A_142, %get3A_34, %dot_general3A_143 {dimension_numbers = #tpu.dot_dimension_numbers<[1], [0], [0], [1], [0, 0, 1, 1], [], []>, transpose_lhs_hint = false} : vector<4096x256xf32>, vector<256x256xf32>, vector<4096x256xf32> -> vector<4096x256xf32>
    %add3A_145 = vector.broadcast %get3A_37 : vector<1x256xf32> to vector<4096x256xf32>
    %add3A_146 = arith.addf %dot_general3A_144, %add3A_145 : vector<4096x256xf32>
    %max3A_147 = arith.constant 0.000000e+00 : f32
    %max3A_148 = vector.broadcast %max3A_147 : f32 to vector<4096x256xf32>
    %max3A_149 = arith.maximumf %add3A_146, %max3A_148 : vector<4096x256xf32>
    %dot_general3A_150 = arith.constant dense<0.000000e+00> : vector<4096x256xf32>
    %dot_general3A_151 = tpu.matmul %max3A_149, %get3A_40, %dot_general3A_150 {dimension_numbers = #tpu.dot_dimension_numbers<[1], [0], [0], [1], [0, 0, 1, 1], [], []>, transpose_lhs_hint = false} : vector<4096x256xf32>, vector<256x256xf32>, vector<4096x256xf32> -> vector<4096x256xf32>
    %add3A_152 = vector.broadcast %get3A_43 : vector<1x256xf32> to vector<4096x256xf32>
    %add3A_153 = arith.addf %dot_general3A_151, %add3A_152 : vector<4096x256xf32>
    %reduce_sum3A_154 = arith.constant dense<0.000000e+00> : vector<4096xf32>
    %reduce_sum3A_155 = vector.multi_reduction <add>, %add3A_153, %reduce_sum3A_154 [1] : vector<4096x256xf32> to vector<4096xf32>
    %broadcast_in_dim3A_156 = vector.shape_cast %reduce_sum3A_155 : vector<4096xf32> to vector<4096x1xf32>
    %div3A_157 = arith.constant 2.560000e+02 : f32
    %div3A_158 = vector.broadcast %div3A_157 : f32 to vector<4096x1xf32>
    %div3A_159 = arith.divf %broadcast_in_dim3A_156, %div3A_158 : vector<4096x1xf32>
    %sub3A_160 = vector.broadcast %div3A_159 : vector<4096x1xf32> to vector<4096x256xf32>
    %sub3A_161 = arith.subf %add3A_153, %sub3A_160 : vector<4096x256xf32>
    %mul3A_162 = arith.mulf %sub3A_161, %sub3A_161 : vector<4096x256xf32>
    %reduce_sum3A_163 = arith.constant dense<0.000000e+00> : vector<4096xf32>
    %reduce_sum3A_164 = vector.multi_reduction <add>, %mul3A_162, %reduce_sum3A_163 [1] : vector<4096x256xf32> to vector<4096xf32>
    %broadcast_in_dim3A_165 = vector.shape_cast %reduce_sum3A_164 : vector<4096xf32> to vector<4096x1xf32>
    %div3A_166 = arith.constant 2.560000e+02 : f32
    %div3A_167 = vector.broadcast %div3A_166 : f32 to vector<4096x1xf32>
    %div3A_168 = arith.divf %broadcast_in_dim3A_165, %div3A_167 : vector<4096x1xf32>
    %add3A_169 = arith.constant 9.99999974E-6 : f32
    %add3A_170 = vector.broadcast %add3A_169 : f32 to vector<4096x1xf32>
    %add3A_171 = arith.addf %div3A_168, %add3A_170 : vector<4096x1xf32>
    %rsqrt3A_172 = math.rsqrt %add3A_171 : vector<4096x1xf32>
    %mul3A_173 = vector.broadcast %rsqrt3A_172 : vector<4096x1xf32> to vector<4096x256xf32>
    %mul3A_174 = arith.mulf %sub3A_161, %mul3A_173 : vector<4096x256xf32>
    %mul3A_175 = vector.broadcast %get3A_46 : vector<1x256xf32> to vector<4096x256xf32>
    %mul3A_176 = arith.mulf %mul3A_174, %mul3A_175 : vector<4096x256xf32>
    %add3A_177 = vector.broadcast %get3A_49 : vector<1x256xf32> to vector<4096x256xf32>
    %add3A_178 = arith.addf %mul3A_176, %add3A_177 : vector<4096x256xf32>
    %concatenate3A_179 = tpu.concatenate %add3A_128, %add3A_128 in 0 : vector<2048x256xf32>, vector<2048x256xf32> -> vector<4096x256xf32>
    %add3A_180 = arith.addf %add3A_178, %concatenate3A_179 : vector<4096x256xf32>
    %dot_general3A_181 = arith.constant dense<0.000000e+00> : vector<4096x256xf32>
    %dot_general3A_182 = tpu.matmul %add3A_180, %get3A_52, %dot_general3A_181 {dimension_numbers = #tpu.dot_dimension_numbers<[1], [0], [0], [1], [0, 0, 1, 1], [], []>, transpose_lhs_hint = false} : vector<4096x256xf32>, vector<256x256xf32>, vector<4096x256xf32> -> vector<4096x256xf32>
    %add3A_183 = vector.broadcast %get3A_55 : vector<1x256xf32> to vector<4096x256xf32>
    %add3A_184 = arith.addf %dot_general3A_182, %add3A_183 : vector<4096x256xf32>
    %max3A_185 = arith.constant 0.000000e+00 : f32
    %max3A_186 = vector.broadcast %max3A_185 : f32 to vector<4096x256xf32>
    %max3A_187 = arith.maximumf %add3A_184, %max3A_186 : vector<4096x256xf32>
    %dot_general3A_188 = arith.constant dense<0.000000e+00> : vector<4096x256xf32>
    %dot_general3A_189 = tpu.matmul %max3A_187, %get3A_58, %dot_general3A_188 {dimension_numbers = #tpu.dot_dimension_numbers<[1], [0], [0], [1], [0, 0, 1, 1], [], []>, transpose_lhs_hint = false} : vector<4096x256xf32>, vector<256x256xf32>, vector<4096x256xf32> -> vector<4096x256xf32>
    %add3A_190 = vector.broadcast %get3A_61 : vector<1x256xf32> to vector<4096x256xf32>
    %add3A_191 = arith.addf %dot_general3A_189, %add3A_190 : vector<4096x256xf32>
    %max3A_192 = arith.constant 0.000000e+00 : f32
    %max3A_193 = vector.broadcast %max3A_192 : f32 to vector<4096x256xf32>
    %max3A_194 = arith.maximumf %add3A_191, %max3A_193 : vector<4096x256xf32>
    %dot_general3A_195 = arith.constant dense<0.000000e+00> : vector<4096x256xf32>
    %dot_general3A_196 = tpu.matmul %max3A_194, %get3A_64, %dot_general3A_195 {dimension_numbers = #tpu.dot_dimension_numbers<[1], [0], [0], [1], [0, 0, 1, 1], [], []>, transpose_lhs_hint = false} : vector<4096x256xf32>, vector<256x256xf32>, vector<4096x256xf32> -> vector<4096x256xf32>
    %add3A_197 = vector.broadcast %get3A_67 : vector<1x256xf32> to vector<4096x256xf32>
    %add3A_198 = arith.addf %dot_general3A_196, %add3A_197 : vector<4096x256xf32>
    %reduce_sum3A_199 = arith.constant dense<0.000000e+00> : vector<4096xf32>
    %reduce_sum3A_200 = vector.multi_reduction <add>, %add3A_198, %reduce_sum3A_199 [1] : vector<4096x256xf32> to vector<4096xf32>
    %broadcast_in_dim3A_201 = vector.shape_cast %reduce_sum3A_200 : vector<4096xf32> to vector<4096x1xf32>
    %div3A_202 = arith.constant 2.560000e+02 : f32
    %div3A_203 = vector.broadcast %div3A_202 : f32 to vector<4096x1xf32>
    %div3A_204 = arith.divf %broadcast_in_dim3A_201, %div3A_203 : vector<4096x1xf32>
    %sub3A_205 = vector.broadcast %div3A_204 : vector<4096x1xf32> to vector<4096x256xf32>
    %sub3A_206 = arith.subf %add3A_198, %sub3A_205 : vector<4096x256xf32>
    %mul3A_207 = arith.mulf %sub3A_206, %sub3A_206 : vector<4096x256xf32>
    %reduce_sum3A_208 = arith.constant dense<0.000000e+00> : vector<4096xf32>
    %reduce_sum3A_209 = vector.multi_reduction <add>, %mul3A_207, %reduce_sum3A_208 [1] : vector<4096x256xf32> to vector<4096xf32>
    %broadcast_in_dim3A_210 = vector.shape_cast %reduce_sum3A_209 : vector<4096xf32> to vector<4096x1xf32>
    %div3A_211 = arith.constant 2.560000e+02 : f32
    %div3A_212 = vector.broadcast %div3A_211 : f32 to vector<4096x1xf32>
    %div3A_213 = arith.divf %broadcast_in_dim3A_210, %div3A_212 : vector<4096x1xf32>
    %add3A_214 = arith.constant 9.99999974E-6 : f32
    %add3A_215 = vector.broadcast %add3A_214 : f32 to vector<4096x1xf32>
    %add3A_216 = arith.addf %div3A_213, %add3A_215 : vector<4096x1xf32>
    %rsqrt3A_217 = math.rsqrt %add3A_216 : vector<4096x1xf32>
    %mul3A_218 = vector.broadcast %rsqrt3A_217 : vector<4096x1xf32> to vector<4096x256xf32>
    %mul3A_219 = arith.mulf %sub3A_206, %mul3A_218 : vector<4096x256xf32>
    %mul3A_220 = vector.broadcast %get3A_70 : vector<1x256xf32> to vector<4096x256xf32>
    %mul3A_221 = arith.mulf %mul3A_219, %mul3A_220 : vector<4096x256xf32>
    %add3A_222 = vector.broadcast %get3A_73 : vector<1x256xf32> to vector<4096x256xf32>
    %add3A_223 = arith.addf %mul3A_221, %add3A_222 : vector<4096x256xf32>
    %dot_general3A_224 = arith.constant dense<0.000000e+00> : vector<4096x128xf32>
    %dot_general3A_225 = tpu.matmul %add3A_223, %get3A_76, %dot_general3A_224 {dimension_numbers = #tpu.dot_dimension_numbers<[1], [0], [0], [1], [0, 0, 1, 1], [], []>, transpose_lhs_hint = false} : vector<4096x256xf32>, vector<256x128xf32>, vector<4096x128xf32> -> vector<4096x128xf32>
    %add3A_226 = vector.broadcast %get3A_79 : vector<1x128xf32> to vector<4096x128xf32>
    %add3A_227 = arith.addf %dot_general3A_225, %add3A_226 : vector<4096x128xf32>
    %max3A_228 = arith.constant 0.000000e+00 : f32
    %max3A_229 = vector.broadcast %max3A_228 : f32 to vector<4096x128xf32>
    %max3A_230 = arith.maximumf %add3A_227, %max3A_229 : vector<4096x128xf32>
    %dot_general3A_231 = arith.constant dense<0.000000e+00> : vector<4096x128xf32>
    %dot_general3A_232 = tpu.matmul %max3A_230, %get3A_82, %dot_general3A_231 {dimension_numbers = #tpu.dot_dimension_numbers<[1], [0], [0], [1], [0, 0, 1, 1], [], []>, transpose_lhs_hint = false} : vector<4096x128xf32>, vector<128x128xf32>, vector<4096x128xf32> -> vector<4096x128xf32>
    %add3A_233 = vector.broadcast %get3A_85 : vector<1x128xf32> to vector<4096x128xf32>
    %add3A_234 = arith.addf %dot_general3A_232, %add3A_233 : vector<4096x128xf32>
    %max3A_235 = arith.constant 0.000000e+00 : f32
    %max3A_236 = vector.broadcast %max3A_235 : f32 to vector<4096x128xf32>
    %max3A_237 = arith.maximumf %add3A_234, %max3A_236 : vector<4096x128xf32>
    %dot_general3A_238 = arith.constant dense<0.000000e+00> : vector<4096x78xf32>
    %dot_general3A_239 = tpu.matmul %max3A_237, %get3A_88, %dot_general3A_238 {dimension_numbers = #tpu.dot_dimension_numbers<[1], [0], [0], [1], [0, 0, 1, 1], [], []>, transpose_lhs_hint = false} : vector<4096x128xf32>, vector<128x78xf32>, vector<4096x78xf32> -> vector<4096x78xf32>
    %add3A_240 = vector.broadcast %get3A_91 : vector<1x78xf32> to vector<4096x78xf32>
    %add3A_241 = arith.addf %dot_general3A_239, %add3A_240 : vector<4096x78xf32>
    %get3A_242 = arith.constant 0 : index
    %get3A_243 = arith.constant 0 : index
    %get3A_244 = vector.load %arg34[%get3A_242, %get3A_243] : memref<1x1xf32, #tpu.memory_space<vmem>>, vector<1x1xf32>
    %get3A_245 = vector.extract %get3A_244[0, 0] : f32 from vector<1x1xf32>
    %mul3A_246 = vector.broadcast %get3A_245 : f32 to vector<4096x78xf32>
    %mul3A_247 = arith.mulf %add3A_241, %mul3A_246 : vector<4096x78xf32>
    %reshape3A_248 = vector.shape_cast %mul3A_247 : vector<4096x78xf32> to vector<2x2048x78xf32>
    %swap3A = arith.constant 0 : index
    %swap3A_249 = arith.constant 0 : index
    %swap3A_250 = arith.constant 0 : index
    %swap3A_251 = vector.load %arg35[%swap3A, %swap3A_249, %swap3A_250] : memref<2x2048x78xf32, #tpu.memory_space<vmem>>, vector<2x2048x78xf32>
    tpu.vector_store %arg35[%swap3A, %swap3A_249, %swap3A_250], %reshape3A_248 {strides = array<i32>} : memref<2x2048x78xf32, #tpu.memory_space<vmem>>, vector<2x2048x78xf32>,
    return
  }
  func.func @transform_0(%arg0: i32) -> (i32, i32, i32) {
    %c0_i32 = arith.constant 0 : i32
    %c0_i32_0 = arith.constant 0 : i32
    %c0_i32_1 = arith.constant 0 : i32
    return %c0_i32, %arg0, %c0_i32_0 : i32, i32, i32
  }
  func.func @transform_1(%arg0: i32) -> (i32, i32) {
    %c0_i32 = arith.constant 0 : i32
    %c0_i32_0 = arith.constant 0 : i32
    return %arg0, %c0_i32 : i32, i32
  }
  func.func @transform_2(%arg0: i32) -> (i32, i32) {
    %c0_i32 = arith.constant 0 : i32
    %c0_i32_0 = arith.constant 0 : i32
    %c0_i32_1 = arith.constant 0 : i32
    return %c0_i32, %c0_i32_0 : i32, i32
  }
  func.func @transform_3(%arg0: i32) -> (i32, i32) {
    %c0_i32 = arith.constant 0 : i32
    %c0_i32_0 = arith.constant 0 : i32
    %c0_i32_1 = arith.constant 0 : i32
    return %c0_i32, %c0_i32_0 : i32, i32
  }
  func.func @transform_4(%arg0: i32) -> (i32, i32) {
    %c0_i32 = arith.constant 0 : i32
    %c0_i32_0 = arith.constant 0 : i32
    %c0_i32_1 = arith.constant 0 : i32
    return %c0_i32, %c0_i32_0 : i32, i32
  }
  func.func @transform_5(%arg0: i32) -> (i32, i32) {
    %c0_i32 = arith.constant 0 : i32
    %c0_i32_0 = arith.constant 0 : i32
    %c0_i32_1 = arith.constant 0 : i32
    return %c0_i32, %c0_i32_0 : i32, i32
  }
  func.func @transform_6(%arg0: i32) -> (i32, i32) {
    %c0_i32 = arith.constant 0 : i32
    %c0_i32_0 = arith.constant 0 : i32
    %c0_i32_1 = arith.constant 0 : i32
    return %c0_i32, %c0_i32_0 : i32, i32
  }
  func.func @transform_7(%arg0: i32) -> (i32, i32) {
    %c0_i32 = arith.constant 0 : i32
    %c0_i32_0 = arith.constant 0 : i32
    %c0_i32_1 = arith.constant 0 : i32
    return %c0_i32, %c0_i32_0 : i32, i32
  }
  func.func @transform_8(%arg0: i32) -> (i32, i32) {
    %c0_i32 = arith.constant 0 : i32
    %c0_i32_0 = arith.constant 0 : i32
    %c0_i32_1 = arith.constant 0 : i32
    return %c0_i32, %c0_i32_0 : i32, i32
  }
  func.func @transform_9(%arg0: i32) -> (i32, i32) {
    %c0_i32 = arith.constant 0 : i32
    %c0_i32_0 = arith.constant 0 : i32
    %c0_i32_1 = arith.constant 0 : i32
    return %c0_i32, %c0_i32_0 : i32, i32
  }
  func.func @transform_10(%arg0: i32) -> (i32, i32) {
    %c0_i32 = arith.constant 0 : i32
    %c0_i32_0 = arith.constant 0 : i32
    %c0_i32_1 = arith.constant 0 : i32
    return %c0_i32, %c0_i32_0 : i32, i32
  }
  func.func @transform_11(%arg0: i32) -> (i32, i32) {
    %c0_i32 = arith.constant 0 : i32
    %c0_i32_0 = arith.constant 0 : i32
    %c0_i32_1 = arith.constant 0 : i32
    return %c0_i32, %c0_i32_0 : i32, i32
  }
  func.func @transform_12(%arg0: i32) -> (i32, i32) {
    %c0_i32 = arith.constant 0 : i32
    %c0_i32_0 = arith.constant 0 : i32
    %c0_i32_1 = arith.constant 0 : i32
    return %c0_i32, %c0_i32_0 : i32, i32
  }
  func.func @transform_13(%arg0: i32) -> (i32, i32) {
    %c0_i32 = arith.constant 0 : i32
    %c0_i32_0 = arith.constant 0 : i32
    %c0_i32_1 = arith.constant 0 : i32
    return %c0_i32, %c0_i32_0 : i32, i32
  }
  func.func @transform_14(%arg0: i32) -> (i32, i32) {
    %c0_i32 = arith.constant 0 : i32
    %c0_i32_0 = arith.constant 0 : i32
    %c0_i32_1 = arith.constant 0 : i32
    return %c0_i32, %c0_i32_0 : i32, i32
  }
  func.func @transform_15(%arg0: i32) -> (i32, i32) {
    %c0_i32 = arith.constant 0 : i32
    %c0_i32_0 = arith.constant 0 : i32
    %c0_i32_1 = arith.constant 0 : i32
    return %c0_i32, %c0_i32_0 : i32, i32
  }
  func.func @transform_16(%arg0: i32) -> (i32, i32) {
    %c0_i32 = arith.constant 0 : i32
    %c0_i32_0 = arith.constant 0 : i32
    %c0_i32_1 = arith.constant 0 : i32
    return %c0_i32, %c0_i32_0 : i32, i32
  }
  func.func @transform_17(%arg0: i32) -> (i32, i32) {
    %c0_i32 = arith.constant 0 : i32
    %c0_i32_0 = arith.constant 0 : i32
    %c0_i32_1 = arith.constant 0 : i32
    return %c0_i32, %c0_i32_0 : i32, i32
  }
  func.func @transform_18(%arg0: i32) -> (i32, i32) {
    %c0_i32 = arith.constant 0 : i32
    %c0_i32_0 = arith.constant 0 : i32
    %c0_i32_1 = arith.constant 0 : i32
    return %c0_i32, %c0_i32_0 : i32, i32
  }
  func.func @transform_19(%arg0: i32) -> (i32, i32) {
    %c0_i32 = arith.constant 0 : i32
    %c0_i32_0 = arith.constant 0 : i32
    %c0_i32_1 = arith.constant 0 : i32
    return %c0_i32, %c0_i32_0 : i32, i32
  }
  func.func @transform_20(%arg0: i32) -> (i32, i32) {
    %c0_i32 = arith.constant 0 : i32
    %c0_i32_0 = arith.constant 0 : i32
    %c0_i32_1 = arith.constant 0 : i32
    return %c0_i32, %c0_i32_0 : i32, i32
  }
  func.func @transform_21(%arg0: i32) -> (i32, i32) {
    %c0_i32 = arith.constant 0 : i32
    %c0_i32_0 = arith.constant 0 : i32
    %c0_i32_1 = arith.constant 0 : i32
    return %c0_i32, %c0_i32_0 : i32, i32
  }
  func.func @transform_22(%arg0: i32) -> (i32, i32) {
    %c0_i32 = arith.constant 0 : i32
    %c0_i32_0 = arith.constant 0 : i32
    %c0_i32_1 = arith.constant 0 : i32
    return %c0_i32, %c0_i32_0 : i32, i32
  }
  func.func @transform_23(%arg0: i32) -> (i32, i32) {
    %c0_i32 = arith.constant 0 : i32
    %c0_i32_0 = arith.constant 0 : i32
    %c0_i32_1 = arith.constant 0 : i32
    return %c0_i32, %c0_i32_0 : i32, i32
  }
  func.func @transform_24(%arg0: i32) -> (i32, i32) {
    %c0_i32 = arith.constant 0 : i32
    %c0_i32_0 = arith.constant 0 : i32
    %c0_i32_1 = arith.constant 0 : i32
    return %c0_i32, %c0_i32_0 : i32, i32
  }
  func.func @transform_25(%arg0: i32) -> (i32, i32) {
    %c0_i32 = arith.constant 0 : i32
    %c0_i32_0 = arith.constant 0 : i32
    %c0_i32_1 = arith.constant 0 : i32
    return %c0_i32, %c0_i32_0 : i32, i32
  }
  func.func @transform_26(%arg0: i32) -> (i32, i32) {
    %c0_i32 = arith.constant 0 : i32
    %c0_i32_0 = arith.constant 0 : i32
    %c0_i32_1 = arith.constant 0 : i32
    return %c0_i32, %c0_i32_0 : i32, i32
  }
  func.func @transform_27(%arg0: i32) -> (i32, i32) {
    %c0_i32 = arith.constant 0 : i32
    %c0_i32_0 = arith.constant 0 : i32
    %c0_i32_1 = arith.constant 0 : i32
    return %c0_i32, %c0_i32_0 : i32, i32
  }
  func.func @transform_28(%arg0: i32) -> (i32, i32) {
    %c0_i32 = arith.constant 0 : i32
    %c0_i32_0 = arith.constant 0 : i32
    %c0_i32_1 = arith.constant 0 : i32
    return %c0_i32, %c0_i32_0 : i32, i32
  }
  func.func @transform_29(%arg0: i32) -> (i32, i32) {
    %c0_i32 = arith.constant 0 : i32
    %c0_i32_0 = arith.constant 0 : i32
    %c0_i32_1 = arith.constant 0 : i32
    return %c0_i32, %c0_i32_0 : i32, i32
  }
  func.func @transform_30(%arg0: i32) -> (i32, i32) {
    %c0_i32 = arith.constant 0 : i32
    %c0_i32_0 = arith.constant 0 : i32
    %c0_i32_1 = arith.constant 0 : i32
    return %c0_i32, %c0_i32_0 : i32, i32
  }
  func.func @transform_31(%arg0: i32) -> (i32, i32) {
    %c0_i32 = arith.constant 0 : i32
    %c0_i32_0 = arith.constant 0 : i32
    %c0_i32_1 = arith.constant 0 : i32
    return %c0_i32, %c0_i32_0 : i32, i32
  }
  func.func @transform_32(%arg0: i32) -> (i32, i32) {
    %c0_i32 = arith.constant 0 : i32
    %c0_i32_0 = arith.constant 0 : i32
    %c0_i32_1 = arith.constant 0 : i32
    return %c0_i32, %c0_i32_0 : i32, i32
  }
  func.func @transform_33(%arg0: i32) -> (i32, i32) {
    %c0_i32 = arith.constant 0 : i32
    %c0_i32_0 = arith.constant 0 : i32
    %c0_i32_1 = arith.constant 0 : i32
    return %c0_i32, %c0_i32_0 : i32, i32
  }
  func.func @transform_34(%arg0: i32) -> (i32, i32, i32) {
    %add3A = arith.constant 0 : i32
    %add3A_0 = arith.addi %add3A, %arg0 : i32
    %c0_i32 = arith.constant 0 : i32
    %c0_i32_1 = arith.constant 0 : i32
    %c0_i32_2 = arith.constant 0 : i32
    return %c0_i32, %add3A_0, %c0_i32_1 : i32, i32, i32
  }
}

module attributes {stable_mosaic.version = 14 : i64} {
  func.func @_fused_body(%arg0: i32, %arg1: memref<2x2048x256xf32, #tpu.memory_space<vmem>>, %arg2: memref<2048x2xf32, #tpu.memory_space<vmem>>, %arg3: memref<2x256xf32, #tpu.memory_space<vmem>>, %arg4: memref<1x256xf32, #tpu.memory_space<vmem>>, %arg5: memref<256x256xf32, #tpu.memory_space<vmem>>, %arg6: memref<1x256xf32, #tpu.memory_space<vmem>>, %arg7: memref<256x256xf32, #tpu.memory_space<vmem>>, %arg8: memref<1x256xf32, #tpu.memory_space<vmem>>, %arg9: memref<1x256xf32, #tpu.memory_space<vmem>>, %arg10: memref<1x256xf32, #tpu.memory_space<vmem>>, %arg11: memref<256x256xf32, #tpu.memory_space<vmem>>, %arg12: memref<256x256xf32, #tpu.memory_space<vmem>>, %arg13: memref<1x256xf32, #tpu.memory_space<vmem>>, %arg14: memref<256x256xf32, #tpu.memory_space<vmem>>, %arg15: memref<1x256xf32, #tpu.memory_space<vmem>>, %arg16: memref<256x256xf32, #tpu.memory_space<vmem>>, %arg17: memref<1x256xf32, #tpu.memory_space<vmem>>, %arg18: memref<1x256xf32, #tpu.memory_space<vmem>>, %arg19: memref<1x256xf32, #tpu.memory_space<vmem>>, %arg20: memref<256x256xf32, #tpu.memory_space<vmem>>, %arg21: memref<1x256xf32, #tpu.memory_space<vmem>>, %arg22: memref<256x256xf32, #tpu.memory_space<vmem>>, %arg23: memref<1x256xf32, #tpu.memory_space<vmem>>, %arg24: memref<256x256xf32, #tpu.memory_space<vmem>>, %arg25: memref<1x256xf32, #tpu.memory_space<vmem>>, %arg26: memref<1x256xf32, #tpu.memory_space<vmem>>, %arg27: memref<1x256xf32, #tpu.memory_space<vmem>>, %arg28: memref<256x128xf32, #tpu.memory_space<vmem>>, %arg29: memref<1x128xf32, #tpu.memory_space<vmem>>, %arg30: memref<128x128xf32, #tpu.memory_space<vmem>>, %arg31: memref<1x128xf32, #tpu.memory_space<vmem>>, %arg32: memref<128x78xf32, #tpu.memory_space<vmem>>, %arg33: memref<1x78xf32, #tpu.memory_space<vmem>>, %arg34: memref<1x1xf32, #tpu.memory_space<vmem>>, %arg35: memref<2x16384x78xf32, #tpu.memory_space<any>>, %arg36: memref<2x2048x78xf32, #tpu.memory_space<vmem>>) attributes {dimension_semantics = [#tpu.dimension_semantics<arbitrary>], iteration_bounds = array<i64: 4>, scalar_prefetch = 0 : i64, scratch_operands = 0 : i64, tpu.core_type = #tpu.core_type<tc>, window_params = [{transform_indices = @transform_0, window_bounds = array<i64: 2, 2048, 256>}, {transform_indices = @transform_1, window_bounds = array<i64: 2048, 2>}, {pipeline_mode = #tpu.pipeline_mode<synchronous>, transform_indices = @transform_2, window_bounds = array<i64: 2, 256>}, {pipeline_mode = #tpu.pipeline_mode<synchronous>, transform_indices = @transform_3, window_bounds = array<i64: 1, 256>}, {pipeline_mode = #tpu.pipeline_mode<synchronous>, transform_indices = @transform_4, window_bounds = array<i64: 256, 256>}, {pipeline_mode = #tpu.pipeline_mode<synchronous>, transform_indices = @transform_5, window_bounds = array<i64: 1, 256>}, {pipeline_mode = #tpu.pipeline_mode<synchronous>, transform_indices = @transform_6, window_bounds = array<i64: 256, 256>}, {pipeline_mode = #tpu.pipeline_mode<synchronous>, transform_indices = @transform_7, window_bounds = array<i64: 1, 256>}, {pipeline_mode = #tpu.pipeline_mode<synchronous>, transform_indices = @transform_8, window_bounds = array<i64: 1, 256>}, {pipeline_mode = #tpu.pipeline_mode<synchronous>, transform_indices = @transform_9, window_bounds = array<i64: 1, 256>}, {pipeline_mode = #tpu.pipeline_mode<synchronous>, transform_indices = @transform_10, window_bounds = array<i64: 256, 256>}, {pipeline_mode = #tpu.pipeline_mode<synchronous>, transform_indices = @transform_11, window_bounds = array<i64: 256, 256>}, {pipeline_mode = #tpu.pipeline_mode<synchronous>, transform_indices = @transform_12, window_bounds = array<i64: 1, 256>}, {pipeline_mode = #tpu.pipeline_mode<synchronous>, transform_indices = @transform_13, window_bounds = array<i64: 256, 256>}, {pipeline_mode = #tpu.pipeline_mode<synchronous>, transform_indices = @transform_14, window_bounds = array<i64: 1, 256>}, {pipeline_mode = #tpu.pipeline_mode<synchronous>, transform_indices = @transform_15, window_bounds = array<i64: 256, 256>}, {pipeline_mode = #tpu.pipeline_mode<synchronous>, transform_indices = @transform_16, window_bounds = array<i64: 1, 256>}, {pipeline_mode = #tpu.pipeline_mode<synchronous>, transform_indices = @transform_17, window_bounds = array<i64: 1, 256>}, {pipeline_mode = #tpu.pipeline_mode<synchronous>, transform_indices = @transform_18, window_bounds = array<i64: 1, 256>}, {pipeline_mode = #tpu.pipeline_mode<synchronous>, transform_indices = @transform_19, window_bounds = array<i64: 256, 256>}, {pipeline_mode = #tpu.pipeline_mode<synchronous>, transform_indices = @transform_20, window_bounds = array<i64: 1, 256>}, {pipeline_mode = #tpu.pipeline_mode<synchronous>, transform_indices = @transform_21, window_bounds = array<i64: 256, 256>}, {pipeline_mode = #tpu.pipeline_mode<synchronous>, transform_indices = @transform_22, window_bounds = array<i64: 1, 256>}, {pipeline_mode = #tpu.pipeline_mode<synchronous>, transform_indices = @transform_23, window_bounds = array<i64: 256, 256>}, {pipeline_mode = #tpu.pipeline_mode<synchronous>, transform_indices = @transform_24, window_bounds = array<i64: 1, 256>}, {pipeline_mode = #tpu.pipeline_mode<synchronous>, transform_indices = @transform_25, window_bounds = array<i64: 1, 256>}, {pipeline_mode = #tpu.pipeline_mode<synchronous>, transform_indices = @transform_26, window_bounds = array<i64: 1, 256>}, {pipeline_mode = #tpu.pipeline_mode<synchronous>, transform_indices = @transform_27, window_bounds = array<i64: 256, 128>}, {pipeline_mode = #tpu.pipeline_mode<synchronous>, transform_indices = @transform_28, window_bounds = array<i64: 1, 128>}, {pipeline_mode = #tpu.pipeline_mode<synchronous>, transform_indices = @transform_29, window_bounds = array<i64: 128, 128>}, {pipeline_mode = #tpu.pipeline_mode<synchronous>, transform_indices = @transform_30, window_bounds = array<i64: 1, 128>}, {pipeline_mode = #tpu.pipeline_mode<synchronous>, transform_indices = @transform_31, window_bounds = array<i64: 128, 78>}, {pipeline_mode = #tpu.pipeline_mode<synchronous>, transform_indices = @transform_32, window_bounds = array<i64: 1, 78>}, {pipeline_mode = #tpu.pipeline_mode<synchronous>, transform_indices = @transform_33, window_bounds = array<i64: 1, 1>}, {}, {transform_indices = @transform_35, window_bounds = array<i64: 2, 2048, 78>}]} {
    %get3A = arith.constant 0 : index
    %get3A_0 = arith.constant 0 : index
    %get3A_1 = vector.load %arg3[%get3A, %get3A_0] : memref<2x256xf32, #tpu.memory_space<vmem>>, vector<2x256xf32>
    %get3A_2 = arith.constant 0 : index
    %get3A_3 = arith.constant 0 : index
    %get3A_4 = vector.load %arg4[%get3A_2, %get3A_3] : memref<1x256xf32, #tpu.memory_space<vmem>>, vector<1x256xf32>
    %get3A_5 = arith.constant 0 : index
    %get3A_6 = arith.constant 0 : index
    %get3A_7 = vector.load %arg5[%get3A_5, %get3A_6] : memref<256x256xf32, #tpu.memory_space<vmem>>, vector<256x256xf32>
    %get3A_8 = arith.constant 0 : index
    %get3A_9 = arith.constant 0 : index
    %get3A_10 = vector.load %arg6[%get3A_8, %get3A_9] : memref<1x256xf32, #tpu.memory_space<vmem>>, vector<1x256xf32>
    %get3A_11 = arith.constant 0 : index
    %get3A_12 = arith.constant 0 : index
    %get3A_13 = vector.load %arg7[%get3A_11, %get3A_12] : memref<256x256xf32, #tpu.memory_space<vmem>>, vector<256x256xf32>
    %get3A_14 = arith.constant 0 : index
    %get3A_15 = arith.constant 0 : index
    %get3A_16 = vector.load %arg8[%get3A_14, %get3A_15] : memref<1x256xf32, #tpu.memory_space<vmem>>, vector<1x256xf32>
    %get3A_17 = arith.constant 0 : index
    %get3A_18 = arith.constant 0 : index
    %get3A_19 = vector.load %arg9[%get3A_17, %get3A_18] : memref<1x256xf32, #tpu.memory_space<vmem>>, vector<1x256xf32>
    %get3A_20 = arith.constant 0 : index
    %get3A_21 = arith.constant 0 : index
    %get3A_22 = vector.load %arg10[%get3A_20, %get3A_21] : memref<1x256xf32, #tpu.memory_space<vmem>>, vector<1x256xf32>
    %get3A_23 = arith.constant 0 : index
    %get3A_24 = arith.constant 0 : index
    %get3A_25 = vector.load %arg11[%get3A_23, %get3A_24] : memref<256x256xf32, #tpu.memory_space<vmem>>, vector<256x256xf32>
    %get3A_26 = arith.constant 0 : index
    %get3A_27 = arith.constant 0 : index
    %get3A_28 = vector.load %arg12[%get3A_26, %get3A_27] : memref<256x256xf32, #tpu.memory_space<vmem>>, vector<256x256xf32>
    %get3A_29 = arith.constant 0 : index
    %get3A_30 = arith.constant 0 : index
    %get3A_31 = vector.load %arg13[%get3A_29, %get3A_30] : memref<1x256xf32, #tpu.memory_space<vmem>>, vector<1x256xf32>
    %get3A_32 = arith.constant 0 : index
    %get3A_33 = arith.constant 0 : index
    %get3A_34 = vector.load %arg14[%get3A_32, %get3A_33] : memref<256x256xf32, #tpu.memory_space<vmem>>, vector<256x256xf32>
    %get3A_35 = arith.constant 0 : index
    %get3A_36 = arith.constant 0 : index
    %get3A_37 = vector.load %arg15[%get3A_35, %get3A_36] : memref<1x256xf32, #tpu.memory_space<vmem>>, vector<1x256xf32>
    %get3A_38 = arith.constant 0 : index
    %get3A_39 = arith.constant 0 : index
    %get3A_40 = vector.load %arg16[%get3A_38, %get3A_39] : memref<256x256xf32, #tpu.memory_space<vmem>>, vector<256x256xf32>
    %get3A_41 = arith.constant 0 : index
    %get3A_42 = arith.constant 0 : index
    %get3A_43 = vector.load %arg17[%get3A_41, %get3A_42] : memref<1x256xf32, #tpu.memory_space<vmem>>, vector<1x256xf32>
    %get3A_44 = arith.constant 0 : index
    %get3A_45 = arith.constant 0 : index
    %get3A_46 = vector.load %arg18[%get3A_44, %get3A_45] : memref<1x256xf32, #tpu.memory_space<vmem>>, vector<1x256xf32>
    %get3A_47 = arith.constant 0 : index
    %get3A_48 = arith.constant 0 : index
    %get3A_49 = vector.load %arg19[%get3A_47, %get3A_48] : memref<1x256xf32, #tpu.memory_space<vmem>>, vector<1x256xf32>
    %get3A_50 = arith.constant 0 : index
    %get3A_51 = arith.constant 0 : index
    %get3A_52 = vector.load %arg20[%get3A_50, %get3A_51] : memref<256x256xf32, #tpu.memory_space<vmem>>, vector<256x256xf32>
    %get3A_53 = arith.constant 0 : index
    %get3A_54 = arith.constant 0 : index
    %get3A_55 = vector.load %arg21[%get3A_53, %get3A_54] : memref<1x256xf32, #tpu.memory_space<vmem>>, vector<1x256xf32>
    %get3A_56 = arith.constant 0 : index
    %get3A_57 = arith.constant 0 : index
    %get3A_58 = vector.load %arg22[%get3A_56, %get3A_57] : memref<256x256xf32, #tpu.memory_space<vmem>>, vector<256x256xf32>
    %get3A_59 = arith.constant 0 : index
    %get3A_60 = arith.constant 0 : index
    %get3A_61 = vector.load %arg23[%get3A_59, %get3A_60] : memref<1x256xf32, #tpu.memory_space<vmem>>, vector<1x256xf32>
    %get3A_62 = arith.constant 0 : index
    %get3A_63 = arith.constant 0 : index
    %get3A_64 = vector.load %arg24[%get3A_62, %get3A_63] : memref<256x256xf32, #tpu.memory_space<vmem>>, vector<256x256xf32>
    %get3A_65 = arith.constant 0 : index
    %get3A_66 = arith.constant 0 : index
    %get3A_67 = vector.load %arg25[%get3A_65, %get3A_66] : memref<1x256xf32, #tpu.memory_space<vmem>>, vector<1x256xf32>
    %get3A_68 = arith.constant 0 : index
    %get3A_69 = arith.constant 0 : index
    %get3A_70 = vector.load %arg26[%get3A_68, %get3A_69] : memref<1x256xf32, #tpu.memory_space<vmem>>, vector<1x256xf32>
    %get3A_71 = arith.constant 0 : index
    %get3A_72 = arith.constant 0 : index
    %get3A_73 = vector.load %arg27[%get3A_71, %get3A_72] : memref<1x256xf32, #tpu.memory_space<vmem>>, vector<1x256xf32>
    %get3A_74 = arith.constant 0 : index
    %get3A_75 = arith.constant 0 : index
    %get3A_76 = vector.load %arg28[%get3A_74, %get3A_75] : memref<256x128xf32, #tpu.memory_space<vmem>>, vector<256x128xf32>
    %get3A_77 = arith.constant 0 : index
    %get3A_78 = arith.constant 0 : index
    %get3A_79 = vector.load %arg29[%get3A_77, %get3A_78] : memref<1x128xf32, #tpu.memory_space<vmem>>, vector<1x128xf32>
    %get3A_80 = arith.constant 0 : index
    %get3A_81 = arith.constant 0 : index
    %get3A_82 = vector.load %arg30[%get3A_80, %get3A_81] : memref<128x128xf32, #tpu.memory_space<vmem>>, vector<128x128xf32>
    %get3A_83 = arith.constant 0 : index
    %get3A_84 = arith.constant 0 : index
    %get3A_85 = vector.load %arg31[%get3A_83, %get3A_84] : memref<1x128xf32, #tpu.memory_space<vmem>>, vector<1x128xf32>
    %get3A_86 = arith.constant 0 : index
    %get3A_87 = arith.constant 0 : index
    %get3A_88 = vector.load %arg32[%get3A_86, %get3A_87] : memref<128x78xf32, #tpu.memory_space<vmem>>, vector<128x78xf32>
    %get3A_89 = arith.constant 0 : index
    %get3A_90 = arith.constant 0 : index
    %get3A_91 = vector.load %arg33[%get3A_89, %get3A_90] : memref<1x78xf32, #tpu.memory_space<vmem>>, vector<1x78xf32>
    %get3A_92 = arith.constant 0 : index
    %get3A_93 = arith.constant 0 : index
    %get3A_94 = vector.load %arg2[%get3A_92, %get3A_93] : memref<2048x2xf32, #tpu.memory_space<vmem>>, vector<2048x2xf32>
    %dot_general3A = arith.constant dense<0.000000e+00> : vector<2048x256xf32>
    %dot_general3A_95 = tpu.matmul %get3A_94, %get3A_1, %dot_general3A {dimension_numbers = #tpu.dot_dimension_numbers<[1], [0], [0], [1], [0, 0, 1, 1], [], []>, transpose_lhs_hint = false} : vector<2048x2xf32>, vector<2x256xf32>, vector<2048x256xf32> -> vector<2048x256xf32>
    %add3A = vector.broadcast %get3A_4 : vector<1x256xf32> to vector<2048x256xf32>
    %add3A_96 = arith.addf %dot_general3A_95, %add3A : vector<2048x256xf32>
    %max3A = arith.constant 0.000000e+00 : f32
    %max3A_97 = vector.broadcast %max3A : f32 to vector<2048x256xf32>
    %max3A_98 = arith.maximumf %add3A_96, %max3A_97 : vector<2048x256xf32>
    %dot_general3A_99 = arith.constant dense<0.000000e+00> : vector<2048x256xf32>
    %dot_general3A_100 = tpu.matmul %max3A_98, %get3A_7, %dot_general3A_99 {dimension_numbers = #tpu.dot_dimension_numbers<[1], [0], [0], [1], [0, 0, 1, 1], [], []>, transpose_lhs_hint = false} : vector<2048x256xf32>, vector<256x256xf32>, vector<2048x256xf32> -> vector<2048x256xf32>
    %add3A_101 = vector.broadcast %get3A_10 : vector<1x256xf32> to vector<2048x256xf32>
    %add3A_102 = arith.addf %dot_general3A_100, %add3A_101 : vector<2048x256xf32>
    %max3A_103 = arith.constant 0.000000e+00 : f32
    %max3A_104 = vector.broadcast %max3A_103 : f32 to vector<2048x256xf32>
    %max3A_105 = arith.maximumf %add3A_102, %max3A_104 : vector<2048x256xf32>
    %dot_general3A_106 = arith.constant dense<0.000000e+00> : vector<2048x256xf32>
    %dot_general3A_107 = tpu.matmul %max3A_105, %get3A_13, %dot_general3A_106 {dimension_numbers = #tpu.dot_dimension_numbers<[1], [0], [0], [1], [0, 0, 1, 1], [], []>, transpose_lhs_hint = false} : vector<2048x256xf32>, vector<256x256xf32>, vector<2048x256xf32> -> vector<2048x256xf32>
    %add3A_108 = vector.broadcast %get3A_16 : vector<1x256xf32> to vector<2048x256xf32>
    %add3A_109 = arith.addf %dot_general3A_107, %add3A_108 : vector<2048x256xf32>
    %reduce_sum3A = arith.constant dense<0.000000e+00> : vector<2048xf32>
    %reduce_sum3A_110 = vector.multi_reduction <add>, %add3A_109, %reduce_sum3A [1] : vector<2048x256xf32> to vector<2048xf32>
    %broadcast_in_dim3A = vector.shape_cast %reduce_sum3A_110 : vector<2048xf32> to vector<2048x1xf32>
    %div3A = arith.constant 2.560000e+02 : f32
    %div3A_111 = vector.broadcast %div3A : f32 to vector<2048x1xf32>
    %div3A_112 = arith.divf %broadcast_in_dim3A, %div3A_111 : vector<2048x1xf32>
    %sub3A = vector.broadcast %div3A_112 : vector<2048x1xf32> to vector<2048x256xf32>
    %sub3A_113 = arith.subf %add3A_109, %sub3A : vector<2048x256xf32>
    %mul3A = arith.mulf %sub3A_113, %sub3A_113 : vector<2048x256xf32>
    %reduce_sum3A_114 = arith.constant dense<0.000000e+00> : vector<2048xf32>
    %reduce_sum3A_115 = vector.multi_reduction <add>, %mul3A, %reduce_sum3A_114 [1] : vector<2048x256xf32> to vector<2048xf32>
    %broadcast_in_dim3A_116 = vector.shape_cast %reduce_sum3A_115 : vector<2048xf32> to vector<2048x1xf32>
    %div3A_117 = arith.constant 2.560000e+02 : f32
    %div3A_118 = vector.broadcast %div3A_117 : f32 to vector<2048x1xf32>
    %div3A_119 = arith.divf %broadcast_in_dim3A_116, %div3A_118 : vector<2048x1xf32>
    %add3A_120 = arith.constant 9.99999974E-6 : f32
    %add3A_121 = vector.broadcast %add3A_120 : f32 to vector<2048x1xf32>
    %add3A_122 = arith.addf %div3A_119, %add3A_121 : vector<2048x1xf32>
    %rsqrt3A = math.rsqrt %add3A_122 : vector<2048x1xf32>
    %mul3A_123 = vector.broadcast %rsqrt3A : vector<2048x1xf32> to vector<2048x256xf32>
    %mul3A_124 = arith.mulf %sub3A_113, %mul3A_123 : vector<2048x256xf32>
    %mul3A_125 = vector.broadcast %get3A_19 : vector<1x256xf32> to vector<2048x256xf32>
    %mul3A_126 = arith.mulf %mul3A_124, %mul3A_125 : vector<2048x256xf32>
    %add3A_127 = vector.broadcast %get3A_22 : vector<1x256xf32> to vector<2048x256xf32>
    %add3A_128 = arith.addf %mul3A_126, %add3A_127 : vector<2048x256xf32>
    %get3A_129 = arith.constant 0 : index
    %get3A_130 = arith.constant 0 : index
    %get3A_131 = arith.constant 0 : index
    %get3A_132 = vector.load %arg1[%get3A_129, %get3A_130, %get3A_131] : memref<2x2048x256xf32, #tpu.memory_space<vmem>>, vector<2x2048x256xf32>
    %reshape3A = vector.shape_cast %get3A_132 : vector<2x2048x256xf32> to vector<4096x256xf32>
    %dot_general3A_133 = arith.constant dense<0.000000e+00> : vector<2048x256xf32>
    %dot_general3A_134 = tpu.matmul %add3A_128, %get3A_28, %dot_general3A_133 {dimension_numbers = #tpu.dot_dimension_numbers<[1], [0], [0], [1], [0, 0, 1, 1], [], []>, transpose_lhs_hint = false} : vector<2048x256xf32>, vector<256x256xf32>, vector<2048x256xf32> -> vector<2048x256xf32>
    %add3A_135 = vector.broadcast %get3A_31 : vector<1x256xf32> to vector<2048x256xf32>
    %add3A_136 = arith.addf %dot_general3A_134, %add3A_135 : vector<2048x256xf32>
    %concatenate3A = tpu.concatenate %add3A_136, %add3A_136 in 0 : vector<2048x256xf32>, vector<2048x256xf32> -> vector<4096x256xf32>
    %dot_general3A_137 = arith.constant dense<0.000000e+00> : vector<4096x256xf32>
    %dot_general3A_138 = tpu.matmul %reshape3A, %get3A_25, %dot_general3A_137 {dimension_numbers = #tpu.dot_dimension_numbers<[1], [0], [0], [1], [0, 0, 1, 1], [], []>, transpose_lhs_hint = false} : vector<4096x256xf32>, vector<256x256xf32>, vector<4096x256xf32> -> vector<4096x256xf32>
    %add3A_139 = arith.addf %dot_general3A_138, %concatenate3A : vector<4096x256xf32>
    %max3A_140 = arith.constant 0.000000e+00 : f32
    %max3A_141 = vector.broadcast %max3A_140 : f32 to vector<4096x256xf32>
    %max3A_142 = arith.maximumf %add3A_139, %max3A_141 : vector<4096x256xf32>
    %dot_general3A_143 = arith.constant dense<0.000000e+00> : vector<4096x256xf32>
    %dot_general3A_144 = tpu.matmul %max3A_142, %get3A_34, %dot_general3A_143 {dimension_numbers = #tpu.dot_dimension_numbers<[1], [0], [0], [1], [0, 0, 1, 1], [], []>, transpose_lhs_hint = false} : vector<4096x256xf32>, vector<256x256xf32>, vector<4096x256xf32> -> vector<4096x256xf32>
    %add3A_145 = vector.broadcast %get3A_37 : vector<1x256xf32> to vector<4096x256xf32>
    %add3A_146 = arith.addf %dot_general3A_144, %add3A_145 : vector<4096x256xf32>
    %max3A_147 = arith.constant 0.000000e+00 : f32
    %max3A_148 = vector.broadcast %max3A_147 : f32 to vector<4096x256xf32>
    %max3A_149 = arith.maximumf %add3A_146, %max3A_148 : vector<4096x256xf32>
    %dot_general3A_150 = arith.constant dense<0.000000e+00> : vector<4096x256xf32>
    %dot_general3A_151 = tpu.matmul %max3A_149, %get3A_40, %dot_general3A_150 {dimension_numbers = #tpu.dot_dimension_numbers<[1], [0], [0], [1], [0, 0, 1, 1], [], []>, transpose_lhs_hint = false} : vector<4096x256xf32>, vector<256x256xf32>, vector<4096x256xf32> -> vector<4096x256xf32>
    %add3A_152 = vector.broadcast %get3A_43 : vector<1x256xf32> to vector<4096x256xf32>
    %add3A_153 = arith.addf %dot_general3A_151, %add3A_152 : vector<4096x256xf32>
    %reduce_sum3A_154 = arith.constant dense<0.000000e+00> : vector<4096xf32>
    %reduce_sum3A_155 = vector.multi_reduction <add>, %add3A_153, %reduce_sum3A_154 [1] : vector<4096x256xf32> to vector<4096xf32>
    %broadcast_in_dim3A_156 = vector.shape_cast %reduce_sum3A_155 : vector<4096xf32> to vector<4096x1xf32>
    %div3A_157 = arith.constant 2.560000e+02 : f32
    %div3A_158 = vector.broadcast %div3A_157 : f32 to vector<4096x1xf32>
    %div3A_159 = arith.divf %broadcast_in_dim3A_156, %div3A_158 : vector<4096x1xf32>
    %sub3A_160 = vector.broadcast %div3A_159 : vector<4096x1xf32> to vector<4096x256xf32>
    %sub3A_161 = arith.subf %add3A_153, %sub3A_160 : vector<4096x256xf32>
    %mul3A_162 = arith.mulf %sub3A_161, %sub3A_161 : vector<4096x256xf32>
    %reduce_sum3A_163 = arith.constant dense<0.000000e+00> : vector<4096xf32>
    %reduce_sum3A_164 = vector.multi_reduction <add>, %mul3A_162, %reduce_sum3A_163 [1] : vector<4096x256xf32> to vector<4096xf32>
    %broadcast_in_dim3A_165 = vector.shape_cast %reduce_sum3A_164 : vector<4096xf32> to vector<4096x1xf32>
    %div3A_166 = arith.constant 2.560000e+02 : f32
    %div3A_167 = vector.broadcast %div3A_166 : f32 to vector<4096x1xf32>
    %div3A_168 = arith.divf %broadcast_in_dim3A_165, %div3A_167 : vector<4096x1xf32>
    %add3A_169 = arith.constant 9.99999974E-6 : f32
    %add3A_170 = vector.broadcast %add3A_169 : f32 to vector<4096x1xf32>
    %add3A_171 = arith.addf %div3A_168, %add3A_170 : vector<4096x1xf32>
    %rsqrt3A_172 = math.rsqrt %add3A_171 : vector<4096x1xf32>
    %mul3A_173 = vector.broadcast %rsqrt3A_172 : vector<4096x1xf32> to vector<4096x256xf32>
    %mul3A_174 = arith.mulf %sub3A_161, %mul3A_173 : vector<4096x256xf32>
    %mul3A_175 = vector.broadcast %get3A_46 : vector<1x256xf32> to vector<4096x256xf32>
    %mul3A_176 = arith.mulf %mul3A_174, %mul3A_175 : vector<4096x256xf32>
    %add3A_177 = vector.broadcast %get3A_49 : vector<1x256xf32> to vector<4096x256xf32>
    %add3A_178 = arith.addf %mul3A_176, %add3A_177 : vector<4096x256xf32>
    %concatenate3A_179 = tpu.concatenate %add3A_128, %add3A_128 in 0 : vector<2048x256xf32>, vector<2048x256xf32> -> vector<4096x256xf32>
    %add3A_180 = arith.addf %add3A_178, %concatenate3A_179 : vector<4096x256xf32>
    %dot_general3A_181 = arith.constant dense<0.000000e+00> : vector<4096x256xf32>
    %dot_general3A_182 = tpu.matmul %add3A_180, %get3A_52, %dot_general3A_181 {dimension_numbers = #tpu.dot_dimension_numbers<[1], [0], [0], [1], [0, 0, 1, 1], [], []>, transpose_lhs_hint = false} : vector<4096x256xf32>, vector<256x256xf32>, vector<4096x256xf32> -> vector<4096x256xf32>
    %add3A_183 = vector.broadcast %get3A_55 : vector<1x256xf32> to vector<4096x256xf32>
    %add3A_184 = arith.addf %dot_general3A_182, %add3A_183 : vector<4096x256xf32>
    %max3A_185 = arith.constant 0.000000e+00 : f32
    %max3A_186 = vector.broadcast %max3A_185 : f32 to vector<4096x256xf32>
    %max3A_187 = arith.maximumf %add3A_184, %max3A_186 : vector<4096x256xf32>
    %dot_general3A_188 = arith.constant dense<0.000000e+00> : vector<4096x256xf32>
    %dot_general3A_189 = tpu.matmul %max3A_187, %get3A_58, %dot_general3A_188 {dimension_numbers = #tpu.dot_dimension_numbers<[1], [0], [0], [1], [0, 0, 1, 1], [], []>, transpose_lhs_hint = false} : vector<4096x256xf32>, vector<256x256xf32>, vector<4096x256xf32> -> vector<4096x256xf32>
    %add3A_190 = vector.broadcast %get3A_61 : vector<1x256xf32> to vector<4096x256xf32>
    %add3A_191 = arith.addf %dot_general3A_189, %add3A_190 : vector<4096x256xf32>
    %max3A_192 = arith.constant 0.000000e+00 : f32
    %max3A_193 = vector.broadcast %max3A_192 : f32 to vector<4096x256xf32>
    %max3A_194 = arith.maximumf %add3A_191, %max3A_193 : vector<4096x256xf32>
    %dot_general3A_195 = arith.constant dense<0.000000e+00> : vector<4096x256xf32>
    %dot_general3A_196 = tpu.matmul %max3A_194, %get3A_64, %dot_general3A_195 {dimension_numbers = #tpu.dot_dimension_numbers<[1], [0], [0], [1], [0, 0, 1, 1], [], []>, transpose_lhs_hint = false} : vector<4096x256xf32>, vector<256x256xf32>, vector<4096x256xf32> -> vector<4096x256xf32>
    %add3A_197 = vector.broadcast %get3A_67 : vector<1x256xf32> to vector<4096x256xf32>
    %add3A_198 = arith.addf %dot_general3A_196, %add3A_197 : vector<4096x256xf32>
    %reduce_sum3A_199 = arith.constant dense<0.000000e+00> : vector<4096xf32>
    %reduce_sum3A_200 = vector.multi_reduction <add>, %add3A_198, %reduce_sum3A_199 [1] : vector<4096x256xf32> to vector<4096xf32>
    %broadcast_in_dim3A_201 = vector.shape_cast %reduce_sum3A_200 : vector<4096xf32> to vector<4096x1xf32>
    %div3A_202 = arith.constant 2.560000e+02 : f32
    %div3A_203 = vector.broadcast %div3A_202 : f32 to vector<4096x1xf32>
    %div3A_204 = arith.divf %broadcast_in_dim3A_201, %div3A_203 : vector<4096x1xf32>
    %sub3A_205 = vector.broadcast %div3A_204 : vector<4096x1xf32> to vector<4096x256xf32>
    %sub3A_206 = arith.subf %add3A_198, %sub3A_205 : vector<4096x256xf32>
    %mul3A_207 = arith.mulf %sub3A_206, %sub3A_206 : vector<4096x256xf32>
    %reduce_sum3A_208 = arith.constant dense<0.000000e+00> : vector<4096xf32>
    %reduce_sum3A_209 = vector.multi_reduction <add>, %mul3A_207, %reduce_sum3A_208 [1] : vector<4096x256xf32> to vector<4096xf32>
    %broadcast_in_dim3A_210 = vector.shape_cast %reduce_sum3A_209 : vector<4096xf32> to vector<4096x1xf32>
    %div3A_211 = arith.constant 2.560000e+02 : f32
    %div3A_212 = vector.broadcast %div3A_211 : f32 to vector<4096x1xf32>
    %div3A_213 = arith.divf %broadcast_in_dim3A_210, %div3A_212 : vector<4096x1xf32>
    %add3A_214 = arith.constant 9.99999974E-6 : f32
    %add3A_215 = vector.broadcast %add3A_214 : f32 to vector<4096x1xf32>
    %add3A_216 = arith.addf %div3A_213, %add3A_215 : vector<4096x1xf32>
    %rsqrt3A_217 = math.rsqrt %add3A_216 : vector<4096x1xf32>
    %mul3A_218 = vector.broadcast %rsqrt3A_217 : vector<4096x1xf32> to vector<4096x256xf32>
    %mul3A_219 = arith.mulf %sub3A_206, %mul3A_218 : vector<4096x256xf32>
    %mul3A_220 = vector.broadcast %get3A_70 : vector<1x256xf32> to vector<4096x256xf32>
    %mul3A_221 = arith.mulf %mul3A_219, %mul3A_220 : vector<4096x256xf32>
    %add3A_222 = vector.broadcast %get3A_73 : vector<1x256xf32> to vector<4096x256xf32>
    %add3A_223 = arith.addf %mul3A_221, %add3A_222 : vector<4096x256xf32>
    %dot_general3A_224 = arith.constant dense<0.000000e+00> : vector<4096x128xf32>
    %dot_general3A_225 = tpu.matmul %add3A_223, %get3A_76, %dot_general3A_224 {dimension_numbers = #tpu.dot_dimension_numbers<[1], [0], [0], [1], [0, 0, 1, 1], [], []>, transpose_lhs_hint = false} : vector<4096x256xf32>, vector<256x128xf32>, vector<4096x128xf32> -> vector<4096x128xf32>
    %add3A_226 = vector.broadcast %get3A_79 : vector<1x128xf32> to vector<4096x128xf32>
    %add3A_227 = arith.addf %dot_general3A_225, %add3A_226 : vector<4096x128xf32>
    %max3A_228 = arith.constant 0.000000e+00 : f32
    %max3A_229 = vector.broadcast %max3A_228 : f32 to vector<4096x128xf32>
    %max3A_230 = arith.maximumf %add3A_227, %max3A_229 : vector<4096x128xf32>
    %dot_general3A_231 = arith.constant dense<0.000000e+00> : vector<4096x128xf32>
    %dot_general3A_232 = tpu.matmul %max3A_230, %get3A_82, %dot_general3A_231 {dimension_numbers = #tpu.dot_dimension_numbers<[1], [0], [0], [1], [0, 0, 1, 1], [], []>, transpose_lhs_hint = false} : vector<4096x128xf32>, vector<128x128xf32>, vector<4096x128xf32> -> vector<4096x128xf32>
    %add3A_233 = vector.broadcast %get3A_85 : vector<1x128xf32> to vector<4096x128xf32>
    %add3A_234 = arith.addf %dot_general3A_232, %add3A_233 : vector<4096x128xf32>
    %max3A_235 = arith.constant 0.000000e+00 : f32
    %max3A_236 = vector.broadcast %max3A_235 : f32 to vector<4096x128xf32>
    %max3A_237 = arith.maximumf %add3A_234, %max3A_236 : vector<4096x128xf32>
    %dot_general3A_238 = arith.constant dense<0.000000e+00> : vector<4096x78xf32>
    %dot_general3A_239 = tpu.matmul %max3A_237, %get3A_88, %dot_general3A_238 {dimension_numbers = #tpu.dot_dimension_numbers<[1], [0], [0], [1], [0, 0, 1, 1], [], []>, transpose_lhs_hint = false} : vector<4096x128xf32>, vector<128x78xf32>, vector<4096x78xf32> -> vector<4096x78xf32>
    %add3A_240 = vector.broadcast %get3A_91 : vector<1x78xf32> to vector<4096x78xf32>
    %add3A_241 = arith.addf %dot_general3A_239, %add3A_240 : vector<4096x78xf32>
    %get3A_242 = arith.constant 0 : index
    %get3A_243 = arith.constant 0 : index
    %get3A_244 = vector.load %arg34[%get3A_242, %get3A_243] : memref<1x1xf32, #tpu.memory_space<vmem>>, vector<1x1xf32>
    %get3A_245 = vector.extract %get3A_244[0, 0] : f32 from vector<1x1xf32>
    %mul3A_246 = vector.broadcast %get3A_245 : f32 to vector<4096x78xf32>
    %mul3A_247 = arith.mulf %add3A_241, %mul3A_246 : vector<4096x78xf32>
    %reshape3A_248 = vector.shape_cast %mul3A_247 : vector<4096x78xf32> to vector<2x2048x78xf32>
    %swap3A = arith.constant 0 : index
    %swap3A_249 = arith.constant 0 : index
    %swap3A_250 = arith.constant 0 : index
    %swap3A_251 = vector.load %arg36[%swap3A, %swap3A_249, %swap3A_250] : memref<2x2048x78xf32, #tpu.memory_space<vmem>>, vector<2x2048x78xf32>
    tpu.vector_store %arg36[%swap3A, %swap3A_249, %swap3A_250], %reshape3A_248 {strides = array<i32>} : memref<2x2048x78xf32, #tpu.memory_space<vmem>>, vector<2x2048x78xf32>,
    return
  }
  func.func @transform_0(%arg0: i32) -> (i32, i32, i32) {
    %c0_i32 = arith.constant 0 : i32
    %c0_i32_0 = arith.constant 0 : i32
    %c0_i32_1 = arith.constant 0 : i32
    return %c0_i32, %arg0, %c0_i32_0 : i32, i32, i32
  }
  func.func @transform_1(%arg0: i32) -> (i32, i32) {
    %c0_i32 = arith.constant 0 : i32
    %c0_i32_0 = arith.constant 0 : i32
    return %arg0, %c0_i32 : i32, i32
  }
  func.func @transform_2(%arg0: i32) -> (i32, i32) {
    %c0_i32 = arith.constant 0 : i32
    %c0_i32_0 = arith.constant 0 : i32
    %c0_i32_1 = arith.constant 0 : i32
    return %c0_i32, %c0_i32_0 : i32, i32
  }
  func.func @transform_3(%arg0: i32) -> (i32, i32) {
    %c0_i32 = arith.constant 0 : i32
    %c0_i32_0 = arith.constant 0 : i32
    %c0_i32_1 = arith.constant 0 : i32
    return %c0_i32, %c0_i32_0 : i32, i32
  }
  func.func @transform_4(%arg0: i32) -> (i32, i32) {
    %c0_i32 = arith.constant 0 : i32
    %c0_i32_0 = arith.constant 0 : i32
    %c0_i32_1 = arith.constant 0 : i32
    return %c0_i32, %c0_i32_0 : i32, i32
  }
  func.func @transform_5(%arg0: i32) -> (i32, i32) {
    %c0_i32 = arith.constant 0 : i32
    %c0_i32_0 = arith.constant 0 : i32
    %c0_i32_1 = arith.constant 0 : i32
    return %c0_i32, %c0_i32_0 : i32, i32
  }
  func.func @transform_6(%arg0: i32) -> (i32, i32) {
    %c0_i32 = arith.constant 0 : i32
    %c0_i32_0 = arith.constant 0 : i32
    %c0_i32_1 = arith.constant 0 : i32
    return %c0_i32, %c0_i32_0 : i32, i32
  }
  func.func @transform_7(%arg0: i32) -> (i32, i32) {
    %c0_i32 = arith.constant 0 : i32
    %c0_i32_0 = arith.constant 0 : i32
    %c0_i32_1 = arith.constant 0 : i32
    return %c0_i32, %c0_i32_0 : i32, i32
  }
  func.func @transform_8(%arg0: i32) -> (i32, i32) {
    %c0_i32 = arith.constant 0 : i32
    %c0_i32_0 = arith.constant 0 : i32
    %c0_i32_1 = arith.constant 0 : i32
    return %c0_i32, %c0_i32_0 : i32, i32
  }
  func.func @transform_9(%arg0: i32) -> (i32, i32) {
    %c0_i32 = arith.constant 0 : i32
    %c0_i32_0 = arith.constant 0 : i32
    %c0_i32_1 = arith.constant 0 : i32
    return %c0_i32, %c0_i32_0 : i32, i32
  }
  func.func @transform_10(%arg0: i32) -> (i32, i32) {
    %c0_i32 = arith.constant 0 : i32
    %c0_i32_0 = arith.constant 0 : i32
    %c0_i32_1 = arith.constant 0 : i32
    return %c0_i32, %c0_i32_0 : i32, i32
  }
  func.func @transform_11(%arg0: i32) -> (i32, i32) {
    %c0_i32 = arith.constant 0 : i32
    %c0_i32_0 = arith.constant 0 : i32
    %c0_i32_1 = arith.constant 0 : i32
    return %c0_i32, %c0_i32_0 : i32, i32
  }
  func.func @transform_12(%arg0: i32) -> (i32, i32) {
    %c0_i32 = arith.constant 0 : i32
    %c0_i32_0 = arith.constant 0 : i32
    %c0_i32_1 = arith.constant 0 : i32
    return %c0_i32, %c0_i32_0 : i32, i32
  }
  func.func @transform_13(%arg0: i32) -> (i32, i32) {
    %c0_i32 = arith.constant 0 : i32
    %c0_i32_0 = arith.constant 0 : i32
    %c0_i32_1 = arith.constant 0 : i32
    return %c0_i32, %c0_i32_0 : i32, i32
  }
  func.func @transform_14(%arg0: i32) -> (i32, i32) {
    %c0_i32 = arith.constant 0 : i32
    %c0_i32_0 = arith.constant 0 : i32
    %c0_i32_1 = arith.constant 0 : i32
    return %c0_i32, %c0_i32_0 : i32, i32
  }
  func.func @transform_15(%arg0: i32) -> (i32, i32) {
    %c0_i32 = arith.constant 0 : i32
    %c0_i32_0 = arith.constant 0 : i32
    %c0_i32_1 = arith.constant 0 : i32
    return %c0_i32, %c0_i32_0 : i32, i32
  }
  func.func @transform_16(%arg0: i32) -> (i32, i32) {
    %c0_i32 = arith.constant 0 : i32
    %c0_i32_0 = arith.constant 0 : i32
    %c0_i32_1 = arith.constant 0 : i32
    return %c0_i32, %c0_i32_0 : i32, i32
  }
  func.func @transform_17(%arg0: i32) -> (i32, i32) {
    %c0_i32 = arith.constant 0 : i32
    %c0_i32_0 = arith.constant 0 : i32
    %c0_i32_1 = arith.constant 0 : i32
    return %c0_i32, %c0_i32_0 : i32, i32
  }
  func.func @transform_18(%arg0: i32) -> (i32, i32) {
    %c0_i32 = arith.constant 0 : i32
    %c0_i32_0 = arith.constant 0 : i32
    %c0_i32_1 = arith.constant 0 : i32
    return %c0_i32, %c0_i32_0 : i32, i32
  }
  func.func @transform_19(%arg0: i32) -> (i32, i32) {
    %c0_i32 = arith.constant 0 : i32
    %c0_i32_0 = arith.constant 0 : i32
    %c0_i32_1 = arith.constant 0 : i32
    return %c0_i32, %c0_i32_0 : i32, i32
  }
  func.func @transform_20(%arg0: i32) -> (i32, i32) {
    %c0_i32 = arith.constant 0 : i32
    %c0_i32_0 = arith.constant 0 : i32
    %c0_i32_1 = arith.constant 0 : i32
    return %c0_i32, %c0_i32_0 : i32, i32
  }
  func.func @transform_21(%arg0: i32) -> (i32, i32) {
    %c0_i32 = arith.constant 0 : i32
    %c0_i32_0 = arith.constant 0 : i32
    %c0_i32_1 = arith.constant 0 : i32
    return %c0_i32, %c0_i32_0 : i32, i32
  }
  func.func @transform_22(%arg0: i32) -> (i32, i32) {
    %c0_i32 = arith.constant 0 : i32
    %c0_i32_0 = arith.constant 0 : i32
    %c0_i32_1 = arith.constant 0 : i32
    return %c0_i32, %c0_i32_0 : i32, i32
  }
  func.func @transform_23(%arg0: i32) -> (i32, i32) {
    %c0_i32 = arith.constant 0 : i32
    %c0_i32_0 = arith.constant 0 : i32
    %c0_i32_1 = arith.constant 0 : i32
    return %c0_i32, %c0_i32_0 : i32, i32
  }
  func.func @transform_24(%arg0: i32) -> (i32, i32) {
    %c0_i32 = arith.constant 0 : i32
    %c0_i32_0 = arith.constant 0 : i32
    %c0_i32_1 = arith.constant 0 : i32
    return %c0_i32, %c0_i32_0 : i32, i32
  }
  func.func @transform_25(%arg0: i32) -> (i32, i32) {
    %c0_i32 = arith.constant 0 : i32
    %c0_i32_0 = arith.constant 0 : i32
    %c0_i32_1 = arith.constant 0 : i32
    return %c0_i32, %c0_i32_0 : i32, i32
  }
  func.func @transform_26(%arg0: i32) -> (i32, i32) {
    %c0_i32 = arith.constant 0 : i32
    %c0_i32_0 = arith.constant 0 : i32
    %c0_i32_1 = arith.constant 0 : i32
    return %c0_i32, %c0_i32_0 : i32, i32
  }
  func.func @transform_27(%arg0: i32) -> (i32, i32) {
    %c0_i32 = arith.constant 0 : i32
    %c0_i32_0 = arith.constant 0 : i32
    %c0_i32_1 = arith.constant 0 : i32
    return %c0_i32, %c0_i32_0 : i32, i32
  }
  func.func @transform_28(%arg0: i32) -> (i32, i32) {
    %c0_i32 = arith.constant 0 : i32
    %c0_i32_0 = arith.constant 0 : i32
    %c0_i32_1 = arith.constant 0 : i32
    return %c0_i32, %c0_i32_0 : i32, i32
  }
  func.func @transform_29(%arg0: i32) -> (i32, i32) {
    %c0_i32 = arith.constant 0 : i32
    %c0_i32_0 = arith.constant 0 : i32
    %c0_i32_1 = arith.constant 0 : i32
    return %c0_i32, %c0_i32_0 : i32, i32
  }
  func.func @transform_30(%arg0: i32) -> (i32, i32) {
    %c0_i32 = arith.constant 0 : i32
    %c0_i32_0 = arith.constant 0 : i32
    %c0_i32_1 = arith.constant 0 : i32
    return %c0_i32, %c0_i32_0 : i32, i32
  }
  func.func @transform_31(%arg0: i32) -> (i32, i32) {
    %c0_i32 = arith.constant 0 : i32
    %c0_i32_0 = arith.constant 0 : i32
    %c0_i32_1 = arith.constant 0 : i32
    return %c0_i32, %c0_i32_0 : i32, i32
  }
  func.func @transform_32(%arg0: i32) -> (i32, i32) {
    %c0_i32 = arith.constant 0 : i32
    %c0_i32_0 = arith.constant 0 : i32
    %c0_i32_1 = arith.constant 0 : i32
    return %c0_i32, %c0_i32_0 : i32, i32
  }
  func.func @transform_33(%arg0: i32) -> (i32, i32) {
    %c0_i32 = arith.constant 0 : i32
    %c0_i32_0 = arith.constant 0 : i32
    %c0_i32_1 = arith.constant 0 : i32
    return %c0_i32, %c0_i32_0 : i32, i32
  }
  func.func @transform_35(%arg0: i32) -> (i32, i32, i32) {
    %add3A = arith.constant 4 : i32
    %add3A_0 = arith.addi %add3A, %arg0 : i32
    %c0_i32 = arith.constant 0 : i32
    %c0_i32_1 = arith.constant 0 : i32
    %c0_i32_2 = arith.constant 0 : i32
    return %c0_i32, %add3A_0, %c0_i32_1 : i32, i32, i32
  }
}

</mosaic_0001>

<sc_bundles>
// kernel: kernel.6.cloned.1.call-start
scs
__scs_entry_jumppad:
0x0: {  	(pc) =	sbr.rel $0x88, $3  }
0x1: {  	(tag) =	ssettag $0x0;
	lr =	simm.s32 $0x1  }
0x2: {  	[smem:$0x3F7F] =	sst lr;
	_ =	strace $0xD0000000  }
0x3: {  	_ = 	snop  }
0x4: {  	_ = 	snop  }
0x5: {  	_ = 	snop  }
0x6: {  	_ = 	snop  }
0x7: {  	_ = 	snop  }
__scs_overlays_trampoline_lowered:
0x8: {  	[smem:$0x3F8E] =	sst s0  }
0x9: {  	[smem:$0x3F8F] =	sst s1  }
0xa: {  	[smem:$0x3F90] =	sst s2  }
0xb: {  	[smem:$0x3F91] =	sst s3  }
0xc: {  	[smem:$0x3F92] =	sst s4  }
0xd: {  	[smem:$0x3F93] =	sst s5  }
0xe: {  	[smem:$0x3F94] =	sst s6  }
0xf: {  	[smem:$0x3F95] =	sst s7  }
0x10: {  	[smem:$0x3F96] =	sst s8  }
0x11: {  	[smem:$0x3F97] =	sst s9;
	s0 =	simm.s32 @!p0 $0x0  }
0x12: {  	s1 =	sld [smem:$0x3F7D];
	s0 =	simm.s32 @p0 $0x1  }
0x13: {  	[smem:$0x3F98] =	sst s0;
	s0 =	simm.s32 @!p1 $0x0  }
0x14: {  	s2 =	sld [smem:$0x3F7C];
	s0 =	simm.s32 @p1 $0x1  }
0x15: {  	[smem:$0x3F99] =	sst s0;
	s0 =	simm.s32 @!p2 $0x0  }
0x16: {  	s3 =	sld [smem:$0x3FDB];
	s0 =	simm.s32 @p2 $0x1  }
0x17: {  	s4 =	simm.s32 $0x1BF5;
	[smem:$0x3F9B] =	sst s0  }
0x18: {  	s0 =	sld [smem:$0x3F7E];
	_ =	swait.ge [sflag:s4], $0x0  }
0x19: {  	s7 =	sld [smem:$0x3F7F]  }
0x1a: {  	s8 =	sadd.s32 $0xFFFFE003, lr  }
0x1b: {  	s9 =	sadd.s32 $0xFFFFFEF7, lr;
	s5 =	simm.s32 $0xFFFFFFFF;
	p2 =	slt.u32 s8, $0xFFFFF086  }
0x1c: {  	p1 =	slt.u32 s9, $0xF7A;
	s5 =	simm.s32 @!p2 $0x0  }
0x1d: {  	s5 =	simm.s32 @p1 $0x1;
	p0 =	seq.s32 s7, s2  }
0x1e: {  	s7 =	smul.u32 @!p0 $0xF7A, s2;
	p2 =	seq.s32 @!p0 s5, $0x0  }
0x1f: {  	s9 =	smul.u32 $0xF7A, s1;
	s8 =	simm.s32 @!p0 $0x1BF5;
	p2 =	por !p2, p0  }
0x20: {  	[sflag:s8] =	ssyncset.s32 @!p0 $0xFFFFF086;
	s6 =	sadd.s32 @!p0 s3, s7;
	s7 =	simm.s32 @!p0 $0x108  }
0x21: {  	s3 =	sadd.s32 s3, s9;
	s6 =	sadd.s32 @!p0 $0x88, s6;
	s7 =	simm.s32 @p2 $0x1082  }
0x22: {  	[simem:s7], [sflag:s8] =	dma.local @!p0 [hbm:s6], $0xF7A  }
0x23: {  	s9 =	sor.u32 $0xD0000000, s2;
	s6 =	simm.s32 $0x108;
	_ =	swait.ge @!p0 [sflag:s8], $0x0  }
0x24: {  	s3 =	sadd.s32 $0x88, s3;
	s6 =	simm.s32 @!p1 $0x1082;
	[sflag:s4] =	ssyncset.s32 $0xFFFFF086  }
0x25: {  	[simem:s6], [sflag:s4] =	dma.local [hbm:s3], $0xF7A  }
0x26: {  	[smem:$0x3F7F] =	sst s1;
	(tag) =	ssettag s2;
	_ =	strace s9  }
0x27: {  	s1 =	sld [smem:$0x3F8F]  }
0x28: {  	s2 =	sld [smem:$0x3F90]  }
0x29: {  	s4 =	sld [smem:$0x3F92]  }
0x2a: {  	p0 =	seq.s32 s5, $0x0;
	s5 =	sld [smem:$0x3F93]  }
0x2b: {  	s6 =	sld [smem:$0x3F94]  }
0x2c: {  	s7 =	sld [smem:$0x3F95]  }
0x2d: {  	s3 =	simm.s32 $0x108;
	s8 =	sld [smem:$0x3F96]  }
0x2e: {  	s3 =	simm.s32 @!p0 $0x1082;
	s9 =	sld [smem:$0x3F97]  }
0x2f: {  	lr =	sadd.s32 s0, s3;
	s0 =	sld [smem:$0x3F8E]  }
0x30: {  	s3 =	sld [smem:$0x3F91]  }
0x31: {  	[smem:$0x3F9A] =	sst s10  }
0x32: {  	s10 =	sld [smem:$0x3F98];
	_ =	sdelay $0x3  }
0x33: {  	p0 =	seq.s32 s10, $0x1;
	s10 =	sld [smem:$0x3F9A];
	_ =	sdelay $0x3  }
0x34: {  	[smem:$0x3F9A] =	sst s10  }
0x35: {  	s10 =	sld [smem:$0x3F99];
	_ =	sdelay $0x3  }
0x36: {  	p1 =	seq.s32 s10, $0x1;
	s10 =	sld [smem:$0x3F9A];
	_ =	sdelay $0x3  }
0x37: {  	[smem:$0x3F9A] =	sst s10  }
0x38: {  	s10 =	sld [smem:$0x3F9B]  }
0x39: {  	_ = 	snop;
	(pc) =	sbr.ind lr, $3  }
0x3a: {  	_ = 	snop  }
0x3b: {  	_ = 	snop  }
0x3c: {  	p2 =	seq.s32 s10, $0x1;
	s10 =	sld [smem:$0x3F9A]  }
0x3d: {  	_ =	shalt  }
0x3e: {  	_ =	shalt  }
0x3f: {  	_ =	shalt  }
0x40: {  	_ =	shalt  }
0x41: {  	_ =	shalt  }
0x42: {  	_ =	shalt  }
0x43: {  	_ =	shalt  }
0x44: {  	_ =	shalt  }
0x45: {  	_ =	shalt  }
0x46: {  	_ =	shalt  }
0x47: {  	_ =	shalt  }
0x48: {  	_ =	shalt  }
0x49: {  	_ =	shalt  }
0x4a: {  	_ =	shalt  }
0x4b: {  	_ =	shalt  }
0x4c: {  	_ =	shalt  }
0x4d: {  	_ =	shalt  }
0x4e: {  	_ =	shalt  }
0x4f: {  	_ =	shalt  }
0x50: {  	_ =	shalt  }
0x51: {  	_ =	shalt  }
0x52: {  	_ =	shalt  }
0x53: {  	_ =	shalt  }
0x54: {  	_ =	shalt  }
0x55: {  	_ =	shalt  }
0x56: {  	_ =	shalt  }
0x57: {  	_ =	shalt  }
0x58: {  	_ =	shalt  }
0x59: {  	_ =	shalt  }
0x5a: {  	_ =	shalt  }
0x5b: {  	_ =	shalt  }
0x5c: {  	_ =	shalt  }
0x5d: {  	_ =	shalt  }
0x5e: {  	_ =	shalt  }
0x5f: {  	_ =	shalt  }
0x60: {  	_ =	shalt  }
0x61: {  	_ =	shalt  }
0x62: {  	_ =	shalt  }
0x63: {  	_ =	shalt  }
0x64: {  	_ =	shalt  }
0x65: {  	_ =	shalt  }
0x66: {  	_ =	shalt  }
0x67: {  	_ =	shalt  }
0x68: {  	_ =	shalt  }
0x69: {  	_ =	shalt  }
0x6a: {  	_ =	shalt  }
0x6b: {  	_ =	shalt  }
0x6c: {  	_ =	shalt  }
0x6d: {  	_ =	shalt  }
0x6e: {  	_ =	shalt  }
0x6f: {  	_ =	shalt  }
0x70: {  	_ =	shalt  }
0x71: {  	_ =	shalt  }
0x72: {  	_ =	shalt  }
0x73: {  	_ =	shalt  }
0x74: {  	_ =	shalt  }
0x75: {  	_ =	shalt  }
0x76: {  	_ =	shalt  }
0x77: {  	_ =	shalt  }
0x78: {  	_ =	shalt  }
0x79: {  	_ =	shalt  }
0x7a: {  	_ =	shalt  }
0x7b: {  	_ =	shalt  }
0x7c: {  	_ =	shalt  }
0x7d: {  	_ =	shalt  }
0x7e: {  	_ =	shalt  }
0x7f: {  	_ =	shalt  }
0x80: {  	_ =	shalt  }
0x81: {  	_ =	shalt  }
0x82: {  	_ =	shalt  }
0x83: {  	_ =	shalt  }
0x84: {  	_ =	shalt  }
0x85: {  	_ =	shalt  }
0x86: {  	_ =	shalt  }
0x87: {  	_ =	shalt  }
.Lfunc_end0:
.L_simem_size_0:
called_computation_lowered:
.L_overlay_start_0:
0x88: {  	s2 =	sld [smem:$0x3FD9]  }
0x89: {  	s3 =	sld [smem:$0x3FFE];
	_ =	sdelay $0x1  }
0x8a: {  	s1 =	srdreg.scid  }
0x8b: {  	s0 =	sand.u32 $0x1, s1  }
0x8c: {  	s17 =	sshll.u32 s0, $0xA;
	s2 =	sadd.s32 s3, s2  }
0x8d: {  	s2 =	sadd.s32 s2, s17  }
0x8e: {  	[smem:$0x3FA6] =	sst s2  }
0x8f: {  	_ = 	snop  }
0x90: {  	s2 =	sld [smem:$0x3FC9];
	(tm) =	ssettm $0x1  }
0x91: {  	s18 =	sld [smem:$0x3FFB];
	_ =	sdelay $0x3  }
0x92: {  	_ =	strace s18  }
0x93: {  	s3 =	sld [smem:$0x3FFC];
	_ =	sdelay $0x3  }
0x94: {  	_ =	strace s3  }
0x95: {  	s3 =	sld [smem:$0x3FFD];
	_ =	sdelay $0x3  }
0x96: {  	_ =	strace s3  }
0x97: {  	_ =	strace $0x8FFFFFFF  }
0x98: {  	s19 =	sld [smem:$0x3FDB];
	_ =	sdelay $0x1  }
0x99: {  	s4 =	simm.s32 $_scs_section_size  }
0x9a: {  	s5 =	simm.s32 $_size__tile_overlayer_lowered;
	s6 =	simm.s32 $_tile_overlayer_lowered  }
0x9b: {  	s22 =	simm.s32 $0x1BFF;
	s21 =	sshll.u32 s6, $0x1;
	s3 =	sadd.s32 s4, s19  }
0x9c: {  	s7 =	simm.s32 $0x0;
	s20 =	sshll.u32 s5, $0x1;
	s5 =	sadd.s32 s21, s3  }
0x9d: {  	[timem:s7], [sflag:s22] =	dma.local [hbm:s5], s20  }
0x9e: {  	_ =	swait.ge [sflag:s22], s20  }
0x9f: {  	s4 =	ssub.s32 $0x0, s20;
	[sflag:s22] =	ssyncset.done $0x0  }
0xa0: {  	[sflag:s22] =	ssyncadd.s32 s4;
	_ =	sdelay $0x1  }
0xa1: {  	s23 =	simm.s32 $0x1B8B  }
0xa2: {  	_ =	swait.ge [sflag:s23], $0x1  }
0xa3: {  	[sflag:s23] =	ssyncset.done $0x0  }
0xa4: {  	s25 =	simm.s32 $0x1B8E;
	s24 =	sld [smem:$0x3FFE];
	[sflag:s23] =	ssyncadd.s32 $0xFFFFFFFF  }
0xa5: {  	s26 =	simm.s32 $execute0_lowered;
	[smem:$0x3FD2] =	sst s25  }
0xa6: {  	s5 =	sshll.u32 s26, $0x1;
	_ =	strace $0x80000046;
	[dreg:$0x1] =	wrdreg $0xFFFFFFFF  }
0xa7: {  	s28 =	simm.s32 $_size_execute0_lowered;
	s3 =	sadd.s32 s3, s5;
	[dreg:$0x0] =	wrdreg $0x0  }
0xa8: {  	s5 =	sshll.u32 s28, $0x1;
	[dreg:$0x2] =	wrdreg s3  }
0xa9: {  	[dreg:$0x3] =	wrdreg s5  }
0xaa: {  	[dreg:$0x4] =	wrdreg $0xC0  }
0xab: {  	_ =	task [dreg:s7], $0x5FFFF  }
0xac: {  	[dreg:$0x1] =	wrdreg $0xFFFFFFFF  }
0xad: {  	[dreg:$0x0] =	wrdreg $0x60  }
0xae: {  	[dreg:$0x2] =	wrdreg s2  }
0xaf: {  	[dreg:$0x3] =	wrdreg s24  }
0xb0: {  	[dreg:$0x4] =	wrdreg $0x9  }
0xb1: {  	_ =	task.clear_ibuf [dreg:s7], $0x5FFFF;
	_ =	strace $0x90000046  }
0xb2: {  	s29 =	simm.s32 $0x9;
	_ =	strace $0x80000048  }
0xb3: {  	_ =	swait.ge [sflag:s29], $0x1  }
0xb4: {  	[sflag:s29] =	ssyncadd.s32 $0xFFFFFFFF  }
0xb5: {  	_ =	strace $0x90000048  }
0xb6: {  	_ =	sfence  }
0xb7: {  	s30 =	sld [smem:$0x0];
	_ =	sdelay $0x2  }
0xb8: {  	s31 =	sshll.u32 s1, $0xD;
	s1 =	sshrl.u32 s1, $0x2  }
0xb9: {  	s3 =	sand.u32 $0x4000, s31;
	s1 =	sadd.s32 s1, s30  }
0xba: {  	s0 =	sor.u32 s3, s0;
	s1 =	sshll.u32 s1, $0x11  }
0xbb: {  	s0 =	sor.u32 s1, s0  }
0xbc: {  	s0 =	sadd.s32 $0x8F2B, s0  }
0xbd: {  	[sflag:s0] =	ssyncadd.remote.s32 $0x1  }
0xbe: {  	_ =	sfence.sel $0xFFFF  }
0xbf: {  	[dreg:$0x0] =	wrdreg $0xFFFFFFFF;
	(pc) =	sbr.abs _section_cstart, $3  }
0xc0: {  	[dreg:$0x1] =	wrdreg $0xFFFFFFFF  }
0xc1: {  	_ =	task.clear_ibuf [dreg:s7], $0x2FFFF;
	_ =	strace $0x9FFFFFFF  }
0xc2: {  	(tm) =	ssettm $0x7FFFFFFF  }
0xc3: {  	_ =	shalt  }
tec
execute0_lowered:
.L_overlay_start_1:
0x0: {  	(tag) =	ssettag $0x1  }
0x1: {  	s2 =	rddreg [dreg:$0x0]  }
0x2: {  	s0 =	rddreg [dreg:$0x1]  }
0x3: {  	s9 =	stileid.u32;
	s3 =	simm.s32 $0x0;
	s1 =	srdreg.scid  }
0x4: {  	s13 =	simm.s32 $0x1;
	s14 =	simm.s32 $0x2;
	s16 =	simm.s32 $0x900  }
0x5: {  	s17 =	simm.s32 $0x1100;
	s28 =	simm.s32 $0x5900;
	s29 =	simm.s32 $0x6100  }
0x6: {  	s30 =	simm.s32 $0x6900;
	s31 =	simm.s32 $0x7100;
	s12 =	simm.s32 $0xB100  }
0x7: {  	s4 =	sshll.u32 s9, $0x1;
	[smem:$0x7FF] =	sst s3;
	s1 =	sand.u32 $0x1, s1  }
0x8: {  	s5 =	sadd.s32 $0x4E00, s0;
	s0 =	sadd.s32 $0x5200, s0;
	s9 =	sshrl.u32 s9, $0x3  }
0x9: {  	s4 =	sand.u32 $0xE, s4;
	_ =	strace $0x80000047;
	s10 =	sshll.u32 s9, $0x15  }
0xa: {  	s9 =	smul.u32 $0x16FA, s9;
	s4 =	sor.u32 s1, s4;
	s1 =	ssub.s32 $0x2, s1  }
0xb: {  	s6 =	sshll.u32 s4, $0x9;
	s7 =	sshll.u32 s4, $0x6;
	s4 =	sshll.u32 s4, $0x11  }
0xc: {  	s21 =	sshrl.u32 s1, $0x1;
	v0 =	vmov s9;
	s9 =	simm.s32 $0x9900;
	s7 =	sadd.s32 s5, s7  }
0xd: {  	s8 =	sor.u32 $0x80, s6;
	s4 =	sor.u32 s10, s4;
	s19 =	sor.u32 $0x100, s6  }
0xe: {  	s23 =	sor.u32 $0x180, s6;
	s1 =	ssub.s32 s1, s21;
	s21 =	simm.s32 $0x3100  }
0xf: {  	[dreg:$0x3] =	wrdreg s7;
	s18 =	sshrl.u32 s8, $0x3;
	s4 =	sshrl.u32 s4, $0x3  }
0x10: {  	s8 =	sshll.u32 s8, $0x8;
	s11 =	sshrl.u32 s19, $0x3;
	s24 =	sshll.u32 s19, $0x8  }
0x11: {  	s25 =	sshrl.u32 s23, $0x3;
	s19 =	simm.s32 $0x2100;
	s7 =	sadd.s32 s5, s18  }
0x12: {  	s4 =	sadd.s32 s0, s4;
	s8 =	sor.u32 s10, s8;
	s20 =	sadd.s32 s5, s11  }
0x13: {  	s6 =	sor.u32 s10, s24;
	s5 =	sadd.s32 s5, s25;
	s18 =	simm.s32 $0x1900  }
0x14: {  	s24 =	simm.s32 $0x4100;
	s25 =	simm.s32 $0x4900;
	[dreg:$0x4] =	wrdreg s7  }
0x15: {  	s11 =	simm.s32 $0xA900;
	[dreg:$0x5] =	wrdreg s4;
	s8 =	sshrl.u32 s8, $0x3  }
0x16: {  	[dreg:$0x6] =	wrdreg s20;
	s4 =	sshll.u32 s23, $0x8;
	s6 =	sshrl.u32 s6, $0x3  }
0x17: {  	[dreg:$0x8] =	wrdreg s5;
	s5 =	simm.s32 $0x3;
	s20 =	simm.s32 $0x2900  }
0x18: {  	s23 =	simm.s32 $0x80;
	s7 =	simm.s32 $0x8900;
	s22 =	sadd.s32 s0, s8  }
0x19: {  	s4 =	sor.u32 s10, s4;
	s26 =	sadd.s32 s0, s6;
	s8 =	simm.s32 $0x9100  }
0x1a: {  	v3 =	vlaneseq.u32;
	s10 =	simm.s32 $0xA100;
	[dreg:$0x7] =	wrdreg s22;
	s4 =	sshrl.u32 s4, $0x3  }
0x1b: {  	vm0 =	vmmov $0xffff;
	v2 =	vshrl.u32 v3, $0x3;
	[dreg:$0x9] =	wrdreg s26;
	s22 =	simm.s32 $0x3900;
	s0 =	sadd.s32 s0, s4  }
0x1c: {  	v1 =	vand.u32 $0x7, v3;
	v3 =	vor.u32 $0x8, v3;
	v2 =	vmul.u32 $0x8, v2;
	s26 =	simm.s32 $0x5100;
	s4 =	smax.u32 s1, $0x1;
	[dreg:$0xa] =	wrdreg s0  }
.LBB2_1:
0x1d: {  	s15 =	rddreg [dreg:$0x3]  }
0x1e: {  	[tilespmem:s3], [sflag:$0x3] =	stream.linear.gather [hbm4b:s15+s3], $0x80, $0x38;
	[tilespmem:$0x10100] =	vst v63  }
0x1f: {  	_ =	swait.ge [sflag:s5], $0x80  }
0x20: {  	[sflag:s5] =	ssyncset.done $0x0  }
0x21: {  	[sflag:s5] =	ssyncadd.s32 $0xFFFFFF80  }
0x22: {  	v4 =	vld [tilespmem:$0x0];
	_ =	sdelay $0x2  }
0x23: {  	v5 =	vld [tilespmem:$0x10]  }
0x24: {  	v6 =	vld [tilespmem:$0x20]  }
0x25: {  	v7 =	vld [tilespmem:$0x30];
	v4 =	vadd.s32 v0, v4  }
0x26: {  	v8 =	vld [tilespmem:$0x40];
	v9 =	vshll.u32 v4, $0x1  }
0x27: {  	v10 =	vld [tilespmem:$0x50];
	v11 =	vand.u32 $0x7, v4;
	v9 =	vand.u32 $0xFFFFFFF0, v9  }
0x28: {  	[tilespmem:$0x0] =	vst v4;
	v4 =	vadd.s32 v0, v5;
	v5 =	vld [tilespmem:$0x60];
	v9 =	vor.u32 v11, v9  }
0x29: {  	v34 =	vld [tilespmem:$0x70];
	[tilespmem:$0x10] =	vst v4;
	v4 =	vadd.s32 v0, v6;
	v11 =	vperm.xlane v9, v1  }
0x2a: {  	[tilespmem:$0x20] =	vst v4;
	v4 =	vadd.s32 v0, v7  }
0x2b: {  	[tilespmem:$0x30] =	vst v4;
	v4 =	vadd.s32 v0, v8;
	v36 =	vperm.xlane v9, v3;
	v35 =	vadd.s32 v2, v11  }
0x2c: {  	[tilespmem:$0x40] =	vst v4;
	v4 =	vadd.s32 v0, v10  }
0x2d: {  	[tilespmem:$0x50] =	vst v4;
	v4 =	vadd.s32 v0, v5;
	v5 =	vadd.s32 v2, v36  }
0x2e: {  	[tilespmem:$0x60] =	vst v4;
	v4 =	vadd.s32 v0, v34  }
0x2f: {  	s0 =	simm.s32 $0x100;
	[tilespmem:$0x70] =	vst v4  }
0x30: {  	[tilespmem:s0], [sflag:$0x1] =	stream.indirect_vreg.gather [hbm4b:s2+s3], $0x80, v35, vm0, $0xb8;
	[tilespmem:$0x10100] =	vst v63  }
0x31: {  	_ = 	snop  }
0x32: {  	[tilespmem:s16], [sflag:$0x1] =	stream.indirect_vreg.gather [hbm4b:s2+s3], $0x80, v5, vm0, $0xb8;
	[tilespmem:$0x10100] =	vst v63  }
0x33: {  	v4 =	vld [tilespmem:$0x10];
	_ =	sdelay $0x4  }
0x34: {  	v5 =	vshll.u32 v4, $0x1  }
0x35: {  	v4 =	vand.u32 $0x7, v4;
	v5 =	vand.u32 $0xFFFFFFF0, v5  }
0x36: {  	v4 =	vor.u32 v4, v5  }
0x37: {  	v5 =	vperm.xlane v4, v1;
	_ =	sdelay $0x1  }
0x38: {  	v4 =	vperm.xlane v4, v3;
	v5 =	vadd.s32 v2, v5;
	_ =	sdelay $0x1  }
0x39: {  	v4 =	vadd.s32 v2, v4;
	_ =	sdelay $0x2  }
0x3a: {  	[tilespmem:s17], [sflag:$0x1] =	stream.indirect_vreg.gather [hbm4b:s2+s3], $0x80, v5, vm0, $0xb8;
	[tilespmem:$0x10100] =	vst v63  }
0x3b: {  	_ = 	snop  }
0x3c: {  	[tilespmem:s18], [sflag:$0x1] =	stream.indirect_vreg.gather [hbm4b:s2+s3], $0x80, v4, vm0, $0xb8;
	[tilespmem:$0x10100] =	vst v63  }
0x3d: {  	v4 =	vld [tilespmem:$0x20];
	_ =	sdelay $0x4  }
0x3e: {  	v5 =	vshll.u32 v4, $0x1  }
0x3f: {  	v4 =	vand.u32 $0x7, v4;
	v5 =	vand.u32 $0xFFFFFFF0, v5  }
0x40: {  	v4 =	vor.u32 v4, v5  }
0x41: {  	v5 =	vperm.xlane v4, v1;
	_ =	sdelay $0x1  }
0x42: {  	v4 =	vperm.xlane v4, v3;
	v5 =	vadd.s32 v2, v5;
	_ =	sdelay $0x1  }
0x43: {  	v4 =	vadd.s32 v2, v4;
	_ =	sdelay $0x2  }
0x44: {  	[tilespmem:s19], [sflag:$0x1] =	stream.indirect_vreg.gather [hbm4b:s2+s3], $0x80, v5, vm0, $0xb8;
	[tilespmem:$0x10100] =	vst v63  }
0x45: {  	_ = 	snop  }
0x46: {  	[tilespmem:s20], [sflag:$0x1] =	stream.indirect_vreg.gather [hbm4b:s2+s3], $0x80, v4, vm0, $0xb8;
	[tilespmem:$0x10100] =	vst v63  }
0x47: {  	v4 =	vld [tilespmem:$0x30];
	_ =	sdelay $0x4  }
0x48: {  	v5 =	vshll.u32 v4, $0x1  }
0x49: {  	v4 =	vand.u32 $0x7, v4;
	v5 =	vand.u32 $0xFFFFFFF0, v5  }
0x4a: {  	v4 =	vor.u32 v4, v5  }
0x4b: {  	v5 =	vperm.xlane v4, v1;
	_ =	sdelay $0x1  }
0x4c: {  	v4 =	vperm.xlane v4, v3;
	v5 =	vadd.s32 v2, v5;
	_ =	sdelay $0x1  }
0x4d: {  	v4 =	vadd.s32 v2, v4;
	_ =	sdelay $0x2  }
0x4e: {  	[tilespmem:s21], [sflag:$0x1] =	stream.indirect_vreg.gather [hbm4b:s2+s3], $0x80, v5, vm0, $0xb8;
	[tilespmem:$0x10100] =	vst v63  }
0x4f: {  	_ = 	snop  }
0x50: {  	[tilespmem:s22], [sflag:$0x1] =	stream.indirect_vreg.gather [hbm4b:s2+s3], $0x80, v4, vm0, $0xb8;
	[tilespmem:$0x10100] =	vst v63  }
0x51: {  	v4 =	vld [tilespmem:$0x40];
	_ =	sdelay $0x4  }
0x52: {  	v5 =	vshll.u32 v4, $0x1  }
0x53: {  	v4 =	vand.u32 $0x7, v4;
	v5 =	vand.u32 $0xFFFFFFF0, v5  }
0x54: {  	v4 =	vor.u32 v4, v5  }
0x55: {  	v5 =	vperm.xlane v4, v1;
	_ =	sdelay $0x1  }
0x56: {  	v4 =	vperm.xlane v4, v3;
	v5 =	vadd.s32 v2, v5;
	_ =	sdelay $0x1  }
0x57: {  	v4 =	vadd.s32 v2, v4;
	_ =	sdelay $0x2  }
0x58: {  	[tilespmem:s24], [sflag:$0x1] =	stream.indirect_vreg.gather [hbm4b:s2+s3], $0x80, v5, vm0, $0xb8;
	[tilespmem:$0x10100] =	vst v63  }
0x59: {  	_ = 	snop  }
0x5a: {  	[tilespmem:s25], [sflag:$0x1] =	stream.indirect_vreg.gather [hbm4b:s2+s3], $0x80, v4, vm0, $0xb8;
	[tilespmem:$0x10100] =	vst v63  }
0x5b: {  	v4 =	vld [tilespmem:$0x50];
	_ =	sdelay $0x4  }
0x5c: {  	v5 =	vshll.u32 v4, $0x1  }
0x5d: {  	v4 =	vand.u32 $0x7, v4;
	v5 =	vand.u32 $0xFFFFFFF0, v5  }
0x5e: {  	v4 =	vor.u32 v4, v5  }
0x5f: {  	v5 =	vperm.xlane v4, v1;
	_ =	sdelay $0x1  }
0x60: {  	v4 =	vperm.xlane v4, v3;
	v5 =	vadd.s32 v2, v5;
	_ =	sdelay $0x1  }
0x61: {  	v4 =	vadd.s32 v2, v4;
	_ =	sdelay $0x2  }
0x62: {  	[tilespmem:s26], [sflag:$0x1] =	stream.indirect_vreg.gather [hbm4b:s2+s3], $0x80, v5, vm0, $0xb8;
	[tilespmem:$0x10100] =	vst v63  }
0x63: {  	_ = 	snop  }
0x64: {  	[tilespmem:s28], [sflag:$0x1] =	stream.indirect_vreg.gather [hbm4b:s2+s3], $0x80, v4, vm0, $0xb8;
	[tilespmem:$0x10100] =	vst v63  }
0x65: {  	v4 =	vld [tilespmem:$0x60];
	_ =	sdelay $0x4  }
0x66: {  	v5 =	vshll.u32 v4, $0x1  }
0x67: {  	v4 =	vand.u32 $0x7, v4;
	v5 =	vand.u32 $0xFFFFFFF0, v5  }
0x68: {  	v4 =	vor.u32 v4, v5  }
0x69: {  	v5 =	vperm.xlane v4, v1;
	_ =	sdelay $0x1  }
0x6a: {  	v4 =	vperm.xlane v4, v3;
	v5 =	vadd.s32 v2, v5;
	_ =	sdelay $0x1  }
0x6b: {  	v4 =	vadd.s32 v2, v4;
	_ =	sdelay $0x2  }
0x6c: {  	[tilespmem:s29], [sflag:$0x1] =	stream.indirect_vreg.gather [hbm4b:s2+s3], $0x80, v5, vm0, $0xb8;
	[tilespmem:$0x10100] =	vst v63  }
0x6d: {  	_ = 	snop  }
0x6e: {  	[tilespmem:s30], [sflag:$0x1] =	stream.indirect_vreg.gather [hbm4b:s2+s3], $0x80, v4, vm0, $0xb8;
	[tilespmem:$0x10100] =	vst v63  }
0x6f: {  	v4 =	vld [tilespmem:$0x70];
	_ =	sdelay $0x4  }
0x70: {  	v5 =	vshll.u32 v4, $0x1  }
0x71: {  	v4 =	vand.u32 $0x7, v4;
	v5 =	vand.u32 $0xFFFFFFF0, v5  }
0x72: {  	v4 =	vor.u32 v4, v5  }
0x73: {  	v5 =	vperm.xlane v4, v1;
	_ =	sdelay $0x1  }
0x74: {  	v4 =	vperm.xlane v4, v3;
	v5 =	vadd.s32 v2, v5;
	_ =	sdelay $0x1  }
0x75: {  	v4 =	vadd.s32 v2, v4;
	_ =	sdelay $0x2  }
0x76: {  	[tilespmem:s31], [sflag:$0x1] =	stream.indirect_vreg.gather [hbm4b:s2+s3], $0x80, v5, vm0, $0xb8;
	[tilespmem:$0x10100] =	vst v63  }
0x77: {  	s1 =	simm.s32 $0x7900  }
0x78: {  	[tilespmem:s1], [sflag:$0x1] =	stream.indirect_vreg.gather [hbm4b:s2+s3], $0x80, v4, vm0, $0xb8;
	[tilespmem:$0x10100] =	vst v63  }
0x79: {  	s0 =	rddreg [dreg:$0x4]  }
0x7a: {  	[tilespmem:s23], [sflag:$0x3] =	stream.linear.gather [hbm4b:s0+s3], $0x80, $0x38;
	[tilespmem:$0x10100] =	vst v63  }
0x7b: {  	_ =	swait.ge [sflag:s5], $0x80  }
0x7c: {  	[sflag:s5] =	ssyncset.done $0x0  }
0x7d: {  	[sflag:s5] =	ssyncadd.s32 $0xFFFFFF80  }
0x7e: {  	v4 =	vld [tilespmem:$0x80];
	_ =	sdelay $0x2  }
0x7f: {  	v5 =	vld [tilespmem:$0x90]  }
0x80: {  	v37 =	vld [tilespmem:$0xA0]  }
0x81: {  	v38 =	vld [tilespmem:$0xB0];
	v4 =	vadd.s32 v0, v4  }
0x82: {  	v39 =	vld [tilespmem:$0xC0];
	v40 =	vshll.u32 v4, $0x1  }
0x83: {  	v41 =	vld [tilespmem:$0xD0];
	v42 =	vand.u32 $0x7, v4;
	v9 =	vand.u32 $0xFFFFFFF0, v40  }
0x84: {  	[tilespmem:$0x80] =	vst v4;
	v4 =	vadd.s32 v0, v5;
	v5 =	vld [tilespmem:$0xE0];
	v9 =	vor.u32 v42, v9  }
0x85: {  	v43 =	vld [tilespmem:$0xF0];
	[tilespmem:$0x90] =	vst v4;
	v4 =	vadd.s32 v0, v37;
	v11 =	vperm.xlane v9, v1  }
0x86: {  	[tilespmem:$0xA0] =	vst v4;
	v4 =	vadd.s32 v0, v38  }
0x87: {  	[tilespmem:$0xB0] =	vst v4;
	v4 =	vadd.s32 v0, v39;
	v45 =	vperm.xlane v9, v3;
	v44 =	vadd.s32 v2, v11  }
0x88: {  	[tilespmem:$0xC0] =	vst v4;
	v4 =	vadd.s32 v0, v41  }
0x89: {  	[tilespmem:$0xD0] =	vst v4;
	v4 =	vadd.s32 v0, v5;
	v5 =	vadd.s32 v2, v45  }
0x8a: {  	[tilespmem:$0xE0] =	vst v4;
	v4 =	vadd.s32 v0, v43  }
0x8b: {  	s0 =	simm.s32 $0x8100;
	[tilespmem:$0xF0] =	vst v4  }
0x8c: {  	[tilespmem:s0], [sflag:$0x1] =	stream.indirect_vreg.gather [hbm4b:s2+s3], $0x80, v44, vm0, $0xb8;
	[tilespmem:$0x10100] =	vst v63  }
0x8d: {  	_ = 	snop  }
0x8e: {  	[tilespmem:s7], [sflag:$0x1] =	stream.indirect_vreg.gather [hbm4b:s2+s3], $0x80, v5, vm0, $0xb8;
	[tilespmem:$0x10100] =	vst v63  }
0x8f: {  	v4 =	vld [tilespmem:$0x90];
	_ =	sdelay $0x4  }
0x90: {  	v5 =	vshll.u32 v4, $0x1  }
0x91: {  	v4 =	vand.u32 $0x7, v4;
	v5 =	vand.u32 $0xFFFFFFF0, v5  }
0x92: {  	v4 =	vor.u32 v4, v5  }
0x93: {  	v5 =	vperm.xlane v4, v1;
	_ =	sdelay $0x1  }
0x94: {  	v4 =	vperm.xlane v4, v3;
	v5 =	vadd.s32 v2, v5;
	_ =	sdelay $0x1  }
0x95: {  	v4 =	vadd.s32 v2, v4;
	_ =	sdelay $0x2  }
0x96: {  	[tilespmem:s8], [sflag:$0x1] =	stream.indirect_vreg.gather [hbm4b:s2+s3], $0x80, v5, vm0, $0xb8;
	[tilespmem:$0x10100] =	vst v63  }
0x97: {  	_ = 	snop  }
0x98: {  	[tilespmem:s9], [sflag:$0x1] =	stream.indirect_vreg.gather [hbm4b:s2+s3], $0x80, v4, vm0, $0xb8;
	[tilespmem:$0x10100] =	vst v63  }
0x99: {  	v4 =	vld [tilespmem:$0xA0];
	_ =	sdelay $0x4  }
0x9a: {  	v5 =	vshll.u32 v4, $0x1  }
0x9b: {  	v4 =	vand.u32 $0x7, v4;
	v5 =	vand.u32 $0xFFFFFFF0, v5  }
0x9c: {  	v4 =	vor.u32 v4, v5  }
0x9d: {  	v5 =	vperm.xlane v4, v1;
	_ =	sdelay $0x1  }
0x9e: {  	v4 =	vperm.xlane v4, v3;
	v5 =	vadd.s32 v2, v5;
	_ =	sdelay $0x1  }
0x9f: {  	v4 =	vadd.s32 v2, v4;
	_ =	sdelay $0x2  }
0xa0: {  	[tilespmem:s10], [sflag:$0x1] =	stream.indirect_vreg.gather [hbm4b:s2+s3], $0x80, v5, vm0, $0xb8;
	[tilespmem:$0x10100] =	vst v63  }
0xa1: {  	_ = 	snop  }
0xa2: {  	[tilespmem:s11], [sflag:$0x1] =	stream.indirect_vreg.gather [hbm4b:s2+s3], $0x80, v4, vm0, $0xb8;
	[tilespmem:$0x10100] =	vst v63  }
0xa3: {  	v4 =	vld [tilespmem:$0xB0];
	_ =	sdelay $0x4  }
0xa4: {  	v5 =	vshll.u32 v4, $0x1  }
0xa5: {  	v4 =	vand.u32 $0x7, v4;
	v5 =	vand.u32 $0xFFFFFFF0, v5  }
0xa6: {  	v4 =	vor.u32 v4, v5  }
0xa7: {  	v5 =	vperm.xlane v4, v1;
	_ =	sdelay $0x1  }
0xa8: {  	v4 =	vperm.xlane v4, v3;
	v5 =	vadd.s32 v2, v5;
	_ =	sdelay $0x1  }
0xa9: {  	v4 =	vadd.s32 v2, v4;
	_ =	sdelay $0x2  }
0xaa: {  	[tilespmem:s12], [sflag:$0x1] =	stream.indirect_vreg.gather [hbm4b:s2+s3], $0x80, v5, vm0, $0xb8;
	[tilespmem:$0x10100] =	vst v63  }
0xab: {  	s15 =	simm.s32 $0xB900  }
0xac: {  	[tilespmem:s15], [sflag:$0x1] =	stream.indirect_vreg.gather [hbm4b:s2+s3], $0x80, v4, vm0, $0xb8;
	[tilespmem:$0x10100] =	vst v63  }
0xad: {  	v4 =	vld [tilespmem:$0xC0];
	_ =	sdelay $0x4  }
0xae: {  	v5 =	vshll.u32 v4, $0x1  }
0xaf: {  	v4 =	vand.u32 $0x7, v4;
	v5 =	vand.u32 $0xFFFFFFF0, v5  }
0xb0: {  	v4 =	vor.u32 v4, v5  }
0xb1: {  	v5 =	vperm.xlane v4, v1;
	_ =	sdelay $0x1  }
0xb2: {  	v4 =	vperm.xlane v4, v3;
	v5 =	vadd.s32 v2, v5;
	_ =	sdelay $0x1  }
0xb3: {  	v4 =	vadd.s32 v2, v4;
	_ =	sdelay $0x1  }
0xb4: {  	s15 =	simm.s32 $0xC100  }
0xb5: {  	[tilespmem:s15], [sflag:$0x1] =	stream.indirect_vreg.gather [hbm4b:s2+s3], $0x80, v5, vm0, $0xb8;
	[tilespmem:$0x10100] =	vst v63  }
0xb6: {  	s15 =	simm.s32 $0xC900  }
0xb7: {  	[tilespmem:s15], [sflag:$0x1] =	stream.indirect_vreg.gather [hbm4b:s2+s3], $0x80, v4, vm0, $0xb8;
	[tilespmem:$0x10100] =	vst v63  }
0xb8: {  	v4 =	vld [tilespmem:$0xD0];
	_ =	sdelay $0x4  }
0xb9: {  	v5 =	vshll.u32 v4, $0x1  }
0xba: {  	v4 =	vand.u32 $0x7, v4;
	v5 =	vand.u32 $0xFFFFFFF0, v5  }
0xbb: {  	v4 =	vor.u32 v4, v5  }
0xbc: {  	v5 =	vperm.xlane v4, v1;
	_ =	sdelay $0x1  }
0xbd: {  	v4 =	vperm.xlane v4, v3;
	v5 =	vadd.s32 v2, v5;
	_ =	sdelay $0x1  }
0xbe: {  	v4 =	vadd.s32 v2, v4;
	_ =	sdelay $0x1  }
0xbf: {  	s15 =	simm.s32 $0xD100  }
0xc0: {  	[tilespmem:s15], [sflag:$0x1] =	stream.indirect_vreg.gather [hbm4b:s2+s3], $0x80, v5, vm0, $0xb8;
	[tilespmem:$0x10100] =	vst v63  }
0xc1: {  	s15 =	simm.s32 $0xD900  }
0xc2: {  	[tilespmem:s15], [sflag:$0x1] =	stream.indirect_vreg.gather [hbm4b:s2+s3], $0x80, v4, vm0, $0xb8;
	[tilespmem:$0x10100] =	vst v63  }
0xc3: {  	v4 =	vld [tilespmem:$0xE0];
	_ =	sdelay $0x4  }
0xc4: {  	v5 =	vshll.u32 v4, $0x1  }
0xc5: {  	v4 =	vand.u32 $0x7, v4;
	v5 =	vand.u32 $0xFFFFFFF0, v5  }
0xc6: {  	v4 =	vor.u32 v4, v5  }
0xc7: {  	v5 =	vperm.xlane v4, v1;
	_ =	sdelay $0x1  }
0xc8: {  	v4 =	vperm.xlane v4, v3;
	v5 =	vadd.s32 v2, v5;
	_ =	sdelay $0x1  }
0xc9: {  	v4 =	vadd.s32 v2, v4;
	_ =	sdelay $0x1  }
0xca: {  	s15 =	simm.s32 $0xE100  }
0xcb: {  	[tilespmem:s15], [sflag:$0x1] =	stream.indirect_vreg.gather [hbm4b:s2+s3], $0x80, v5, vm0, $0xb8;
	[tilespmem:$0x10100] =	vst v63  }
0xcc: {  	s15 =	simm.s32 $0xE900  }
0xcd: {  	[tilespmem:s15], [sflag:$0x1] =	stream.indirect_vreg.gather [hbm4b:s2+s3], $0x80, v4, vm0, $0xb8;
	[tilespmem:$0x10100] =	vst v63  }
0xce: {  	v4 =	vld [tilespmem:$0xF0];
	_ =	sdelay $0x4  }
0xcf: {  	v5 =	vshll.u32 v4, $0x1  }
0xd0: {  	v4 =	vand.u32 $0x7, v4;
	v5 =	vand.u32 $0xFFFFFFF0, v5  }
0xd1: {  	v4 =	vor.u32 v4, v5  }
0xd2: {  	v5 =	vperm.xlane v4, v1;
	_ =	sdelay $0x1  }
0xd3: {  	v4 =	vperm.xlane v4, v3;
	v5 =	vadd.s32 v2, v5;
	_ =	sdelay $0x1  }
0xd4: {  	v4 =	vadd.s32 v2, v4;
	_ =	sdelay $0x1  }
0xd5: {  	s15 =	simm.s32 $0xF100  }
0xd6: {  	[tilespmem:s15], [sflag:$0x1] =	stream.indirect_vreg.gather [hbm4b:s2+s3], $0x80, v5, vm0, $0xb8;
	[tilespmem:$0x10100] =	vst v63  }
0xd7: {  	s15 =	simm.s32 $0xF900  }
0xd8: {  	[tilespmem:s15], [sflag:$0x1] =	stream.indirect_vreg.gather [hbm4b:s2+s3], $0x80, v4, vm0, $0xb8;
	[tilespmem:$0x10100] =	vst v63  }
0xd9: {  	_ =	swait.ge [sflag:s13], $0x8000  }
0xda: {  	[sflag:s13] =	ssyncset.done $0x0  }
0xdb: {  	s6 =	simm.s32 $0x100;
	s15 =	rddreg [dreg:$0x5];
	[sflag:s13] =	ssyncadd.s32 $0xFFFF8000  }
0xdc: {  	[hbm4b:s15+s3] =	stream.linear.scatter [tilespmem:s6], [sflag:$0x2], $0x8000, $0x38;
	[tilespmem:$0x10100] =	vst v63  }
0xdd: {  	_ =	swait.ge [sflag:s14], $0x8000  }
0xde: {  	[sflag:s14] =	ssyncset.done $0x0  }
0xdf: {  	s15 =	rddreg [dreg:$0x6];
	[sflag:s14] =	ssyncadd.s32 $0xFFFF8000  }
0xe0: {  	[tilespmem:s3], [sflag:$0x3] =	stream.linear.gather [hbm4b:s15+s3], $0x80, $0x38;
	[tilespmem:$0x10100] =	vst v63  }
0xe1: {  	_ =	swait.ge [sflag:s5], $0x80  }
0xe2: {  	[sflag:s5] =	ssyncset.done $0x0  }
0xe3: {  	[sflag:s5] =	ssyncadd.s32 $0xFFFFFF80  }
0xe4: {  	v4 =	vld [tilespmem:$0x0];
	_ =	sdelay $0x2  }
0xe5: {  	v5 =	vld [tilespmem:$0x10]  }
0xe6: {  	v46 =	vld [tilespmem:$0x20]  }
0xe7: {  	v47 =	vld [tilespmem:$0x30];
	v4 =	vadd.s32 v0, v4  }
0xe8: {  	v48 =	vld [tilespmem:$0x40];
	v49 =	vshll.u32 v4, $0x1  }
0xe9: {  	v50 =	vld [tilespmem:$0x50];
	v51 =	vand.u32 $0x7, v4;
	v9 =	vand.u32 $0xFFFFFFF0, v49  }
0xea: {  	[tilespmem:$0x0] =	vst v4;
	v4 =	vadd.s32 v0, v5;
	v5 =	vld [tilespmem:$0x60];
	v9 =	vor.u32 v51, v9  }
0xeb: {  	v52 =	vld [tilespmem:$0x70];
	[tilespmem:$0x10] =	vst v4;
	v4 =	vadd.s32 v0, v46;
	v11 =	vperm.xlane v9, v1  }
0xec: {  	[tilespmem:$0x20] =	vst v4;
	v4 =	vadd.s32 v0, v47  }
0xed: {  	[tilespmem:$0x30] =	vst v4;
	v4 =	vadd.s32 v0, v48;
	v54 =	vperm.xlane v9, v3;
	v53 =	vadd.s32 v2, v11  }
0xee: {  	[tilespmem:$0x40] =	vst v4;
	v4 =	vadd.s32 v0, v50  }
0xef: {  	[tilespmem:$0x50] =	vst v4;
	v4 =	vadd.s32 v0, v5;
	v5 =	vadd.s32 v2, v54  }
0xf0: {  	[tilespmem:$0x60] =	vst v4;
	v4 =	vadd.s32 v0, v52  }
0xf1: {  	[tilespmem:$0x70] =	vst v4  }
0xf2: {  	[tilespmem:s6], [sflag:$0x1] =	stream.indirect_vreg.gather [hbm4b:s2+s3], $0x80, v53, vm0, $0xb8;
	[tilespmem:$0x10100] =	vst v63  }
0xf3: {  	_ = 	snop  }
0xf4: {  	[tilespmem:s16], [sflag:$0x1] =	stream.indirect_vreg.gather [hbm4b:s2+s3], $0x80, v5, vm0, $0xb8;
	[tilespmem:$0x10100] =	vst v63  }
0xf5: {  	v4 =	vld [tilespmem:$0x10];
	_ =	sdelay $0x4  }
0xf6: {  	v5 =	vshll.u32 v4, $0x1  }
0xf7: {  	v4 =	vand.u32 $0x7, v4;
	v5 =	vand.u32 $0xFFFFFFF0, v5  }
0xf8: {  	v4 =	vor.u32 v4, v5  }
0xf9: {  	v5 =	vperm.xlane v4, v1;
	_ =	sdelay $0x1  }
0xfa: {  	v4 =	vperm.xlane v4, v3;
	v5 =	vadd.s32 v2, v5;
	_ =	sdelay $0x1  }
0xfb: {  	v4 =	vadd.s32 v2, v4;
	_ =	sdelay $0x2  }
0xfc: {  	[tilespmem:s17], [sflag:$0x1] =	stream.indirect_vreg.gather [hbm4b:s2+s3], $0x80, v5, vm0, $0xb8;
	[tilespmem:$0x10100] =	vst v63  }
0xfd: {  	_ = 	snop  }
0xfe: {  	[tilespmem:s18], [sflag:$0x1] =	stream.indirect_vreg.gather [hbm4b:s2+s3], $0x80, v4, vm0, $0xb8;
	[tilespmem:$0x10100] =	vst v63  }
0xff: {  	v4 =	vld [tilespmem:$0x20];
	_ =	sdelay $0x4  }
0x100: {  	v5 =	vshll.u32 v4, $0x1  }
0x101: {  	v4 =	vand.u32 $0x7, v4;
	v5 =	vand.u32 $0xFFFFFFF0, v5  }
0x102: {  	v4 =	vor.u32 v4, v5  }
0x103: {  	v5 =	vperm.xlane v4, v1;
	_ =	sdelay $0x1  }
0x104: {  	v4 =	vperm.xlane v4, v3;
	v5 =	vadd.s32 v2, v5;
	_ =	sdelay $0x1  }
0x105: {  	v4 =	vadd.s32 v2, v4;
	_ =	sdelay $0x2  }
0x106: {  	[tilespmem:s19], [sflag:$0x1] =	stream.indirect_vreg.gather [hbm4b:s2+s3], $0x80, v5, vm0, $0xb8;
	[tilespmem:$0x10100] =	vst v63  }
0x107: {  	_ = 	snop  }
0x108: {  	[tilespmem:s20], [sflag:$0x1] =	stream.indirect_vreg.gather [hbm4b:s2+s3], $0x80, v4, vm0, $0xb8;
	[tilespmem:$0x10100] =	vst v63  }
0x109: {  	v4 =	vld [tilespmem:$0x30];
	_ =	sdelay $0x4  }
0x10a: {  	v5 =	vshll.u32 v4, $0x1  }
0x10b: {  	v4 =	vand.u32 $0x7, v4;
	v5 =	vand.u32 $0xFFFFFFF0, v5  }
0x10c: {  	v4 =	vor.u32 v4, v5  }
0x10d: {  	v5 =	vperm.xlane v4, v1;
	_ =	sdelay $0x1  }
0x10e: {  	v4 =	vperm.xlane v4, v3;
	v5 =	vadd.s32 v2, v5;
	_ =	sdelay $0x1  }
0x10f: {  	v4 =	vadd.s32 v2, v4;
	_ =	sdelay $0x2  }
0x110: {  	[tilespmem:s21], [sflag:$0x1] =	stream.indirect_vreg.gather [hbm4b:s2+s3], $0x80, v5, vm0, $0xb8;
	[tilespmem:$0x10100] =	vst v63  }
0x111: {  	_ = 	snop  }
0x112: {  	[tilespmem:s22], [sflag:$0x1] =	stream.indirect_vreg.gather [hbm4b:s2+s3], $0x80, v4, vm0, $0xb8;
	[tilespmem:$0x10100] =	vst v63  }
0x113: {  	v4 =	vld [tilespmem:$0x40];
	_ =	sdelay $0x4  }
0x114: {  	v5 =	vshll.u32 v4, $0x1  }
0x115: {  	v4 =	vand.u32 $0x7, v4;
	v5 =	vand.u32 $0xFFFFFFF0, v5  }
0x116: {  	v4 =	vor.u32 v4, v5  }
0x117: {  	v5 =	vperm.xlane v4, v1;
	_ =	sdelay $0x1  }
0x118: {  	v4 =	vperm.xlane v4, v3;
	v5 =	vadd.s32 v2, v5;
	_ =	sdelay $0x1  }
0x119: {  	v4 =	vadd.s32 v2, v4;
	_ =	sdelay $0x2  }
0x11a: {  	[tilespmem:s24], [sflag:$0x1] =	stream.indirect_vreg.gather [hbm4b:s2+s3], $0x80, v5, vm0, $0xb8;
	[tilespmem:$0x10100] =	vst v63  }
0x11b: {  	_ = 	snop  }
0x11c: {  	[tilespmem:s25], [sflag:$0x1] =	stream.indirect_vreg.gather [hbm4b:s2+s3], $0x80, v4, vm0, $0xb8;
	[tilespmem:$0x10100] =	vst v63  }
0x11d: {  	v4 =	vld [tilespmem:$0x50];
	_ =	sdelay $0x4  }
0x11e: {  	v5 =	vshll.u32 v4, $0x1  }
0x11f: {  	v4 =	vand.u32 $0x7, v4;
	v5 =	vand.u32 $0xFFFFFFF0, v5  }
0x120: {  	v4 =	vor.u32 v4, v5  }
0x121: {  	v5 =	vperm.xlane v4, v1;
	_ =	sdelay $0x1  }
0x122: {  	v4 =	vperm.xlane v4, v3;
	v5 =	vadd.s32 v2, v5;
	_ =	sdelay $0x1  }
0x123: {  	v4 =	vadd.s32 v2, v4;
	_ =	sdelay $0x2  }
0x124: {  	[tilespmem:s26], [sflag:$0x1] =	stream.indirect_vreg.gather [hbm4b:s2+s3], $0x80, v5, vm0, $0xb8;
	[tilespmem:$0x10100] =	vst v63  }
0x125: {  	_ = 	snop  }
0x126: {  	[tilespmem:s28], [sflag:$0x1] =	stream.indirect_vreg.gather [hbm4b:s2+s3], $0x80, v4, vm0, $0xb8;
	[tilespmem:$0x10100] =	vst v63  }
0x127: {  	v4 =	vld [tilespmem:$0x60];
	_ =	sdelay $0x4  }
0x128: {  	v5 =	vshll.u32 v4, $0x1  }
0x129: {  	v4 =	vand.u32 $0x7, v4;
	v5 =	vand.u32 $0xFFFFFFF0, v5  }
0x12a: {  	v4 =	vor.u32 v4, v5  }
0x12b: {  	v5 =	vperm.xlane v4, v1;
	_ =	sdelay $0x1  }
0x12c: {  	v4 =	vperm.xlane v4, v3;
	v5 =	vadd.s32 v2, v5;
	_ =	sdelay $0x1  }
0x12d: {  	v4 =	vadd.s32 v2, v4;
	_ =	sdelay $0x2  }
0x12e: {  	[tilespmem:s29], [sflag:$0x1] =	stream.indirect_vreg.gather [hbm4b:s2+s3], $0x80, v5, vm0, $0xb8;
	[tilespmem:$0x10100] =	vst v63  }
0x12f: {  	_ = 	snop  }
0x130: {  	[tilespmem:s30], [sflag:$0x1] =	stream.indirect_vreg.gather [hbm4b:s2+s3], $0x80, v4, vm0, $0xb8;
	[tilespmem:$0x10100] =	vst v63  }
0x131: {  	v4 =	vld [tilespmem:$0x70];
	_ =	sdelay $0x4  }
0x132: {  	v5 =	vshll.u32 v4, $0x1  }
0x133: {  	v4 =	vand.u32 $0x7, v4;
	v5 =	vand.u32 $0xFFFFFFF0, v5  }
0x134: {  	v4 =	vor.u32 v4, v5  }
0x135: {  	v5 =	vperm.xlane v4, v1;
	_ =	sdelay $0x1  }
0x136: {  	v4 =	vperm.xlane v4, v3;
	v5 =	vadd.s32 v2, v5;
	_ =	sdelay $0x1  }
0x137: {  	v4 =	vadd.s32 v2, v4;
	_ =	sdelay $0x2  }
0x138: {  	[tilespmem:s31], [sflag:$0x1] =	stream.indirect_vreg.gather [hbm4b:s2+s3], $0x80, v5, vm0, $0xb8;
	[tilespmem:$0x10100] =	vst v63  }
0x139: {  	_ = 	snop  }
0x13a: {  	[tilespmem:s1], [sflag:$0x1] =	stream.indirect_vreg.gather [hbm4b:s2+s3], $0x80, v4, vm0, $0xb8;
	[tilespmem:$0x10100] =	vst v63  }
0x13b: {  	_ =	swait.ge [sflag:s13], $0x8000  }
0x13c: {  	[sflag:s13] =	ssyncset.done $0x0  }
0x13d: {  	s1 =	rddreg [dreg:$0x7];
	[sflag:s13] =	ssyncadd.s32 $0xFFFF8000  }
0x13e: {  	[hbm4b:s1+s3] =	stream.linear.scatter [tilespmem:s0], [sflag:$0x2], $0x8000, $0x38;
	[tilespmem:$0x10100] =	vst v63  }
0x13f: {  	_ =	swait.ge [sflag:s14], $0x8000  }
0x140: {  	[sflag:s14] =	ssyncset.done $0x0  }
0x141: {  	s1 =	rddreg [dreg:$0x8];
	[sflag:s14] =	ssyncadd.s32 $0xFFFF8000  }
0x142: {  	[tilespmem:s23], [sflag:$0x3] =	stream.linear.gather [hbm4b:s1+s3], $0x80, $0x38;
	[tilespmem:$0x10100] =	vst v63  }
0x143: {  	_ =	swait.ge [sflag:s5], $0x80  }
0x144: {  	[sflag:s5] =	ssyncset.done $0x0  }
0x145: {  	[sflag:s5] =	ssyncadd.s32 $0xFFFFFF80  }
0x146: {  	v4 =	vld [tilespmem:$0x80];
	_ =	sdelay $0x2  }
0x147: {  	v5 =	vld [tilespmem:$0x90]  }
0x148: {  	v55 =	vld [tilespmem:$0xA0]  }
0x149: {  	v56 =	vld [tilespmem:$0xB0];
	v4 =	vadd.s32 v0, v4  }
0x14a: {  	v57 =	vld [tilespmem:$0xC0];
	v58 =	vshll.u32 v4, $0x1  }
0x14b: {  	v59 =	vld [tilespmem:$0xD0];
	v60 =	vand.u32 $0x7, v4;
	v9 =	vand.u32 $0xFFFFFFF0, v58  }
0x14c: {  	[tilespmem:$0x80] =	vst v4;
	v4 =	vadd.s32 v0, v5;
	v5 =	vld [tilespmem:$0xE0];
	v9 =	vor.u32 v60, v9  }
0x14d: {  	v61 =	vld [tilespmem:$0xF0];
	[tilespmem:$0x90] =	vst v4;
	v4 =	vadd.s32 v0, v55;
	v11 =	vperm.xlane v9, v1  }
0x14e: {  	[tilespmem:$0xA0] =	vst v4;
	v4 =	vadd.s32 v0, v56  }
0x14f: {  	[tilespmem:$0xB0] =	vst v4;
	v4 =	vadd.s32 v0, v57;
	v63 =	vperm.xlane v9, v3;
	v62 =	vadd.s32 v2, v11  }
0x150: {  	[tilespmem:$0xC0] =	vst v4;
	v4 =	vadd.s32 v0, v59  }
0x151: {  	[tilespmem:$0xD0] =	vst v4;
	v4 =	vadd.s32 v0, v5;
	v5 =	vadd.s32 v2, v63  }
0x152: {  	[tilespmem:$0xE0] =	vst v4;
	v4 =	vadd.s32 v0, v61  }
0x153: {  	[tilespmem:$0xF0] =	vst v4  }
0x154: {  	[tilespmem:s0], [sflag:$0x1] =	stream.indirect_vreg.gather [hbm4b:s2+s3], $0x80, v62, vm0, $0xb8;
	[tilespmem:$0x10100] =	vst v63  }
0x155: {  	_ = 	snop  }
0x156: {  	[tilespmem:s7], [sflag:$0x1] =	stream.indirect_vreg.gather [hbm4b:s2+s3], $0x80, v5, vm0, $0xb8;
	[tilespmem:$0x10100] =	vst v63  }
0x157: {  	v4 =	vld [tilespmem:$0x90];
	_ =	sdelay $0x4  }
0x158: {  	v5 =	vshll.u32 v4, $0x1  }
0x159: {  	v4 =	vand.u32 $0x7, v4;
	v5 =	vand.u32 $0xFFFFFFF0, v5  }
0x15a: {  	v4 =	vor.u32 v4, v5  }
0x15b: {  	v5 =	vperm.xlane v4, v1;
	_ =	sdelay $0x1  }
0x15c: {  	v4 =	vperm.xlane v4, v3;
	v5 =	vadd.s32 v2, v5;
	_ =	sdelay $0x1  }
0x15d: {  	v4 =	vadd.s32 v2, v4;
	_ =	sdelay $0x2  }
0x15e: {  	[tilespmem:s8], [sflag:$0x1] =	stream.indirect_vreg.gather [hbm4b:s2+s3], $0x80, v5, vm0, $0xb8;
	[tilespmem:$0x10100] =	vst v63  }
0x15f: {  	_ = 	snop  }
0x160: {  	[tilespmem:s9], [sflag:$0x1] =	stream.indirect_vreg.gather [hbm4b:s2+s3], $0x80, v4, vm0, $0xb8;
	[tilespmem:$0x10100] =	vst v63  }
0x161: {  	v4 =	vld [tilespmem:$0xA0];
	_ =	sdelay $0x4  }
0x162: {  	v5 =	vshll.u32 v4, $0x1  }
0x163: {  	v4 =	vand.u32 $0x7, v4;
	v5 =	vand.u32 $0xFFFFFFF0, v5  }
0x164: {  	v4 =	vor.u32 v4, v5  }
0x165: {  	v5 =	vperm.xlane v4, v1;
	_ =	sdelay $0x1  }
0x166: {  	v4 =	vperm.xlane v4, v3;
	v5 =	vadd.s32 v2, v5;
	_ =	sdelay $0x1  }
0x167: {  	v4 =	vadd.s32 v2, v4;
	_ =	sdelay $0x2  }
0x168: {  	[tilespmem:s10], [sflag:$0x1] =	stream.indirect_vreg.gather [hbm4b:s2+s3], $0x80, v5, vm0, $0xb8;
	[tilespmem:$0x10100] =	vst v63  }
0x169: {  	_ = 	snop  }
0x16a: {  	[tilespmem:s11], [sflag:$0x1] =	stream.indirect_vreg.gather [hbm4b:s2+s3], $0x80, v4, vm0, $0xb8;
	[tilespmem:$0x10100] =	vst v63  }
0x16b: {  	v4 =	vld [tilespmem:$0xB0];
	_ =	sdelay $0x4  }
0x16c: {  	v5 =	vshll.u32 v4, $0x1  }
0x16d: {  	v4 =	vand.u32 $0x7, v4;
	v5 =	vand.u32 $0xFFFFFFF0, v5  }
0x16e: {  	v4 =	vor.u32 v4, v5  }
0x16f: {  	v5 =	vperm.xlane v4, v1;
	_ =	sdelay $0x1  }
0x170: {  	v4 =	vperm.xlane v4, v3;
	v5 =	vadd.s32 v2, v5;
	_ =	sdelay $0x1  }
0x171: {  	v4 =	vadd.s32 v2, v4;
	_ =	sdelay $0x2  }
0x172: {  	[tilespmem:s12], [sflag:$0x1] =	stream.indirect_vreg.gather [hbm4b:s2+s3], $0x80, v5, vm0, $0xb8;
	[tilespmem:$0x10100] =	vst v63  }
0x173: {  	s15 =	simm.s32 $0xB900  }
0x174: {  	[tilespmem:s15], [sflag:$0x1] =	stream.indirect_vreg.gather [hbm4b:s2+s3], $0x80, v4, vm0, $0xb8;
	[tilespmem:$0x10100] =	vst v63  }
0x175: {  	v4 =	vld [tilespmem:$0xC0];
	_ =	sdelay $0x4  }
0x176: {  	v5 =	vshll.u32 v4, $0x1  }
0x177: {  	v4 =	vand.u32 $0x7, v4;
	v5 =	vand.u32 $0xFFFFFFF0, v5  }
0x178: {  	v4 =	vor.u32 v4, v5  }
0x179: {  	v5 =	vperm.xlane v4, v1;
	_ =	sdelay $0x1  }
0x17a: {  	v4 =	vperm.xlane v4, v3;
	v5 =	vadd.s32 v2, v5;
	_ =	sdelay $0x1  }
0x17b: {  	v4 =	vadd.s32 v2, v4;
	_ =	sdelay $0x1  }
0x17c: {  	s15 =	simm.s32 $0xC100  }
0x17d: {  	[tilespmem:s15], [sflag:$0x1] =	stream.indirect_vreg.gather [hbm4b:s2+s3], $0x80, v5, vm0, $0xb8;
	[tilespmem:$0x10100] =	vst v63  }
0x17e: {  	s15 =	simm.s32 $0xC900  }
0x17f: {  	[tilespmem:s15], [sflag:$0x1] =	stream.indirect_vreg.gather [hbm4b:s2+s3], $0x80, v4, vm0, $0xb8;
	[tilespmem:$0x10100] =	vst v63  }
0x180: {  	v4 =	vld [tilespmem:$0xD0];
	_ =	sdelay $0x4  }
0x181: {  	v5 =	vshll.u32 v4, $0x1  }
0x182: {  	v4 =	vand.u32 $0x7, v4;
	v5 =	vand.u32 $0xFFFFFFF0, v5  }
0x183: {  	v4 =	vor.u32 v4, v5  }
0x184: {  	v5 =	vperm.xlane v4, v1;
	_ =	sdelay $0x1  }
0x185: {  	v4 =	vperm.xlane v4, v3;
	v5 =	vadd.s32 v2, v5;
	_ =	sdelay $0x1  }
0x186: {  	v4 =	vadd.s32 v2, v4;
	_ =	sdelay $0x1  }
0x187: {  	s15 =	simm.s32 $0xD100  }
0x188: {  	[tilespmem:s15], [sflag:$0x1] =	stream.indirect_vreg.gather [hbm4b:s2+s3], $0x80, v5, vm0, $0xb8;
	[tilespmem:$0x10100] =	vst v63  }
0x189: {  	s15 =	simm.s32 $0xD900  }
0x18a: {  	[tilespmem:s15], [sflag:$0x1] =	stream.indirect_vreg.gather [hbm4b:s2+s3], $0x80, v4, vm0, $0xb8;
	[tilespmem:$0x10100] =	vst v63  }
0x18b: {  	v4 =	vld [tilespmem:$0xE0];
	_ =	sdelay $0x4  }
0x18c: {  	v5 =	vshll.u32 v4, $0x1  }
0x18d: {  	v4 =	vand.u32 $0x7, v4;
	v5 =	vand.u32 $0xFFFFFFF0, v5  }
0x18e: {  	v4 =	vor.u32 v4, v5  }
0x18f: {  	v5 =	vperm.xlane v4, v1;
	_ =	sdelay $0x1  }
0x190: {  	v4 =	vperm.xlane v4, v3;
	v5 =	vadd.s32 v2, v5;
	_ =	sdelay $0x1  }
0x191: {  	v4 =	vadd.s32 v2, v4;
	_ =	sdelay $0x1  }
0x192: {  	s15 =	simm.s32 $0xE100  }
0x193: {  	[tilespmem:s15], [sflag:$0x1] =	stream.indirect_vreg.gather [hbm4b:s2+s3], $0x80, v5, vm0, $0xb8;
	[tilespmem:$0x10100] =	vst v63  }
0x194: {  	s15 =	simm.s32 $0xE900  }
0x195: {  	[tilespmem:s15], [sflag:$0x1] =	stream.indirect_vreg.gather [hbm4b:s2+s3], $0x80, v4, vm0, $0xb8;
	[tilespmem:$0x10100] =	vst v63  }
0x196: {  	v4 =	vld [tilespmem:$0xF0];
	_ =	sdelay $0x4  }
0x197: {  	v5 =	vshll.u32 v4, $0x1  }
0x198: {  	v4 =	vand.u32 $0x7, v4;
	v5 =	vand.u32 $0xFFFFFFF0, v5  }
0x199: {  	v4 =	vor.u32 v4, v5  }
0x19a: {  	v5 =	vperm.xlane v4, v1;
	_ =	sdelay $0x1  }
0x19b: {  	v4 =	vperm.xlane v4, v3;
	v5 =	vadd.s32 v2, v5;
	_ =	sdelay $0x1  }
0x19c: {  	v4 =	vadd.s32 v2, v4;
	_ =	sdelay $0x1  }
0x19d: {  	s15 =	simm.s32 $0xF100  }
0x19e: {  	[tilespmem:s15], [sflag:$0x1] =	stream.indirect_vreg.gather [hbm4b:s2+s3], $0x80, v5, vm0, $0xb8;
	[tilespmem:$0x10100] =	vst v63  }
0x19f: {  	s15 =	simm.s32 $0xF900  }
0x1a0: {  	[tilespmem:s15], [sflag:$0x1] =	stream.indirect_vreg.gather [hbm4b:s2+s3], $0x80, v4, vm0, $0xb8;
	[tilespmem:$0x10100] =	vst v63  }
0x1a1: {  	_ =	swait.ge [sflag:s13], $0x8000  }
0x1a2: {  	[sflag:s13] =	ssyncset.done $0x0  }
0x1a3: {  	s6 =	simm.s32 $0x100;
	s1 =	rddreg [dreg:$0x9];
	[sflag:s13] =	ssyncadd.s32 $0xFFFF8000  }
0x1a4: {  	[hbm4b:s1+s3] =	stream.linear.scatter [tilespmem:s6], [sflag:$0x2], $0x8000, $0x38;
	[tilespmem:$0x10100] =	vst v63  }
0x1a5: {  	_ =	swait.ge [sflag:s13], $0x8000  }
0x1a6: {  	[sflag:s13] =	ssyncset.done $0x0  }
0x1a7: {  	s6 =	rddreg [dreg:$0xa];
	[sflag:s13] =	ssyncadd.s32 $0xFFFF8000  }
0x1a8: {  	[hbm4b:s6+s3] =	stream.linear.scatter [tilespmem:s0], [sflag:$0x2], $0x8000, $0x38;
	[tilespmem:$0x10100] =	vst v63  }
0x1a9: {  	p0 =	sne.s32 s4, $0x1;
	_ =	swait.ge [sflag:s14], $0x8000  }
.Ltmp0:
0x1aa: {  	[sflag:s14] =	ssyncset.done $0x0;
	(pc) =	sbr.rel @p0 .LBB2_1-.Ltmp0, $4  }
0x1ab: {  	[sflag:s14] =	ssyncadd.s32 $0xFFFF8000  }
0x1ac: {  	_ =	swait.ge [sflag:s14], $0x8000  }
0x1ad: {  	[sflag:s14] =	ssyncset.done $0x0  }
0x1ae: {  	s4 =	sadd.s32 $0xFFFFFFFF, s4;
	[sflag:s14] =	ssyncadd.s32 $0xFFFF8000  }
0x1af: {  	_ =	sfence.sel $0x180000  }
0x1b0: {  	[bflag:$0x0] =	sbarrier.arrive $0xFFFF  }
0x1b1: {  	_ =	strace $0x90000047  }
0x1b2: {  	s0 =	stileid.u32;
	[bflag:$0x2] =	sbarrier.arrive $0xFFFF  }
0x1b3: {  	p0 =	sne.s32 s0, $0x0;
	s0 =	rddreg [dreg:$0x2]  }
0x1b4: {  	s0 =	sadd.s32 @!p0 $0x100000, s0  }
0x1b5: {  	[sflag:s0] =	ssyncadd.tile.s32 @!p0 $0x1;
	_ =	shalt  }
.Lfunc_end2:
_tile_overlayer_lowered:
.L_overlay_start_2:
0x1b6: {  	(tag) =	ssettag $0x2  }
0x1b7: {  	s0 =	rddreg [dreg:$0x0];
	s2 =	stileid.u32  }
0x1b8: {  	s1 =	rddreg [dreg:$0x1];
	p0 =	sne.s32 s2, $0x0  }
0x1b9: {  	s3 =	rddreg [dreg:$0x2];
	[bflag:$0x3] =	sbarrier.arrive $0xFFFF;
	s2 =	simm.s32 @!p0 $0x1C03  }
0x1ba: {  	[timem:s3], [sflag:s2] =	dma.local @!p0 [hbm:s0], s1  }
0x1bb: {  	s0 =	simm.s32 @!p0 $0x3  }
0x1bc: {  	_ =	swait.ge @!p0 [sflag:s0], s1  }
0x1bd: {  	s1 =	ssub.s32 @!p0 $0x0, s1;
	[sflag:s0] =	ssyncset.done @!p0 $0x0  }
0x1be: {  	[sflag:s0] =	ssyncadd.s32 @!p0 s1  }
0x1bf: {  	[bflag:$0x3] =	sbarrier.arrive $0xFFFF  }
0x1c0: {  	_ =	shalt  }

// kernel: kernel.9.cloned.1.call-start
scs
__scs_entry_jumppad:
0x0: {  	(pc) =	sbr.rel $0x88, $3  }
0x1: {  	(tag) =	ssettag $0x0;
	lr =	simm.s32 $0x1  }
0x2: {  	[smem:$0x3F7F] =	sst lr;
	_ =	strace $0xD0000000  }
0x3: {  	_ = 	snop  }
0x4: {  	_ = 	snop  }
0x5: {  	_ = 	snop  }
0x6: {  	_ = 	snop  }
0x7: {  	_ = 	snop  }
__scs_overlays_trampoline_lowered:
0x8: {  	[smem:$0x3F8E] =	sst s0  }
0x9: {  	[smem:$0x3F8F] =	sst s1  }
0xa: {  	[smem:$0x3F90] =	sst s2  }
0xb: {  	[smem:$0x3F91] =	sst s3  }
0xc: {  	[smem:$0x3F92] =	sst s4  }
0xd: {  	[smem:$0x3F93] =	sst s5  }
0xe: {  	[smem:$0x3F94] =	sst s6  }
0xf: {  	[smem:$0x3F95] =	sst s7  }
0x10: {  	[smem:$0x3F96] =	sst s8  }
0x11: {  	[smem:$0x3F97] =	sst s9;
	s0 =	simm.s32 @!p0 $0x0  }
0x12: {  	s1 =	sld [smem:$0x3F7D];
	s0 =	simm.s32 @p0 $0x1  }
0x13: {  	[smem:$0x3F98] =	sst s0;
	s0 =	simm.s32 @!p1 $0x0  }
0x14: {  	s2 =	sld [smem:$0x3F7C];
	s0 =	simm.s32 @p1 $0x1  }
0x15: {  	[smem:$0x3F99] =	sst s0;
	s0 =	simm.s32 @!p2 $0x0  }
0x16: {  	s3 =	sld [smem:$0x3FDB];
	s0 =	simm.s32 @p2 $0x1  }
0x17: {  	s4 =	simm.s32 $0x1BF5;
	[smem:$0x3F9B] =	sst s0  }
0x18: {  	s0 =	sld [smem:$0x3F7E];
	_ =	swait.ge [sflag:s4], $0x0  }
0x19: {  	s7 =	sld [smem:$0x3F7F]  }
0x1a: {  	s8 =	sadd.s32 $0xFFFFE003, lr  }
0x1b: {  	s9 =	sadd.s32 $0xFFFFFEF7, lr;
	s5 =	simm.s32 $0xFFFFFFFF;
	p2 =	slt.u32 s8, $0xFFFFF086  }
0x1c: {  	p1 =	slt.u32 s9, $0xF7A;
	s5 =	simm.s32 @!p2 $0x0  }
0x1d: {  	s5 =	simm.s32 @p1 $0x1;
	p0 =	seq.s32 s7, s2  }
0x1e: {  	s7 =	smul.u32 @!p0 $0xF7A, s2;
	p2 =	seq.s32 @!p0 s5, $0x0  }
0x1f: {  	s9 =	smul.u32 $0xF7A, s1;
	s8 =	simm.s32 @!p0 $0x1BF5;
	p2 =	por !p2, p0  }
0x20: {  	[sflag:s8] =	ssyncset.s32 @!p0 $0xFFFFF086;
	s6 =	sadd.s32 @!p0 s3, s7;
	s7 =	simm.s32 @!p0 $0x108  }
0x21: {  	s3 =	sadd.s32 s3, s9;
	s6 =	sadd.s32 @!p0 $0x88, s6;
	s7 =	simm.s32 @p2 $0x1082  }
0x22: {  	[simem:s7], [sflag:s8] =	dma.local @!p0 [hbm:s6], $0xF7A  }
0x23: {  	s9 =	sor.u32 $0xD0000000, s2;
	s6 =	simm.s32 $0x108;
	_ =	swait.ge @!p0 [sflag:s8], $0x0  }
0x24: {  	s3 =	sadd.s32 $0x88, s3;
	s6 =	simm.s32 @!p1 $0x1082;
	[sflag:s4] =	ssyncset.s32 $0xFFFFF086  }
0x25: {  	[simem:s6], [sflag:s4] =	dma.local [hbm:s3], $0xF7A  }
0x26: {  	[smem:$0x3F7F] =	sst s1;
	(tag) =	ssettag s2;
	_ =	strace s9  }
0x27: {  	s1 =	sld [smem:$0x3F8F]  }
0x28: {  	s2 =	sld [smem:$0x3F90]  }
0x29: {  	s4 =	sld [smem:$0x3F92]  }
0x2a: {  	p0 =	seq.s32 s5, $0x0;
	s5 =	sld [smem:$0x3F93]  }
0x2b: {  	s6 =	sld [smem:$0x3F94]  }
0x2c: {  	s7 =	sld [smem:$0x3F95]  }
0x2d: {  	s3 =	simm.s32 $0x108;
	s8 =	sld [smem:$0x3F96]  }
0x2e: {  	s3 =	simm.s32 @!p0 $0x1082;
	s9 =	sld [smem:$0x3F97]  }
0x2f: {  	lr =	sadd.s32 s0, s3;
	s0 =	sld [smem:$0x3F8E]  }
0x30: {  	s3 =	sld [smem:$0x3F91]  }
0x31: {  	[smem:$0x3F9A] =	sst s10  }
0x32: {  	s10 =	sld [smem:$0x3F98];
	_ =	sdelay $0x3  }
0x33: {  	p0 =	seq.s32 s10, $0x1;
	s10 =	sld [smem:$0x3F9A];
	_ =	sdelay $0x3  }
0x34: {  	[smem:$0x3F9A] =	sst s10  }
0x35: {  	s10 =	sld [smem:$0x3F99];
	_ =	sdelay $0x3  }
0x36: {  	p1 =	seq.s32 s10, $0x1;
	s10 =	sld [smem:$0x3F9A];
	_ =	sdelay $0x3  }
0x37: {  	[smem:$0x3F9A] =	sst s10  }
0x38: {  	s10 =	sld [smem:$0x3F9B]  }
0x39: {  	_ = 	snop;
	(pc) =	sbr.ind lr, $3  }
0x3a: {  	_ = 	snop  }
0x3b: {  	_ = 	snop  }
0x3c: {  	p2 =	seq.s32 s10, $0x1;
	s10 =	sld [smem:$0x3F9A]  }
0x3d: {  	_ =	shalt  }
0x3e: {  	_ =	shalt  }
0x3f: {  	_ =	shalt  }
0x40: {  	_ =	shalt  }
0x41: {  	_ =	shalt  }
0x42: {  	_ =	shalt  }
0x43: {  	_ =	shalt  }
0x44: {  	_ =	shalt  }
0x45: {  	_ =	shalt  }
0x46: {  	_ =	shalt  }
0x47: {  	_ =	shalt  }
0x48: {  	_ =	shalt  }
0x49: {  	_ =	shalt  }
0x4a: {  	_ =	shalt  }
0x4b: {  	_ =	shalt  }
0x4c: {  	_ =	shalt  }
0x4d: {  	_ =	shalt  }
0x4e: {  	_ =	shalt  }
0x4f: {  	_ =	shalt  }
0x50: {  	_ =	shalt  }
0x51: {  	_ =	shalt  }
0x52: {  	_ =	shalt  }
0x53: {  	_ =	shalt  }
0x54: {  	_ =	shalt  }
0x55: {  	_ =	shalt  }
0x56: {  	_ =	shalt  }
0x57: {  	_ =	shalt  }
0x58: {  	_ =	shalt  }
0x59: {  	_ =	shalt  }
0x5a: {  	_ =	shalt  }
0x5b: {  	_ =	shalt  }
0x5c: {  	_ =	shalt  }
0x5d: {  	_ =	shalt  }
0x5e: {  	_ =	shalt  }
0x5f: {  	_ =	shalt  }
0x60: {  	_ =	shalt  }
0x61: {  	_ =	shalt  }
0x62: {  	_ =	shalt  }
0x63: {  	_ =	shalt  }
0x64: {  	_ =	shalt  }
0x65: {  	_ =	shalt  }
0x66: {  	_ =	shalt  }
0x67: {  	_ =	shalt  }
0x68: {  	_ =	shalt  }
0x69: {  	_ =	shalt  }
0x6a: {  	_ =	shalt  }
0x6b: {  	_ =	shalt  }
0x6c: {  	_ =	shalt  }
0x6d: {  	_ =	shalt  }
0x6e: {  	_ =	shalt  }
0x6f: {  	_ =	shalt  }
0x70: {  	_ =	shalt  }
0x71: {  	_ =	shalt  }
0x72: {  	_ =	shalt  }
0x73: {  	_ =	shalt  }
0x74: {  	_ =	shalt  }
0x75: {  	_ =	shalt  }
0x76: {  	_ =	shalt  }
0x77: {  	_ =	shalt  }
0x78: {  	_ =	shalt  }
0x79: {  	_ =	shalt  }
0x7a: {  	_ =	shalt  }
0x7b: {  	_ =	shalt  }
0x7c: {  	_ =	shalt  }
0x7d: {  	_ =	shalt  }
0x7e: {  	_ =	shalt  }
0x7f: {  	_ =	shalt  }
0x80: {  	_ =	shalt  }
0x81: {  	_ =	shalt  }
0x82: {  	_ =	shalt  }
0x83: {  	_ =	shalt  }
0x84: {  	_ =	shalt  }
0x85: {  	_ =	shalt  }
0x86: {  	_ =	shalt  }
0x87: {  	_ =	shalt  }
.Lfunc_end0:
.L_simem_size_0:
called_computation.1_lowered:
.L_overlay_start_0:
0x88: {  	s2 =	sld [smem:$0x3FD9]  }
0x89: {  	s3 =	sld [smem:$0x3FFE];
	_ =	sdelay $0x1  }
0x8a: {  	s1 =	srdreg.scid  }
0x8b: {  	s0 =	sand.u32 $0x1, s1  }
0x8c: {  	s17 =	sshll.u32 s0, $0xA;
	s2 =	sadd.s32 s3, s2  }
0x8d: {  	s2 =	sadd.s32 s2, s17  }
0x8e: {  	[smem:$0x3FA6] =	sst s2  }
0x8f: {  	_ = 	snop  }
0x90: {  	s18 =	sld [smem:$0x3FC9]  }
0x91: {  	s4 =	sld [smem:$0x3FD0];
	(tm) =	ssettm $0x1  }
0x92: {  	s19 =	sld [smem:$0x3FFB];
	_ =	sdelay $0x3  }
0x93: {  	_ =	strace s19  }
0x94: {  	s2 =	sld [smem:$0x3FFC];
	_ =	sdelay $0x3  }
0x95: {  	_ =	strace s2  }
0x96: {  	s2 =	sld [smem:$0x3FFD];
	_ =	sdelay $0x3  }
0x97: {  	_ =	strace s2  }
0x98: {  	_ =	strace $0x8FFFFFFF  }
0x99: {  	s20 =	sld [smem:$0x3FDB];
	_ =	sdelay $0x1  }
0x9a: {  	s5 =	simm.s32 $_scs_section_size  }
0x9b: {  	s6 =	simm.s32 $_size__tile_overlayer_lowered;
	s7 =	simm.s32 $_tile_overlayer_lowered  }
0x9c: {  	s8 =	simm.s32 $0x1BFF;
	s21 =	sshll.u32 s7, $0x1;
	s5 =	sadd.s32 s5, s20  }
0x9d: {  	s22 =	simm.s32 $0x0;
	s6 =	sshll.u32 s6, $0x1;
	s7 =	sadd.s32 s21, s5  }
0x9e: {  	[timem:s22], [sflag:s8] =	dma.local [hbm:s7], s6  }
0x9f: {  	_ =	swait.ge [sflag:s8], s6  }
0xa0: {  	s6 =	ssub.s32 $0x0, s6;
	[sflag:s8] =	ssyncset.done $0x0  }
0xa1: {  	[sflag:s8] =	ssyncadd.s32 s6;
	_ =	sdelay $0x1  }
0xa2: {  	s23 =	simm.s32 $0x1B8B  }
0xa3: {  	_ =	swait.ge [sflag:s23], $0x1  }
0xa4: {  	[sflag:s23] =	ssyncset.done $0x0  }
0xa5: {  	[sflag:s23] =	ssyncadd.s32 $0xFFFFFFFF  }
0xa6: {  	s6 =	sld [smem:$0x0]  }
0xa7: {  	s7 =	sand.u32 $0xFFFFFFFE, s1  }
0xa8: {  	p0 =	sne.s32 s1, s7  }
0xa9: {  	s7 =	sshll.u32 @p0 s7, $0xE  }
0xaa: {  	s7 =	sadd.s32 @p0 $0x11B8D, s7;
	s8 =	sshll.u32 @p0 s6, $0x11  }
0xab: {  	s7 =	sor.u32 @p0 s8, s7  }
0xac: {  	[sflag:s7] =	ssyncadd.remote.s32 @p0 $0x1;
	_ =	sdelay $0x1  }
0xad: {  	s7 =	simm.s32 @p0 $0x1B8D  }
0xae: {  	_ =	swait.eq @p0 [sflag:s7], $0x1  }
0xaf: {  	[sflag:s7] =	ssyncadd.s32 @p0 $0xFFFFFFFF  }
0xb0: {  	s8 =	sshll.u32 @!p0 s1, $0xE  }
0xb1: {  	s8 =	sor.u32 @!p0 $0x4000, s8;
	s7 =	simm.s32 @!p0 $0x1B8D  }
0xb2: {  	s6 =	sshll.u32 @!p0 s6, $0x11;
	s8 =	sadd.s32 @!p0 $0x11B8D, s8;
	_ =	swait.eq @!p0 [sflag:s7], $0x1  }
0xb3: {  	s6 =	sor.u32 @!p0 s6, s8;
	[sflag:s7] =	ssyncadd.s32 @!p0 $0xFFFFFFFF  }
0xb4: {  	s25 =	simm.s32 $0x1B8E;
	s24 =	sld [smem:$0x3FFE];
	[sflag:s6] =	ssyncadd.remote.s32 @!p0 $0x1  }
0xb5: {  	s26 =	simm.s32 $execute0_lowered;
	[smem:$0x3FD2] =	sst s25  }
0xb6: {  	s7 =	sshll.u32 s26, $0x1;
	_ =	strace $0x80000049;
	[dreg:$0x1] =	wrdreg $0xFFFFFFFF  }
0xb7: {  	s28 =	simm.s32 $_size_execute0_lowered;
	s5 =	sadd.s32 s5, s7;
	[dreg:$0x0] =	wrdreg $0x0  }
0xb8: {  	s7 =	sshll.u32 s28, $0x1;
	[dreg:$0x2] =	wrdreg s5  }
0xb9: {  	[dreg:$0x3] =	wrdreg s7  }
0xba: {  	[dreg:$0x4] =	wrdreg $0xC0  }
0xbb: {  	_ =	task [dreg:s22], $0x5FFFF  }
0xbc: {  	[dreg:$0x1] =	wrdreg $0xFFFFFFFF  }
0xbd: {  	[dreg:$0x0] =	wrdreg $0x60  }
0xbe: {  	[dreg:$0x2] =	wrdreg s18  }
0xbf: {  	[dreg:$0x3] =	wrdreg s4  }
0xc0: {  	[dreg:$0x4] =	wrdreg s24  }
0xc1: {  	[dreg:$0x5] =	wrdreg $0xA  }
0xc2: {  	_ =	task.clear_ibuf [dreg:s22], $0x6FFFF;
	_ =	strace $0x90000049  }
0xc3: {  	s29 =	simm.s32 $0xA;
	_ =	strace $0x8000004B  }
0xc4: {  	_ =	swait.ge [sflag:s29], $0x1  }
0xc5: {  	[sflag:s29] =	ssyncadd.s32 $0xFFFFFFFF  }
0xc6: {  	_ =	strace $0x9000004B  }
0xc7: {  	_ =	sfence  }
0xc8: {  	s30 =	sld [smem:$0x0];
	_ =	sdelay $0x2  }
0xc9: {  	s31 =	sshll.u32 s1, $0xD;
	s1 =	sshrl.u32 s1, $0x2  }
0xca: {  	s4 =	sand.u32 $0x4000, s31;
	s1 =	sadd.s32 s1, s30  }
0xcb: {  	s0 =	sor.u32 s4, s0;
	s1 =	sshll.u32 s1, $0x11  }
0xcc: {  	s0 =	sor.u32 s1, s0  }
0xcd: {  	s0 =	sadd.s32 $0x8F2B, s0  }
0xce: {  	[sflag:s0] =	ssyncadd.remote.s32 $0x1  }
0xcf: {  	_ =	sfence.sel $0xFFFF  }
0xd0: {  	[dreg:$0x0] =	wrdreg $0xFFFFFFFF;
	(pc) =	sbr.abs _section_cstart, $3  }
0xd1: {  	[dreg:$0x1] =	wrdreg $0xFFFFFFFF  }
0xd2: {  	_ =	task.clear_ibuf [dreg:s22], $0x2FFFF;
	_ =	strace $0x9FFFFFFF  }
0xd3: {  	(tm) =	ssettm $0x7FFFFFFF  }
tec
execute0_lowered:
.L_overlay_start_1:
0x0: {  	(tag) =	ssettag $0x1  }
0x1: {  	s2 =	rddreg [dreg:$0x0]  }
0x2: {  	s0 =	rddreg [dreg:$0x1]  }
0x3: {  	s1 =	rddreg [dreg:$0x2]  }
0x4: {  	s9 =	stileid.u32;
	s4 =	srdreg.scid  }
0x5: {  	s3 =	simm.s32 $0x0;
	s13 =	simm.s32 $0x1;
	s14 =	simm.s32 $0x2  }
0x6: {  	s16 =	simm.s32 $0x900;
	s28 =	simm.s32 $0x5900;
	s29 =	simm.s32 $0x6100  }
0x7: {  	s30 =	simm.s32 $0x6900;
	s31 =	simm.s32 $0x7100;
	s12 =	simm.s32 $0xB100  }
0x8: {  	s5 =	sshll.u32 s9, $0x1;
	s4 =	sand.u32 $0x1, s4;
	[smem:$0x7FF] =	sst s3  }
0x9: {  	s1 =	sadd.s32 $0x85200, s1;
	s9 =	sshrl.u32 s9, $0x3;
	s5 =	sand.u32 $0xE, s5  }
0xa: {  	_ =	strace $0x8000004A;
	s10 =	sshll.u32 s9, $0x15;
	s5 =	sor.u32 s4, s5  }
0xb: {  	s9 =	smul.u32 $0x16FA, s9;
	s4 =	ssub.s32 $0x2, s4;
	s6 =	sshll.u32 s5, $0x9  }
0xc: {  	s7 =	sshll.u32 s5, $0x6;
	s5 =	sshll.u32 s5, $0x11;
	s20 =	sshrl.u32 s4, $0x1  }
0xd: {  	v0 =	vmov s9;
	s9 =	simm.s32 $0x9900;
	s7 =	sadd.s32 s0, s7;
	s8 =	sor.u32 $0x80, s6  }
0xe: {  	s5 =	sor.u32 s10, s5;
	s18 =	sor.u32 $0x100, s6;
	s22 =	sor.u32 $0x180, s6  }
0xf: {  	s4 =	ssub.s32 s4, s20;
	s20 =	simm.s32 $0x2900;
	[dreg:$0x4] =	wrdreg s7  }
0x10: {  	s17 =	sshrl.u32 s8, $0x3;
	s5 =	sshrl.u32 s5, $0x3;
	s8 =	sshll.u32 s8, $0x8  }
0x11: {  	s11 =	sshrl.u32 s18, $0x3;
	s23 =	sshll.u32 s18, $0x8;
	s24 =	sshrl.u32 s22, $0x3  }
0x12: {  	s4 =	smax.u32 s4, $0x1;
	s18 =	simm.s32 $0x1900;
	s7 =	sadd.s32 s0, s17  }
0x13: {  	s5 =	sadd.s32 s1, s5;
	s8 =	sor.u32 s10, s8;
	s19 =	sadd.s32 s0, s11  }
0x14: {  	s6 =	sor.u32 s10, s23;
	s0 =	sadd.s32 s0, s24;
	s17 =	simm.s32 $0x1100  }
0x15: {  	s24 =	simm.s32 $0x4100;
	s23 =	simm.s32 $0x80;
	[dreg:$0x5] =	wrdreg s7  }
0x16: {  	s11 =	simm.s32 $0xA900;
	[dreg:$0x6] =	wrdreg s5;
	s8 =	sshrl.u32 s8, $0x3  }
0x17: {  	[dreg:$0x7] =	wrdreg s19;
	s5 =	sshll.u32 s22, $0x8;
	s6 =	sshrl.u32 s6, $0x3  }
0x18: {  	[dreg:$0x9] =	wrdreg s0;
	s19 =	simm.s32 $0x2100;
	s22 =	simm.s32 $0x3900  }
0x19: {  	s7 =	simm.s32 $0x8900;
	s21 =	sadd.s32 s1, s8;
	s5 =	sor.u32 s10, s5  }
0x1a: {  	s25 =	sadd.s32 s1, s6;
	s8 =	simm.s32 $0x9100;
	[dreg:$0x8] =	wrdreg s21  }
0x1b: {  	v3 =	vlaneseq.u32;
	s10 =	simm.s32 $0xA100;
	s5 =	sshrl.u32 s5, $0x3;
	[dreg:$0xa] =	wrdreg s25  }
0x1c: {  	vm0 =	vmmov $0xffff;
	v2 =	vshrl.u32 v3, $0x3;
	s21 =	simm.s32 $0x3100;
	s25 =	simm.s32 $0x4900;
	s26 =	sadd.s32 s1, s5  }
0x1d: {  	v1 =	vand.u32 $0x7, v3;
	v3 =	vor.u32 $0x8, v3;
	v2 =	vmul.u32 $0x8, v2;
	s5 =	simm.s32 $0x3;
	[dreg:$0xb] =	wrdreg s26;
	s26 =	simm.s32 $0x5100  }
.LBB2_1:
0x1e: {  	s15 =	rddreg [dreg:$0x4]  }
0x1f: {  	[tilespmem:s3], [sflag:$0x3] =	stream.linear.gather [hbm4b:s15+s3], $0x80, $0x38;
	[tilespmem:$0x10100] =	vst v63  }
0x20: {  	_ =	swait.ge [sflag:s5], $0x80  }
0x21: {  	[sflag:s5] =	ssyncset.done $0x0  }
0x22: {  	[sflag:s5] =	ssyncadd.s32 $0xFFFFFF80  }
0x23: {  	v4 =	vld [tilespmem:$0x0];
	_ =	sdelay $0x2  }
0x24: {  	v5 =	vld [tilespmem:$0x10]  }
0x25: {  	v6 =	vld [tilespmem:$0x20]  }
0x26: {  	v7 =	vld [tilespmem:$0x30];
	v4 =	vadd.s32 v0, v4  }
0x27: {  	v8 =	vld [tilespmem:$0x40];
	v9 =	vshll.u32 v4, $0x1  }
0x28: {  	v10 =	vld [tilespmem:$0x50];
	v11 =	vand.u32 $0x7, v4;
	v9 =	vand.u32 $0xFFFFFFF0, v9  }
0x29: {  	[tilespmem:$0x0] =	vst v4;
	v4 =	vadd.s32 v0, v5;
	v5 =	vld [tilespmem:$0x60];
	v9 =	vor.u32 v11, v9  }
0x2a: {  	v34 =	vld [tilespmem:$0x70];
	[tilespmem:$0x10] =	vst v4;
	v4 =	vadd.s32 v0, v6;
	v11 =	vperm.xlane v9, v1  }
0x2b: {  	[tilespmem:$0x20] =	vst v4;
	v4 =	vadd.s32 v0, v7  }
0x2c: {  	[tilespmem:$0x30] =	vst v4;
	v4 =	vadd.s32 v0, v8;
	v36 =	vperm.xlane v9, v3;
	v35 =	vadd.s32 v2, v11  }
0x2d: {  	[tilespmem:$0x40] =	vst v4;
	v4 =	vadd.s32 v0, v10  }
0x2e: {  	[tilespmem:$0x50] =	vst v4;
	v4 =	vadd.s32 v0, v5;
	v5 =	vadd.s32 v2, v36  }
0x2f: {  	[tilespmem:$0x60] =	vst v4;
	v4 =	vadd.s32 v0, v34  }
0x30: {  	s0 =	simm.s32 $0x100;
	[tilespmem:$0x70] =	vst v4  }
0x31: {  	[tilespmem:s0], [sflag:$0x1] =	stream.indirect_vreg.gather [hbm4b:s2+s3], $0x80, v35, vm0, $0xb8;
	[tilespmem:$0x10100] =	vst v63  }
0x32: {  	_ = 	snop  }
0x33: {  	[tilespmem:s16], [sflag:$0x1] =	stream.indirect_vreg.gather [hbm4b:s2+s3], $0x80, v5, vm0, $0xb8;
	[tilespmem:$0x10100] =	vst v63  }
0x34: {  	v4 =	vld [tilespmem:$0x10];
	_ =	sdelay $0x4  }
0x35: {  	v5 =	vshll.u32 v4, $0x1  }
0x36: {  	v4 =	vand.u32 $0x7, v4;
	v5 =	vand.u32 $0xFFFFFFF0, v5  }
0x37: {  	v4 =	vor.u32 v4, v5  }
0x38: {  	v5 =	vperm.xlane v4, v1;
	_ =	sdelay $0x1  }
0x39: {  	v4 =	vperm.xlane v4, v3;
	v5 =	vadd.s32 v2, v5;
	_ =	sdelay $0x1  }
0x3a: {  	v4 =	vadd.s32 v2, v4;
	_ =	sdelay $0x2  }
0x3b: {  	[tilespmem:s17], [sflag:$0x1] =	stream.indirect_vreg.gather [hbm4b:s2+s3], $0x80, v5, vm0, $0xb8;
	[tilespmem:$0x10100] =	vst v63  }
0x3c: {  	_ = 	snop  }
0x3d: {  	[tilespmem:s18], [sflag:$0x1] =	stream.indirect_vreg.gather [hbm4b:s2+s3], $0x80, v4, vm0, $0xb8;
	[tilespmem:$0x10100] =	vst v63  }
0x3e: {  	v4 =	vld [tilespmem:$0x20];
	_ =	sdelay $0x4  }
0x3f: {  	v5 =	vshll.u32 v4, $0x1  }
0x40: {  	v4 =	vand.u32 $0x7, v4;
	v5 =	vand.u32 $0xFFFFFFF0, v5  }
0x41: {  	v4 =	vor.u32 v4, v5  }
0x42: {  	v5 =	vperm.xlane v4, v1;
	_ =	sdelay $0x1  }
0x43: {  	v4 =	vperm.xlane v4, v3;
	v5 =	vadd.s32 v2, v5;
	_ =	sdelay $0x1  }
0x44: {  	v4 =	vadd.s32 v2, v4;
	_ =	sdelay $0x2  }
0x45: {  	[tilespmem:s19], [sflag:$0x1] =	stream.indirect_vreg.gather [hbm4b:s2+s3], $0x80, v5, vm0, $0xb8;
	[tilespmem:$0x10100] =	vst v63  }
0x46: {  	_ = 	snop  }
0x47: {  	[tilespmem:s20], [sflag:$0x1] =	stream.indirect_vreg.gather [hbm4b:s2+s3], $0x80, v4, vm0, $0xb8;
	[tilespmem:$0x10100] =	vst v63  }
0x48: {  	v4 =	vld [tilespmem:$0x30];
	_ =	sdelay $0x4  }
0x49: {  	v5 =	vshll.u32 v4, $0x1  }
0x4a: {  	v4 =	vand.u32 $0x7, v4;
	v5 =	vand.u32 $0xFFFFFFF0, v5  }
0x4b: {  	v4 =	vor.u32 v4, v5  }
0x4c: {  	v5 =	vperm.xlane v4, v1;
	_ =	sdelay $0x1  }
0x4d: {  	v4 =	vperm.xlane v4, v3;
	v5 =	vadd.s32 v2, v5;
	_ =	sdelay $0x1  }
0x4e: {  	v4 =	vadd.s32 v2, v4;
	_ =	sdelay $0x2  }
0x4f: {  	[tilespmem:s21], [sflag:$0x1] =	stream.indirect_vreg.gather [hbm4b:s2+s3], $0x80, v5, vm0, $0xb8;
	[tilespmem:$0x10100] =	vst v63  }
0x50: {  	_ = 	snop  }
0x51: {  	[tilespmem:s22], [sflag:$0x1] =	stream.indirect_vreg.gather [hbm4b:s2+s3], $0x80, v4, vm0, $0xb8;
	[tilespmem:$0x10100] =	vst v63  }
0x52: {  	v4 =	vld [tilespmem:$0x40];
	_ =	sdelay $0x4  }
0x53: {  	v5 =	vshll.u32 v4, $0x1  }
0x54: {  	v4 =	vand.u32 $0x7, v4;
	v5 =	vand.u32 $0xFFFFFFF0, v5  }
0x55: {  	v4 =	vor.u32 v4, v5  }
0x56: {  	v5 =	vperm.xlane v4, v1;
	_ =	sdelay $0x1  }
0x57: {  	v4 =	vperm.xlane v4, v3;
	v5 =	vadd.s32 v2, v5;
	_ =	sdelay $0x1  }
0x58: {  	v4 =	vadd.s32 v2, v4;
	_ =	sdelay $0x2  }
0x59: {  	[tilespmem:s24], [sflag:$0x1] =	stream.indirect_vreg.gather [hbm4b:s2+s3], $0x80, v5, vm0, $0xb8;
	[tilespmem:$0x10100] =	vst v63  }
0x5a: {  	_ = 	snop  }
0x5b: {  	[tilespmem:s25], [sflag:$0x1] =	stream.indirect_vreg.gather [hbm4b:s2+s3], $0x80, v4, vm0, $0xb8;
	[tilespmem:$0x10100] =	vst v63  }
0x5c: {  	v4 =	vld [tilespmem:$0x50];
	_ =	sdelay $0x4  }
0x5d: {  	v5 =	vshll.u32 v4, $0x1  }
0x5e: {  	v4 =	vand.u32 $0x7, v4;
	v5 =	vand.u32 $0xFFFFFFF0, v5  }
0x5f: {  	v4 =	vor.u32 v4, v5  }
0x60: {  	v5 =	vperm.xlane v4, v1;
	_ =	sdelay $0x1  }
0x61: {  	v4 =	vperm.xlane v4, v3;
	v5 =	vadd.s32 v2, v5;
	_ =	sdelay $0x1  }
0x62: {  	v4 =	vadd.s32 v2, v4;
	_ =	sdelay $0x2  }
0x63: {  	[tilespmem:s26], [sflag:$0x1] =	stream.indirect_vreg.gather [hbm4b:s2+s3], $0x80, v5, vm0, $0xb8;
	[tilespmem:$0x10100] =	vst v63  }
0x64: {  	_ = 	snop  }
0x65: {  	[tilespmem:s28], [sflag:$0x1] =	stream.indirect_vreg.gather [hbm4b:s2+s3], $0x80, v4, vm0, $0xb8;
	[tilespmem:$0x10100] =	vst v63  }
0x66: {  	v4 =	vld [tilespmem:$0x60];
	_ =	sdelay $0x4  }
0x67: {  	v5 =	vshll.u32 v4, $0x1  }
0x68: {  	v4 =	vand.u32 $0x7, v4;
	v5 =	vand.u32 $0xFFFFFFF0, v5  }
0x69: {  	v4 =	vor.u32 v4, v5  }
0x6a: {  	v5 =	vperm.xlane v4, v1;
	_ =	sdelay $0x1  }
0x6b: {  	v4 =	vperm.xlane v4, v3;
	v5 =	vadd.s32 v2, v5;
	_ =	sdelay $0x1  }
0x6c: {  	v4 =	vadd.s32 v2, v4;
	_ =	sdelay $0x2  }
0x6d: {  	[tilespmem:s29], [sflag:$0x1] =	stream.indirect_vreg.gather [hbm4b:s2+s3], $0x80, v5, vm0, $0xb8;
	[tilespmem:$0x10100] =	vst v63  }
0x6e: {  	_ = 	snop  }
0x6f: {  	[tilespmem:s30], [sflag:$0x1] =	stream.indirect_vreg.gather [hbm4b:s2+s3], $0x80, v4, vm0, $0xb8;
	[tilespmem:$0x10100] =	vst v63  }
0x70: {  	v4 =	vld [tilespmem:$0x70];
	_ =	sdelay $0x4  }
0x71: {  	v5 =	vshll.u32 v4, $0x1  }
0x72: {  	v4 =	vand.u32 $0x7, v4;
	v5 =	vand.u32 $0xFFFFFFF0, v5  }
0x73: {  	v4 =	vor.u32 v4, v5  }
0x74: {  	v5 =	vperm.xlane v4, v1;
	_ =	sdelay $0x1  }
0x75: {  	v4 =	vperm.xlane v4, v3;
	v5 =	vadd.s32 v2, v5;
	_ =	sdelay $0x1  }
0x76: {  	v4 =	vadd.s32 v2, v4;
	_ =	sdelay $0x2  }
0x77: {  	[tilespmem:s31], [sflag:$0x1] =	stream.indirect_vreg.gather [hbm4b:s2+s3], $0x80, v5, vm0, $0xb8;
	[tilespmem:$0x10100] =	vst v63  }
0x78: {  	s1 =	simm.s32 $0x7900  }
0x79: {  	[tilespmem:s1], [sflag:$0x1] =	stream.indirect_vreg.gather [hbm4b:s2+s3], $0x80, v4, vm0, $0xb8;
	[tilespmem:$0x10100] =	vst v63  }
0x7a: {  	s0 =	rddreg [dreg:$0x5]  }
0x7b: {  	[tilespmem:s23], [sflag:$0x3] =	stream.linear.gather [hbm4b:s0+s3], $0x80, $0x38;
	[tilespmem:$0x10100] =	vst v63  }
0x7c: {  	_ =	swait.ge [sflag:s5], $0x80  }
0x7d: {  	[sflag:s5] =	ssyncset.done $0x0  }
0x7e: {  	[sflag:s5] =	ssyncadd.s32 $0xFFFFFF80  }
0x7f: {  	v4 =	vld [tilespmem:$0x80];
	_ =	sdelay $0x2  }
0x80: {  	v5 =	vld [tilespmem:$0x90]  }
0x81: {  	v37 =	vld [tilespmem:$0xA0]  }
0x82: {  	v38 =	vld [tilespmem:$0xB0];
	v4 =	vadd.s32 v0, v4  }
0x83: {  	v39 =	vld [tilespmem:$0xC0];
	v40 =	vshll.u32 v4, $0x1  }
0x84: {  	v41 =	vld [tilespmem:$0xD0];
	v42 =	vand.u32 $0x7, v4;
	v9 =	vand.u32 $0xFFFFFFF0, v40  }
0x85: {  	[tilespmem:$0x80] =	vst v4;
	v4 =	vadd.s32 v0, v5;
	v5 =	vld [tilespmem:$0xE0];
	v9 =	vor.u32 v42, v9  }
0x86: {  	v43 =	vld [tilespmem:$0xF0];
	[tilespmem:$0x90] =	vst v4;
	v4 =	vadd.s32 v0, v37;
	v11 =	vperm.xlane v9, v1  }
0x87: {  	[tilespmem:$0xA0] =	vst v4;
	v4 =	vadd.s32 v0, v38  }
0x88: {  	[tilespmem:$0xB0] =	vst v4;
	v4 =	vadd.s32 v0, v39;
	v45 =	vperm.xlane v9, v3;
	v44 =	vadd.s32 v2, v11  }
0x89: {  	[tilespmem:$0xC0] =	vst v4;
	v4 =	vadd.s32 v0, v41  }
0x8a: {  	[tilespmem:$0xD0] =	vst v4;
	v4 =	vadd.s32 v0, v5;
	v5 =	vadd.s32 v2, v45  }
0x8b: {  	[tilespmem:$0xE0] =	vst v4;
	v4 =	vadd.s32 v0, v43  }
0x8c: {  	s0 =	simm.s32 $0x8100;
	[tilespmem:$0xF0] =	vst v4  }
0x8d: {  	[tilespmem:s0], [sflag:$0x1] =	stream.indirect_vreg.gather [hbm4b:s2+s3], $0x80, v44, vm0, $0xb8;
	[tilespmem:$0x10100] =	vst v63  }
0x8e: {  	_ = 	snop  }
0x8f: {  	[tilespmem:s7], [sflag:$0x1] =	stream.indirect_vreg.gather [hbm4b:s2+s3], $0x80, v5, vm0, $0xb8;
	[tilespmem:$0x10100] =	vst v63  }
0x90: {  	v4 =	vld [tilespmem:$0x90];
	_ =	sdelay $0x4  }
0x91: {  	v5 =	vshll.u32 v4, $0x1  }
0x92: {  	v4 =	vand.u32 $0x7, v4;
	v5 =	vand.u32 $0xFFFFFFF0, v5  }
0x93: {  	v4 =	vor.u32 v4, v5  }
0x94: {  	v5 =	vperm.xlane v4, v1;
	_ =	sdelay $0x1  }
0x95: {  	v4 =	vperm.xlane v4, v3;
	v5 =	vadd.s32 v2, v5;
	_ =	sdelay $0x1  }
0x96: {  	v4 =	vadd.s32 v2, v4;
	_ =	sdelay $0x2  }
0x97: {  	[tilespmem:s8], [sflag:$0x1] =	stream.indirect_vreg.gather [hbm4b:s2+s3], $0x80, v5, vm0, $0xb8;
	[tilespmem:$0x10100] =	vst v63  }
0x98: {  	_ = 	snop  }
0x99: {  	[tilespmem:s9], [sflag:$0x1] =	stream.indirect_vreg.gather [hbm4b:s2+s3], $0x80, v4, vm0, $0xb8;
	[tilespmem:$0x10100] =	vst v63  }
0x9a: {  	v4 =	vld [tilespmem:$0xA0];
	_ =	sdelay $0x4  }
0x9b: {  	v5 =	vshll.u32 v4, $0x1  }
0x9c: {  	v4 =	vand.u32 $0x7, v4;
	v5 =	vand.u32 $0xFFFFFFF0, v5  }
0x9d: {  	v4 =	vor.u32 v4, v5  }
0x9e: {  	v5 =	vperm.xlane v4, v1;
	_ =	sdelay $0x1  }
0x9f: {  	v4 =	vperm.xlane v4, v3;
	v5 =	vadd.s32 v2, v5;
	_ =	sdelay $0x1  }
0xa0: {  	v4 =	vadd.s32 v2, v4;
	_ =	sdelay $0x2  }
0xa1: {  	[tilespmem:s10], [sflag:$0x1] =	stream.indirect_vreg.gather [hbm4b:s2+s3], $0x80, v5, vm0, $0xb8;
	[tilespmem:$0x10100] =	vst v63  }
0xa2: {  	_ = 	snop  }
0xa3: {  	[tilespmem:s11], [sflag:$0x1] =	stream.indirect_vreg.gather [hbm4b:s2+s3], $0x80, v4, vm0, $0xb8;
	[tilespmem:$0x10100] =	vst v63  }
0xa4: {  	v4 =	vld [tilespmem:$0xB0];
	_ =	sdelay $0x4  }
0xa5: {  	v5 =	vshll.u32 v4, $0x1  }
0xa6: {  	v4 =	vand.u32 $0x7, v4;
	v5 =	vand.u32 $0xFFFFFFF0, v5  }
0xa7: {  	v4 =	vor.u32 v4, v5  }
0xa8: {  	v5 =	vperm.xlane v4, v1;
	_ =	sdelay $0x1  }
0xa9: {  	v4 =	vperm.xlane v4, v3;
	v5 =	vadd.s32 v2, v5;
	_ =	sdelay $0x1  }
0xaa: {  	v4 =	vadd.s32 v2, v4;
	_ =	sdelay $0x2  }
0xab: {  	[tilespmem:s12], [sflag:$0x1] =	stream.indirect_vreg.gather [hbm4b:s2+s3], $0x80, v5, vm0, $0xb8;
	[tilespmem:$0x10100] =	vst v63  }
0xac: {  	s15 =	simm.s32 $0xB900  }
0xad: {  	[tilespmem:s15], [sflag:$0x1] =	stream.indirect_vreg.gather [hbm4b:s2+s3], $0x80, v4, vm0, $0xb8;
	[tilespmem:$0x10100] =	vst v63  }
0xae: {  	v4 =	vld [tilespmem:$0xC0];
	_ =	sdelay $0x4  }
0xaf: {  	v5 =	vshll.u32 v4, $0x1  }
0xb0: {  	v4 =	vand.u32 $0x7, v4;
	v5 =	vand.u32 $0xFFFFFFF0, v5  }
0xb1: {  	v4 =	vor.u32 v4, v5  }
0xb2: {  	v5 =	vperm.xlane v4, v1;
	_ =	sdelay $0x1  }
0xb3: {  	v4 =	vperm.xlane v4, v3;
	v5 =	vadd.s32 v2, v5;
	_ =	sdelay $0x1  }
0xb4: {  	v4 =	vadd.s32 v2, v4;
	_ =	sdelay $0x1  }
0xb5: {  	s15 =	simm.s32 $0xC100  }
0xb6: {  	[tilespmem:s15], [sflag:$0x1] =	stream.indirect_vreg.gather [hbm4b:s2+s3], $0x80, v5, vm0, $0xb8;
	[tilespmem:$0x10100] =	vst v63  }
0xb7: {  	s15 =	simm.s32 $0xC900  }
0xb8: {  	[tilespmem:s15], [sflag:$0x1] =	stream.indirect_vreg.gather [hbm4b:s2+s3], $0x80, v4, vm0, $0xb8;
	[tilespmem:$0x10100] =	vst v63  }
0xb9: {  	v4 =	vld [tilespmem:$0xD0];
	_ =	sdelay $0x4  }
0xba: {  	v5 =	vshll.u32 v4, $0x1  }
0xbb: {  	v4 =	vand.u32 $0x7, v4;
	v5 =	vand.u32 $0xFFFFFFF0, v5  }
0xbc: {  	v4 =	vor.u32 v4, v5  }
0xbd: {  	v5 =	vperm.xlane v4, v1;
	_ =	sdelay $0x1  }
0xbe: {  	v4 =	vperm.xlane v4, v3;
	v5 =	vadd.s32 v2, v5;
	_ =	sdelay $0x1  }
0xbf: {  	v4 =	vadd.s32 v2, v4;
	_ =	sdelay $0x1  }
0xc0: {  	s15 =	simm.s32 $0xD100  }
0xc1: {  	[tilespmem:s15], [sflag:$0x1] =	stream.indirect_vreg.gather [hbm4b:s2+s3], $0x80, v5, vm0, $0xb8;
	[tilespmem:$0x10100] =	vst v63  }
0xc2: {  	s15 =	simm.s32 $0xD900  }
0xc3: {  	[tilespmem:s15], [sflag:$0x1] =	stream.indirect_vreg.gather [hbm4b:s2+s3], $0x80, v4, vm0, $0xb8;
	[tilespmem:$0x10100] =	vst v63  }
0xc4: {  	v4 =	vld [tilespmem:$0xE0];
	_ =	sdelay $0x4  }
0xc5: {  	v5 =	vshll.u32 v4, $0x1  }
0xc6: {  	v4 =	vand.u32 $0x7, v4;
	v5 =	vand.u32 $0xFFFFFFF0, v5  }
0xc7: {  	v4 =	vor.u32 v4, v5  }
0xc8: {  	v5 =	vperm.xlane v4, v1;
	_ =	sdelay $0x1  }
0xc9: {  	v4 =	vperm.xlane v4, v3;
	v5 =	vadd.s32 v2, v5;
	_ =	sdelay $0x1  }
0xca: {  	v4 =	vadd.s32 v2, v4;
	_ =	sdelay $0x1  }
0xcb: {  	s15 =	simm.s32 $0xE100  }
0xcc: {  	[tilespmem:s15], [sflag:$0x1] =	stream.indirect_vreg.gather [hbm4b:s2+s3], $0x80, v5, vm0, $0xb8;
	[tilespmem:$0x10100] =	vst v63  }
0xcd: {  	s15 =	simm.s32 $0xE900  }
0xce: {  	[tilespmem:s15], [sflag:$0x1] =	stream.indirect_vreg.gather [hbm4b:s2+s3], $0x80, v4, vm0, $0xb8;
	[tilespmem:$0x10100] =	vst v63  }
0xcf: {  	v4 =	vld [tilespmem:$0xF0];
	_ =	sdelay $0x4  }
0xd0: {  	v5 =	vshll.u32 v4, $0x1  }
0xd1: {  	v4 =	vand.u32 $0x7, v4;
	v5 =	vand.u32 $0xFFFFFFF0, v5  }
0xd2: {  	v4 =	vor.u32 v4, v5  }
0xd3: {  	v5 =	vperm.xlane v4, v1;
	_ =	sdelay $0x1  }
0xd4: {  	v4 =	vperm.xlane v4, v3;
	v5 =	vadd.s32 v2, v5;
	_ =	sdelay $0x1  }
0xd5: {  	v4 =	vadd.s32 v2, v4;
	_ =	sdelay $0x1  }
0xd6: {  	s15 =	simm.s32 $0xF100  }
0xd7: {  	[tilespmem:s15], [sflag:$0x1] =	stream.indirect_vreg.gather [hbm4b:s2+s3], $0x80, v5, vm0, $0xb8;
	[tilespmem:$0x10100] =	vst v63  }
0xd8: {  	s15 =	simm.s32 $0xF900  }
0xd9: {  	[tilespmem:s15], [sflag:$0x1] =	stream.indirect_vreg.gather [hbm4b:s2+s3], $0x80, v4, vm0, $0xb8;
	[tilespmem:$0x10100] =	vst v63  }
0xda: {  	_ =	swait.ge [sflag:s13], $0x8000  }
0xdb: {  	[sflag:s13] =	ssyncset.done $0x0  }
0xdc: {  	s6 =	simm.s32 $0x100;
	s15 =	rddreg [dreg:$0x6];
	[sflag:s13] =	ssyncadd.s32 $0xFFFF8000  }
0xdd: {  	[hbm4b:s15+s3] =	stream.linear.scatter [tilespmem:s6], [sflag:$0x2], $0x8000, $0x38;
	[tilespmem:$0x10100] =	vst v63  }
0xde: {  	_ =	swait.ge [sflag:s14], $0x8000  }
0xdf: {  	[sflag:s14] =	ssyncset.done $0x0  }
0xe0: {  	s15 =	rddreg [dreg:$0x7];
	[sflag:s14] =	ssyncadd.s32 $0xFFFF8000  }
0xe1: {  	[tilespmem:s3], [sflag:$0x3] =	stream.linear.gather [hbm4b:s15+s3], $0x80, $0x38;
	[tilespmem:$0x10100] =	vst v63  }
0xe2: {  	_ =	swait.ge [sflag:s5], $0x80  }
0xe3: {  	[sflag:s5] =	ssyncset.done $0x0  }
0xe4: {  	[sflag:s5] =	ssyncadd.s32 $0xFFFFFF80  }
0xe5: {  	v4 =	vld [tilespmem:$0x0];
	_ =	sdelay $0x2  }
0xe6: {  	v5 =	vld [tilespmem:$0x10]  }
0xe7: {  	v46 =	vld [tilespmem:$0x20]  }
0xe8: {  	v47 =	vld [tilespmem:$0x30];
	v4 =	vadd.s32 v0, v4  }
0xe9: {  	v48 =	vld [tilespmem:$0x40];
	v49 =	vshll.u32 v4, $0x1  }
0xea: {  	v50 =	vld [tilespmem:$0x50];
	v51 =	vand.u32 $0x7, v4;
	v9 =	vand.u32 $0xFFFFFFF0, v49  }
0xeb: {  	[tilespmem:$0x0] =	vst v4;
	v4 =	vadd.s32 v0, v5;
	v5 =	vld [tilespmem:$0x60];
	v9 =	vor.u32 v51, v9  }
0xec: {  	v52 =	vld [tilespmem:$0x70];
	[tilespmem:$0x10] =	vst v4;
	v4 =	vadd.s32 v0, v46;
	v11 =	vperm.xlane v9, v1  }
0xed: {  	[tilespmem:$0x20] =	vst v4;
	v4 =	vadd.s32 v0, v47  }
0xee: {  	[tilespmem:$0x30] =	vst v4;
	v4 =	vadd.s32 v0, v48;
	v54 =	vperm.xlane v9, v3;
	v53 =	vadd.s32 v2, v11  }
0xef: {  	[tilespmem:$0x40] =	vst v4;
	v4 =	vadd.s32 v0, v50  }
0xf0: {  	[tilespmem:$0x50] =	vst v4;
	v4 =	vadd.s32 v0, v5;
	v5 =	vadd.s32 v2, v54  }
0xf1: {  	[tilespmem:$0x60] =	vst v4;
	v4 =	vadd.s32 v0, v52  }
0xf2: {  	[tilespmem:$0x70] =	vst v4  }
0xf3: {  	[tilespmem:s6], [sflag:$0x1] =	stream.indirect_vreg.gather [hbm4b:s2+s3], $0x80, v53, vm0, $0xb8;
	[tilespmem:$0x10100] =	vst v63  }
0xf4: {  	_ = 	snop  }
0xf5: {  	[tilespmem:s16], [sflag:$0x1] =	stream.indirect_vreg.gather [hbm4b:s2+s3], $0x80, v5, vm0, $0xb8;
	[tilespmem:$0x10100] =	vst v63  }
0xf6: {  	v4 =	vld [tilespmem:$0x10];
	_ =	sdelay $0x4  }
0xf7: {  	v5 =	vshll.u32 v4, $0x1  }
0xf8: {  	v4 =	vand.u32 $0x7, v4;
	v5 =	vand.u32 $0xFFFFFFF0, v5  }
0xf9: {  	v4 =	vor.u32 v4, v5  }
0xfa: {  	v5 =	vperm.xlane v4, v1;
	_ =	sdelay $0x1  }
0xfb: {  	v4 =	vperm.xlane v4, v3;
	v5 =	vadd.s32 v2, v5;
	_ =	sdelay $0x1  }
0xfc: {  	v4 =	vadd.s32 v2, v4;
	_ =	sdelay $0x2  }
0xfd: {  	[tilespmem:s17], [sflag:$0x1] =	stream.indirect_vreg.gather [hbm4b:s2+s3], $0x80, v5, vm0, $0xb8;
	[tilespmem:$0x10100] =	vst v63  }
0xfe: {  	_ = 	snop  }
0xff: {  	[tilespmem:s18], [sflag:$0x1] =	stream.indirect_vreg.gather [hbm4b:s2+s3], $0x80, v4, vm0, $0xb8;
	[tilespmem:$0x10100] =	vst v63  }
0x100: {  	v4 =	vld [tilespmem:$0x20];
	_ =	sdelay $0x4  }
0x101: {  	v5 =	vshll.u32 v4, $0x1  }
0x102: {  	v4 =	vand.u32 $0x7, v4;
	v5 =	vand.u32 $0xFFFFFFF0, v5  }
0x103: {  	v4 =	vor.u32 v4, v5  }
0x104: {  	v5 =	vperm.xlane v4, v1;
	_ =	sdelay $0x1  }
0x105: {  	v4 =	vperm.xlane v4, v3;
	v5 =	vadd.s32 v2, v5;
	_ =	sdelay $0x1  }
0x106: {  	v4 =	vadd.s32 v2, v4;
	_ =	sdelay $0x2  }
0x107: {  	[tilespmem:s19], [sflag:$0x1] =	stream.indirect_vreg.gather [hbm4b:s2+s3], $0x80, v5, vm0, $0xb8;
	[tilespmem:$0x10100] =	vst v63  }
0x108: {  	_ = 	snop  }
0x109: {  	[tilespmem:s20], [sflag:$0x1] =	stream.indirect_vreg.gather [hbm4b:s2+s3], $0x80, v4, vm0, $0xb8;
	[tilespmem:$0x10100] =	vst v63  }
0x10a: {  	v4 =	vld [tilespmem:$0x30];
	_ =	sdelay $0x4  }
0x10b: {  	v5 =	vshll.u32 v4, $0x1  }
0x10c: {  	v4 =	vand.u32 $0x7, v4;
	v5 =	vand.u32 $0xFFFFFFF0, v5  }
0x10d: {  	v4 =	vor.u32 v4, v5  }
0x10e: {  	v5 =	vperm.xlane v4, v1;
	_ =	sdelay $0x1  }
0x10f: {  	v4 =	vperm.xlane v4, v3;
	v5 =	vadd.s32 v2, v5;
	_ =	sdelay $0x1  }
0x110: {  	v4 =	vadd.s32 v2, v4;
	_ =	sdelay $0x2  }
0x111: {  	[tilespmem:s21], [sflag:$0x1] =	stream.indirect_vreg.gather [hbm4b:s2+s3], $0x80, v5, vm0, $0xb8;
	[tilespmem:$0x10100] =	vst v63  }
0x112: {  	_ = 	snop  }
0x113: {  	[tilespmem:s22], [sflag:$0x1] =	stream.indirect_vreg.gather [hbm4b:s2+s3], $0x80, v4, vm0, $0xb8;
	[tilespmem:$0x10100] =	vst v63  }
0x114: {  	v4 =	vld [tilespmem:$0x40];
	_ =	sdelay $0x4  }
0x115: {  	v5 =	vshll.u32 v4, $0x1  }
0x116: {  	v4 =	vand.u32 $0x7, v4;
	v5 =	vand.u32 $0xFFFFFFF0, v5  }
0x117: {  	v4 =	vor.u32 v4, v5  }
0x118: {  	v5 =	vperm.xlane v4, v1;
	_ =	sdelay $0x1  }
0x119: {  	v4 =	vperm.xlane v4, v3;
	v5 =	vadd.s32 v2, v5;
	_ =	sdelay $0x1  }
0x11a: {  	v4 =	vadd.s32 v2, v4;
	_ =	sdelay $0x2  }
0x11b: {  	[tilespmem:s24], [sflag:$0x1] =	stream.indirect_vreg.gather [hbm4b:s2+s3], $0x80, v5, vm0, $0xb8;
	[tilespmem:$0x10100] =	vst v63  }
0x11c: {  	_ = 	snop  }
0x11d: {  	[tilespmem:s25], [sflag:$0x1] =	stream.indirect_vreg.gather [hbm4b:s2+s3], $0x80, v4, vm0, $0xb8;
	[tilespmem:$0x10100] =	vst v63  }
0x11e: {  	v4 =	vld [tilespmem:$0x50];
	_ =	sdelay $0x4  }
0x11f: {  	v5 =	vshll.u32 v4, $0x1  }
0x120: {  	v4 =	vand.u32 $0x7, v4;
	v5 =	vand.u32 $0xFFFFFFF0, v5  }
0x121: {  	v4 =	vor.u32 v4, v5  }
0x122: {  	v5 =	vperm.xlane v4, v1;
	_ =	sdelay $0x1  }
0x123: {  	v4 =	vperm.xlane v4, v3;
	v5 =	vadd.s32 v2, v5;
	_ =	sdelay $0x1  }
0x124: {  	v4 =	vadd.s32 v2, v4;
	_ =	sdelay $0x2  }
0x125: {  	[tilespmem:s26], [sflag:$0x1] =	stream.indirect_vreg.gather [hbm4b:s2+s3], $0x80, v5, vm0, $0xb8;
	[tilespmem:$0x10100] =	vst v63  }
0x126: {  	_ = 	snop  }
0x127: {  	[tilespmem:s28], [sflag:$0x1] =	stream.indirect_vreg.gather [hbm4b:s2+s3], $0x80, v4, vm0, $0xb8;
	[tilespmem:$0x10100] =	vst v63  }
0x128: {  	v4 =	vld [tilespmem:$0x60];
	_ =	sdelay $0x4  }
0x129: {  	v5 =	vshll.u32 v4, $0x1  }
0x12a: {  	v4 =	vand.u32 $0x7, v4;
	v5 =	vand.u32 $0xFFFFFFF0, v5  }
0x12b: {  	v4 =	vor.u32 v4, v5  }
0x12c: {  	v5 =	vperm.xlane v4, v1;
	_ =	sdelay $0x1  }
0x12d: {  	v4 =	vperm.xlane v4, v3;
	v5 =	vadd.s32 v2, v5;
	_ =	sdelay $0x1  }
0x12e: {  	v4 =	vadd.s32 v2, v4;
	_ =	sdelay $0x2  }
0x12f: {  	[tilespmem:s29], [sflag:$0x1] =	stream.indirect_vreg.gather [hbm4b:s2+s3], $0x80, v5, vm0, $0xb8;
	[tilespmem:$0x10100] =	vst v63  }
0x130: {  	_ = 	snop  }
0x131: {  	[tilespmem:s30], [sflag:$0x1] =	stream.indirect_vreg.gather [hbm4b:s2+s3], $0x80, v4, vm0, $0xb8;
	[tilespmem:$0x10100] =	vst v63  }
0x132: {  	v4 =	vld [tilespmem:$0x70];
	_ =	sdelay $0x4  }
0x133: {  	v5 =	vshll.u32 v4, $0x1  }
0x134: {  	v4 =	vand.u32 $0x7, v4;
	v5 =	vand.u32 $0xFFFFFFF0, v5  }
0x135: {  	v4 =	vor.u32 v4, v5  }
0x136: {  	v5 =	vperm.xlane v4, v1;
	_ =	sdelay $0x1  }
0x137: {  	v4 =	vperm.xlane v4, v3;
	v5 =	vadd.s32 v2, v5;
	_ =	sdelay $0x1  }
0x138: {  	v4 =	vadd.s32 v2, v4;
	_ =	sdelay $0x2  }
0x139: {  	[tilespmem:s31], [sflag:$0x1] =	stream.indirect_vreg.gather [hbm4b:s2+s3], $0x80, v5, vm0, $0xb8;
	[tilespmem:$0x10100] =	vst v63  }
0x13a: {  	_ = 	snop  }
0x13b: {  	[tilespmem:s1], [sflag:$0x1] =	stream.indirect_vreg.gather [hbm4b:s2+s3], $0x80, v4, vm0, $0xb8;
	[tilespmem:$0x10100] =	vst v63  }
0x13c: {  	_ =	swait.ge [sflag:s13], $0x8000  }
0x13d: {  	[sflag:s13] =	ssyncset.done $0x0  }
0x13e: {  	s1 =	rddreg [dreg:$0x8];
	[sflag:s13] =	ssyncadd.s32 $0xFFFF8000  }
0x13f: {  	[hbm4b:s1+s3] =	stream.linear.scatter [tilespmem:s0], [sflag:$0x2], $0x8000, $0x38;
	[tilespmem:$0x10100] =	vst v63  }
0x140: {  	_ =	swait.ge [sflag:s14], $0x8000  }
0x141: {  	[sflag:s14] =	ssyncset.done $0x0  }
0x142: {  	s1 =	rddreg [dreg:$0x9];
	[sflag:s14] =	ssyncadd.s32 $0xFFFF8000  }
0x143: {  	[tilespmem:s23], [sflag:$0x3] =	stream.linear.gather [hbm4b:s1+s3], $0x80, $0x38;
	[tilespmem:$0x10100] =	vst v63  }
0x144: {  	_ =	swait.ge [sflag:s5], $0x80  }
0x145: {  	[sflag:s5] =	ssyncset.done $0x0  }
0x146: {  	[sflag:s5] =	ssyncadd.s32 $0xFFFFFF80  }
0x147: {  	v4 =	vld [tilespmem:$0x80];
	_ =	sdelay $0x2  }
0x148: {  	v5 =	vld [tilespmem:$0x90]  }
0x149: {  	v55 =	vld [tilespmem:$0xA0]  }
0x14a: {  	v56 =	vld [tilespmem:$0xB0];
	v4 =	vadd.s32 v0, v4  }
0x14b: {  	v57 =	vld [tilespmem:$0xC0];
	v58 =	vshll.u32 v4, $0x1  }
0x14c: {  	v59 =	vld [tilespmem:$0xD0];
	v60 =	vand.u32 $0x7, v4;
	v9 =	vand.u32 $0xFFFFFFF0, v58  }
0x14d: {  	[tilespmem:$0x80] =	vst v4;
	v4 =	vadd.s32 v0, v5;
	v5 =	vld [tilespmem:$0xE0];
	v9 =	vor.u32 v60, v9  }
0x14e: {  	v61 =	vld [tilespmem:$0xF0];
	[tilespmem:$0x90] =	vst v4;
	v4 =	vadd.s32 v0, v55;
	v11 =	vperm.xlane v9, v1  }
0x14f: {  	[tilespmem:$0xA0] =	vst v4;
	v4 =	vadd.s32 v0, v56  }
0x150: {  	[tilespmem:$0xB0] =	vst v4;
	v4 =	vadd.s32 v0, v57;
	v63 =	vperm.xlane v9, v3;
	v62 =	vadd.s32 v2, v11  }
0x151: {  	[tilespmem:$0xC0] =	vst v4;
	v4 =	vadd.s32 v0, v59  }
0x152: {  	[tilespmem:$0xD0] =	vst v4;
	v4 =	vadd.s32 v0, v5;
	v5 =	vadd.s32 v2, v63  }
0x153: {  	[tilespmem:$0xE0] =	vst v4;
	v4 =	vadd.s32 v0, v61  }
0x154: {  	[tilespmem:$0xF0] =	vst v4  }
0x155: {  	[tilespmem:s0], [sflag:$0x1] =	stream.indirect_vreg.gather [hbm4b:s2+s3], $0x80, v62, vm0, $0xb8;
	[tilespmem:$0x10100] =	vst v63  }
0x156: {  	_ = 	snop  }
0x157: {  	[tilespmem:s7], [sflag:$0x1] =	stream.indirect_vreg.gather [hbm4b:s2+s3], $0x80, v5, vm0, $0xb8;
	[tilespmem:$0x10100] =	vst v63  }
0x158: {  	v4 =	vld [tilespmem:$0x90];
	_ =	sdelay $0x4  }
0x159: {  	v5 =	vshll.u32 v4, $0x1  }
0x15a: {  	v4 =	vand.u32 $0x7, v4;
	v5 =	vand.u32 $0xFFFFFFF0, v5  }
0x15b: {  	v4 =	vor.u32 v4, v5  }
0x15c: {  	v5 =	vperm.xlane v4, v1;
	_ =	sdelay $0x1  }
0x15d: {  	v4 =	vperm.xlane v4, v3;
	v5 =	vadd.s32 v2, v5;
	_ =	sdelay $0x1  }
0x15e: {  	v4 =	vadd.s32 v2, v4;
	_ =	sdelay $0x2  }
0x15f: {  	[tilespmem:s8], [sflag:$0x1] =	stream.indirect_vreg.gather [hbm4b:s2+s3], $0x80, v5, vm0, $0xb8;
	[tilespmem:$0x10100] =	vst v63  }
0x160: {  	_ = 	snop  }
0x161: {  	[tilespmem:s9], [sflag:$0x1] =	stream.indirect_vreg.gather [hbm4b:s2+s3], $0x80, v4, vm0, $0xb8;
	[tilespmem:$0x10100] =	vst v63  }
0x162: {  	v4 =	vld [tilespmem:$0xA0];
	_ =	sdelay $0x4  }
0x163: {  	v5 =	vshll.u32 v4, $0x1  }
0x164: {  	v4 =	vand.u32 $0x7, v4;
	v5 =	vand.u32 $0xFFFFFFF0, v5  }
0x165: {  	v4 =	vor.u32 v4, v5  }
0x166: {  	v5 =	vperm.xlane v4, v1;
	_ =	sdelay $0x1  }
0x167: {  	v4 =	vperm.xlane v4, v3;
	v5 =	vadd.s32 v2, v5;
	_ =	sdelay $0x1  }
0x168: {  	v4 =	vadd.s32 v2, v4;
	_ =	sdelay $0x2  }
0x169: {  	[tilespmem:s10], [sflag:$0x1] =	stream.indirect_vreg.gather [hbm4b:s2+s3], $0x80, v5, vm0, $0xb8;
	[tilespmem:$0x10100] =	vst v63  }
0x16a: {  	_ = 	snop  }
0x16b: {  	[tilespmem:s11], [sflag:$0x1] =	stream.indirect_vreg.gather [hbm4b:s2+s3], $0x80, v4, vm0, $0xb8;
	[tilespmem:$0x10100] =	vst v63  }
0x16c: {  	v4 =	vld [tilespmem:$0xB0];
	_ =	sdelay $0x4  }
0x16d: {  	v5 =	vshll.u32 v4, $0x1  }
0x16e: {  	v4 =	vand.u32 $0x7, v4;
	v5 =	vand.u32 $0xFFFFFFF0, v5  }
0x16f: {  	v4 =	vor.u32 v4, v5  }
0x170: {  	v5 =	vperm.xlane v4, v1;
	_ =	sdelay $0x1  }
0x171: {  	v4 =	vperm.xlane v4, v3;
	v5 =	vadd.s32 v2, v5;
	_ =	sdelay $0x1  }
0x172: {  	v4 =	vadd.s32 v2, v4;
	_ =	sdelay $0x2  }
0x173: {  	[tilespmem:s12], [sflag:$0x1] =	stream.indirect_vreg.gather [hbm4b:s2+s3], $0x80, v5, vm0, $0xb8;
	[tilespmem:$0x10100] =	vst v63  }
0x174: {  	s15 =	simm.s32 $0xB900  }
0x175: {  	[tilespmem:s15], [sflag:$0x1] =	stream.indirect_vreg.gather [hbm4b:s2+s3], $0x80, v4, vm0, $0xb8;
	[tilespmem:$0x10100] =	vst v63  }
0x176: {  	v4 =	vld [tilespmem:$0xC0];
	_ =	sdelay $0x4  }
0x177: {  	v5 =	vshll.u32 v4, $0x1  }
0x178: {  	v4 =	vand.u32 $0x7, v4;
	v5 =	vand.u32 $0xFFFFFFF0, v5  }
0x179: {  	v4 =	vor.u32 v4, v5  }
0x17a: {  	v5 =	vperm.xlane v4, v1;
	_ =	sdelay $0x1  }
0x17b: {  	v4 =	vperm.xlane v4, v3;
	v5 =	vadd.s32 v2, v5;
	_ =	sdelay $0x1  }
0x17c: {  	v4 =	vadd.s32 v2, v4;
	_ =	sdelay $0x1  }
0x17d: {  	s15 =	simm.s32 $0xC100  }
0x17e: {  	[tilespmem:s15], [sflag:$0x1] =	stream.indirect_vreg.gather [hbm4b:s2+s3], $0x80, v5, vm0, $0xb8;
	[tilespmem:$0x10100] =	vst v63  }
0x17f: {  	s15 =	simm.s32 $0xC900  }
0x180: {  	[tilespmem:s15], [sflag:$0x1] =	stream.indirect_vreg.gather [hbm4b:s2+s3], $0x80, v4, vm0, $0xb8;
	[tilespmem:$0x10100] =	vst v63  }
0x181: {  	v4 =	vld [tilespmem:$0xD0];
	_ =	sdelay $0x4  }
0x182: {  	v5 =	vshll.u32 v4, $0x1  }
0x183: {  	v4 =	vand.u32 $0x7, v4;
	v5 =	vand.u32 $0xFFFFFFF0, v5  }
0x184: {  	v4 =	vor.u32 v4, v5  }
0x185: {  	v5 =	vperm.xlane v4, v1;
	_ =	sdelay $0x1  }
0x186: {  	v4 =	vperm.xlane v4, v3;
	v5 =	vadd.s32 v2, v5;
	_ =	sdelay $0x1  }
0x187: {  	v4 =	vadd.s32 v2, v4;
	_ =	sdelay $0x1  }
0x188: {  	s15 =	simm.s32 $0xD100  }
0x189: {  	[tilespmem:s15], [sflag:$0x1] =	stream.indirect_vreg.gather [hbm4b:s2+s3], $0x80, v5, vm0, $0xb8;
	[tilespmem:$0x10100] =	vst v63  }
0x18a: {  	s15 =	simm.s32 $0xD900  }
0x18b: {  	[tilespmem:s15], [sflag:$0x1] =	stream.indirect_vreg.gather [hbm4b:s2+s3], $0x80, v4, vm0, $0xb8;
	[tilespmem:$0x10100] =	vst v63  }
0x18c: {  	v4 =	vld [tilespmem:$0xE0];
	_ =	sdelay $0x4  }
0x18d: {  	v5 =	vshll.u32 v4, $0x1  }
0x18e: {  	v4 =	vand.u32 $0x7, v4;
	v5 =	vand.u32 $0xFFFFFFF0, v5  }
0x18f: {  	v4 =	vor.u32 v4, v5  }
0x190: {  	v5 =	vperm.xlane v4, v1;
	_ =	sdelay $0x1  }
0x191: {  	v4 =	vperm.xlane v4, v3;
	v5 =	vadd.s32 v2, v5;
	_ =	sdelay $0x1  }
0x192: {  	v4 =	vadd.s32 v2, v4;
	_ =	sdelay $0x1  }
0x193: {  	s15 =	simm.s32 $0xE100  }
0x194: {  	[tilespmem:s15], [sflag:$0x1] =	stream.indirect_vreg.gather [hbm4b:s2+s3], $0x80, v5, vm0, $0xb8;
	[tilespmem:$0x10100] =	vst v63  }
0x195: {  	s15 =	simm.s32 $0xE900  }
0x196: {  	[tilespmem:s15], [sflag:$0x1] =	stream.indirect_vreg.gather [hbm4b:s2+s3], $0x80, v4, vm0, $0xb8;
	[tilespmem:$0x10100] =	vst v63  }
0x197: {  	v4 =	vld [tilespmem:$0xF0];
	_ =	sdelay $0x4  }
0x198: {  	v5 =	vshll.u32 v4, $0x1  }
0x199: {  	v4 =	vand.u32 $0x7, v4;
	v5 =	vand.u32 $0xFFFFFFF0, v5  }
0x19a: {  	v4 =	vor.u32 v4, v5  }
0x19b: {  	v5 =	vperm.xlane v4, v1;
	_ =	sdelay $0x1  }
0x19c: {  	v4 =	vperm.xlane v4, v3;
	v5 =	vadd.s32 v2, v5;
	_ =	sdelay $0x1  }
0x19d: {  	v4 =	vadd.s32 v2, v4;
	_ =	sdelay $0x1  }
0x19e: {  	s15 =	simm.s32 $0xF100  }
0x19f: {  	[tilespmem:s15], [sflag:$0x1] =	stream.indirect_vreg.gather [hbm4b:s2+s3], $0x80, v5, vm0, $0xb8;
	[tilespmem:$0x10100] =	vst v63  }
0x1a0: {  	s15 =	simm.s32 $0xF900  }
0x1a1: {  	[tilespmem:s15], [sflag:$0x1] =	stream.indirect_vreg.gather [hbm4b:s2+s3], $0x80, v4, vm0, $0xb8;
	[tilespmem:$0x10100] =	vst v63  }
0x1a2: {  	_ =	swait.ge [sflag:s13], $0x8000  }
0x1a3: {  	[sflag:s13] =	ssyncset.done $0x0  }
0x1a4: {  	s6 =	simm.s32 $0x100;
	s1 =	rddreg [dreg:$0xa];
	[sflag:s13] =	ssyncadd.s32 $0xFFFF8000  }
0x1a5: {  	[hbm4b:s1+s3] =	stream.linear.scatter [tilespmem:s6], [sflag:$0x2], $0x8000, $0x38;
	[tilespmem:$0x10100] =	vst v63  }
0x1a6: {  	_ =	swait.ge [sflag:s13], $0x8000  }
0x1a7: {  	[sflag:s13] =	ssyncset.done $0x0  }
0x1a8: {  	s6 =	rddreg [dreg:$0xb];
	[sflag:s13] =	ssyncadd.s32 $0xFFFF8000  }
0x1a9: {  	[hbm4b:s6+s3] =	stream.linear.scatter [tilespmem:s0], [sflag:$0x2], $0x8000, $0x38;
	[tilespmem:$0x10100] =	vst v63  }
0x1aa: {  	p0 =	sne.s32 s4, $0x1;
	_ =	swait.ge [sflag:s14], $0x8000  }
.Ltmp0:
0x1ab: {  	[sflag:s14] =	ssyncset.done $0x0;
	(pc) =	sbr.rel @p0 .LBB2_1-.Ltmp0, $4  }
0x1ac: {  	[sflag:s14] =	ssyncadd.s32 $0xFFFF8000  }
0x1ad: {  	_ =	swait.ge [sflag:s14], $0x8000  }
0x1ae: {  	[sflag:s14] =	ssyncset.done $0x0  }
0x1af: {  	s4 =	sadd.s32 $0xFFFFFFFF, s4;
	[sflag:s14] =	ssyncadd.s32 $0xFFFF8000  }
0x1b0: {  	_ =	sfence.sel $0x180000  }
0x1b1: {  	[bflag:$0x0] =	sbarrier.arrive $0xFFFF  }
0x1b2: {  	_ =	strace $0x9000004A  }
0x1b3: {  	s0 =	stileid.u32;
	[bflag:$0x2] =	sbarrier.arrive $0xFFFF  }
0x1b4: {  	p0 =	sne.s32 s0, $0x0;
	s0 =	rddreg [dreg:$0x3]  }
0x1b5: {  	s0 =	sadd.s32 @!p0 $0x100000, s0  }
0x1b6: {  	[sflag:s0] =	ssyncadd.tile.s32 @!p0 $0x1;
	_ =	shalt  }
.Lfunc_end2:
_tile_overlayer_lowered:
.L_overlay_start_2:
0x1b7: {  	(tag) =	ssettag $0x2  }
0x1b8: {  	s0 =	rddreg [dreg:$0x0];
	s2 =	stileid.u32  }
0x1b9: {  	s1 =	rddreg [dreg:$0x1];
	p0 =	sne.s32 s2, $0x0  }
0x1ba: {  	s3 =	rddreg [dreg:$0x2];
	[bflag:$0x3] =	sbarrier.arrive $0xFFFF;
	s2 =	simm.s32 @!p0 $0x1C03  }
0x1bb: {  	[timem:s3], [sflag:s2] =	dma.local @!p0 [hbm:s0], s1  }
0x1bc: {  	s0 =	simm.s32 @!p0 $0x3  }
0x1bd: {  	_ =	swait.ge @!p0 [sflag:s0], s1  }
0x1be: {  	s1 =	ssub.s32 @!p0 $0x0, s1;
	[sflag:s0] =	ssyncset.done @!p0 $0x0  }
0x1bf: {  	[sflag:s0] =	ssyncadd.s32 @!p0 s1  }
0x1c0: {  	[bflag:$0x3] =	sbarrier.arrive $0xFFFF  }
0x1c1: {  	_ =	shalt  }

</sc_bundles>
